<compile_context>
chip_gen: v7x
topology: tpu7x:2x2x1
jax: 0.10.2.dev20260603
libtpu: 0.0.44.dev20260713+nightly
codegen_flags: <defaults>
</compile_context>

<pallas_src>
import functools

import jax
import jax.numpy as jnp
from jax import lax
from jax.experimental import pallas as pl
from jax.experimental.pallas import tpu as pltpu
from jax.experimental.pallas import tpu_sc as plsc

_LANES = 16
_PADW = 4
_TILE = 128
_T = 20


@functools.lru_cache(maxsize=None)
def _build(N: int, E: int, interpret: bool):
    try:
        info = plsc.get_sparse_core_info()
        NC, NS = info.num_cores, info.num_subcores
    except ValueError:
        NC, NS = 2, 16
    NW = NC * NS
    assert NW == 32
    assert E % (_TILE * _T) == 0, E
    NT = E // _TILE
    NCH = NT // _T
    C = _T * _TILE
    M = C // _LANES
    assert NCH // NW >= 4

    mesh = plsc.VectorSubcoreMesh(
        core_axis_name="c", subcore_axis_name="s", num_cores=NC, num_subcores=NS)

    vm = pltpu.VMEM
    dma = pltpu.SemaphoreType.DMA

    @functools.partial(
        pl.kernel,
        mesh=mesh,
        out_type=jax.ShapeDtypeStruct((NT, 4, _TILE), jnp.float32),
        scratch_types=(
            [vm((C,), jnp.int32)] * 4
            + [vm((C, _PADW), jnp.float32)] * 4
            + [vm((_T, 4, _TILE), jnp.float32)] * 2
            + [dma] * 8
        ),
        compiler_params=pltpu.CompilerParams(
            use_tc_tiling_on_sc=False, needs_layout_passes=False),
        interpret=interpret,
    )
    def k(pos_hbm, ii_hbm, ij_hbm, off_hbm, out_hbm,
          ii0, ij0, ii1, ij1, pi0, pj0, pi1, pj1, io0, io1,
          sx0, sx1, sg0, sg1, so0, so1, su0, su1):
        sets = ((ii0, ij0, pi0, pj0, io0, sx0, sg0, so0, su0),
                (ii1, ij1, pi1, pj1, io1, sx1, sg1, so1, su1))

        wid = lax.axis_index("s") * NC + lax.axis_index("c")
        c_lo = lax.shift_right_logical(wid * NCH, 5)
        c_hi = lax.shift_right_logical((wid + 1) * NCH, 5)
        n = c_hi - c_lo

        def issue_idx(c, S):
            pltpu.async_copy(ii_hbm.at[pl.ds(c * C, C)], S[0], S[5])
            pltpu.async_copy(ij_hbm.at[pl.ds(c * C, C)], S[1], S[5])

        def wait_idx(S):
            pltpu.make_async_copy(ii_hbm.at[pl.ds(0, C)], S[0], S[5]).wait()
            pltpu.make_async_copy(ij_hbm.at[pl.ds(0, C)], S[1], S[5]).wait()

        def issue_gath(S):
            pltpu.async_copy(pos_hbm.at[S[0]], S[2], S[6])
            pltpu.async_copy(pos_hbm.at[S[1]], S[3], S[6])

        def issue_off(c, S):
            pltpu.async_copy(off_hbm.at[pl.ds(c * _T, _T)], S[4], S[7])

        def wait_gath_off(S):
            pltpu.make_async_copy(pos_hbm.at[S[0]], S[2], S[6]).wait()
            pltpu.make_async_copy(pos_hbm.at[S[1]], S[3], S[6]).wait()
            pltpu.make_async_copy(off_hbm.at[pl.ds(0, _T)], S[4], S[7]).wait()

        def issue_out(c, S):
            pltpu.async_copy(S[4], out_hbm.at[pl.ds(c * _T, _T)], S[8])

        def wait_out(S):
            pltpu.make_async_copy(
                S[4], out_hbm.at[pl.ds(0, _T)], S[8]).wait()

        def compute(S):
            pos_i_v, pos_j_v, io_v = S[2], S[3], S[4]

            def group_body(m, _):
                tt = lax.shift_right_logical(m, 3)
                lo = 16 * (m & 7)
                e_vec = m * _LANES + lax.iota(jnp.int32, _LANES)
                for s in range(3):
                    k_vec = jnp.broadcast_to(jnp.int32(s), (_LANES,))
                    pi = plsc.load_gather(pos_i_v, [e_vec, k_vec])
                    pj = plsc.load_gather(pos_j_v, [e_vec, k_vec])
                    io_v[tt, s, pl.ds(lo, _LANES)] = (
                        pj - pi + io_v[tt, s, pl.ds(lo, _LANES)])
                return 0

            lax.fori_loop(0, M, group_body, 0, unroll=2)

        def iteration(c, p, first):
            S, Q = sets[p], sets[1 - p]
            wait_gath_off(S)

            @pl.when(c + 1 < c_hi)
            def _():
                wait_idx(Q)
                if not first:
                    wait_out(Q)
                issue_off(c + 1, Q)

            @pl.when(c + 2 < c_hi)
            def _():
                issue_idx(c + 2, S)

            compute(S)

            @pl.when(c + 1 < c_hi)
            def _():
                issue_gath(Q)

            issue_out(c, S)

        issue_idx(c_lo, sets[0])
        wait_idx(sets[0])
        issue_gath(sets[0])
        issue_off(c_lo, sets[0])
        issue_idx(c_lo + 1, sets[1])
        iteration(c_lo, 0, True)

        def pair_body(kk, _):
            i1 = 1 + 2 * kk
            iteration(c_lo + i1, 1, False)
            iteration(c_lo + i1 + 1, 0, False)
            return 0

        lax.fori_loop(0, lax.shift_right_logical(n - 1, 1), pair_body, 0,
                      unroll=False)

        @pl.when((n & 1) == 0)
        def _():
            iteration(c_hi - 1, 1, False)

        wait_out(sets[0])
        wait_out(sets[1])

    return k


def kernel(positions, indeces_i, indeces_j, offsets):
    N, _ = positions.shape
    E = indeces_i.shape[0]
    pos_pad = jnp.pad(positions, ((0, 0), (0, _PADW - positions.shape[1])))
    off_t = (jnp.pad(offsets, ((0, 0), (0, 1)))
             .reshape(E // _TILE, _TILE, 4)
             .transpose(0, 2, 1))
    k = _build(N, E, False)
    out_t = k(
        pos_pad,
        indeces_i.astype(jnp.int32),
        indeces_j.astype(jnp.int32),
        off_t,
    )
    return out_t.transpose(0, 2, 1).reshape(E, 4)[:, :3]

# --- scband reference (transcript-rebuilt; emitter-appended) ---
"""Pipeline reference for scband-pairwise-distances-index-select-48026324304301 (READ-ONLY COPY).

The authoritative reference and input builder live on the scoring server;
editing this copy changes nothing except your own understanding.
"""

import jax, jax.numpy as jnp
import numpy as np


def setup_inputs(seed: int = 0) -> dict:
    key = jax.random.key(seed)
    k1, k2, k3, k4 = jax.random.split(key, 4)
    N = 100000
    E = 3200000
    positions = jax.random.normal(k1, (N, 3), dtype=jnp.float32)
    indeces_i = jax.random.randint(k2, (E,), 0, N, dtype=jnp.int64 if jax.config.jax_enable_x64 else jnp.int32)
    indeces_j = jax.random.randint(k3, (E,), 0, N, dtype=jnp.int64 if jax.config.jax_enable_x64 else jnp.int32)
    offsets = jax.random.normal(k4, (E, 3), dtype=jnp.float32)
    return {"positions": positions, "indeces_i": indeces_i, "indeces_j": indeces_j, "offsets": offsets}


def reference(positions, indeces_i, indeces_j, offsets):
    # torch.index_select(positions, 0, idx) -> jnp.take(positions, idx, axis=0)
    pos_i = jnp.take(positions, indeces_i, axis=0)
    pos_j = jnp.take(positions, indeces_j, axis=0)
    Rij = pos_j - pos_i + offsets
    return Rij

if __name__ == "__main__":
    import jax
    _d = setup_inputs()
    print(jax.jit(kernel)(*tuple(_d.values())))

</pallas_src>

<mosaic_0001>
#map = affine_map<(d0, d1) -> (0, 0)>
#map1 = affine_map<(d0, d1) -> (0)>
#map2 = affine_map<(d0, d1) -> (0, 0, 0)>
module attributes {stable_mosaic.version = 14 : i64} {
  func.func @k(%arg0: i32, %arg1: i32, %arg2: memref<100000x4xf32, #tpu.memory_space<hbm>>, %arg3: memref<3200000xi32, #tpu.memory_space<hbm>>, %arg4: memref<3200000xi32, #tpu.memory_space<hbm>>, %arg5: memref<25000x4x128xf32, #tpu.memory_space<hbm>>, %arg6: memref<25000x4x128xf32, #tpu.memory_space<hbm>>, %arg7: memref<2560xi32, #tpu.memory_space<vmem>>, %arg8: memref<2560xi32, #tpu.memory_space<vmem>>, %arg9: memref<2560xi32, #tpu.memory_space<vmem>>, %arg10: memref<2560xi32, #tpu.memory_space<vmem>>, %arg11: memref<2560x4xf32, #tpu.memory_space<vmem>>, %arg12: memref<2560x4xf32, #tpu.memory_space<vmem>>, %arg13: memref<2560x4xf32, #tpu.memory_space<vmem>>, %arg14: memref<2560x4xf32, #tpu.memory_space<vmem>>, %arg15: memref<20x4x128xf32, #tpu.memory_space<vmem>>, %arg16: memref<20x4x128xf32, #tpu.memory_space<vmem>>, %arg17: memref<!tpu.dma_semaphore, #tpu.memory_space<semaphore_mem>>, %arg18: memref<!tpu.dma_semaphore, #tpu.memory_space<semaphore_mem>>, %arg19: memref<!tpu.dma_semaphore, #tpu.memory_space<semaphore_mem>>, %arg20: memref<!tpu.dma_semaphore, #tpu.memory_space<semaphore_mem>>, %arg21: memref<!tpu.dma_semaphore, #tpu.memory_space<semaphore_mem>>, %arg22: memref<!tpu.dma_semaphore, #tpu.memory_space<semaphore_mem>>, %arg23: memref<!tpu.dma_semaphore, #tpu.memory_space<semaphore_mem>>, %arg24: memref<!tpu.dma_semaphore, #tpu.memory_space<semaphore_mem>>) attributes {dimension_semantics = [#tpu.dimension_semantics<core_parallel>, #tpu.dimension_semantics<subcore_parallel>], iteration_bounds = array<i64: 2, 16>, scalar_prefetch = 0 : i64, scratch_operands = 18 : i64, tpu.core_type = #tpu.core_type<sc_vector_subcore>, window_params = [{transform_indices = #map}, {transform_indices = #map1}, {transform_indices = #map1}, {transform_indices = #map2}, {transform_indices = #map2}]} {
    %mul3A = arith.constant 2 : i32
    %mul3A_0 = arith.muli %arg1, %mul3A : i32
    %add3A = arith.addi %mul3A_0, %arg0 : i32
    %mul3A_1 = arith.constant 1250 : i32
    %mul3A_2 = arith.muli %add3A, %mul3A_1 : i32
    %shift_right_logical3A = arith.constant 5 : i32
    %shift_right_logical3A_3 = arith.shrui %mul3A_2, %shift_right_logical3A : i32
    %add3A_4 = arith.constant 1 : i32
    %add3A_5 = arith.addi %add3A, %add3A_4 : i32
    %mul3A_6 = arith.constant 1250 : i32
    %mul3A_7 = arith.muli %add3A_5, %mul3A_6 : i32
    %shift_right_logical3A_8 = arith.constant 5 : i32
    %shift_right_logical3A_9 = arith.shrui %mul3A_7, %shift_right_logical3A_8 : i32
    %sub3A = arith.subi %shift_right_logical3A_9, %shift_right_logical3A_3 : i32
    %mul3A_10 = arith.constant 2560 : i32
    %mul3A_11 = arith.muli %shift_right_logical3A_3, %mul3A_10 : i32
    %dma_start3A = tpu.memref_slice %arg3[%mul3A_11] : memref<3200000xi32, #tpu.memory_space<hbm>> -> memref<2560xi32, #tpu.memory_space<hbm>>
    %dma_start3A_12 = tpu.memref_slice %arg3[%mul3A_11] : memref<3200000xi32, #tpu.memory_space<hbm>> -> memref<2560xi32, #tpu.memory_space<hbm>>
    tpu.enqueue_dma source(%dma_start3A_12 : memref<2560xi32, #tpu.memory_space<hbm>>) target(%arg7 : memref<2560xi32, #tpu.memory_space<vmem>>) target_semaphore(%arg17 : memref<!tpu.dma_semaphore, #tpu.memory_space<semaphore_mem>>)
    %mul3A_13 = arith.constant 2560 : i32
    %mul3A_14 = arith.muli %shift_right_logical3A_3, %mul3A_13 : i32
    %dma_start3A_15 = tpu.memref_slice %arg4[%mul3A_14] : memref<3200000xi32, #tpu.memory_space<hbm>> -> memref<2560xi32, #tpu.memory_space<hbm>>
    %dma_start3A_16 = tpu.memref_slice %arg4[%mul3A_14] : memref<3200000xi32, #tpu.memory_space<hbm>> -> memref<2560xi32, #tpu.memory_space<hbm>>
    tpu.enqueue_dma source(%dma_start3A_16 : memref<2560xi32, #tpu.memory_space<hbm>>) target(%arg8 : memref<2560xi32, #tpu.memory_space<vmem>>) target_semaphore(%arg17 : memref<!tpu.dma_semaphore, #tpu.memory_space<semaphore_mem>>)
    %dma_wait3A = arith.constant 0 : i32
    %dma_wait3A_17 = tpu.memref_slice %arg3[%dma_wait3A] : memref<3200000xi32, #tpu.memory_space<hbm>> -> memref<2560xi32, #tpu.memory_space<hbm>>
    %dma_wait3A_18 = arith.constant 0 : i32
    %dma_wait3A_19 = tpu.memref_slice %arg3[%dma_wait3A_18] : memref<3200000xi32, #tpu.memory_space<hbm>> -> memref<2560xi32, #tpu.memory_space<hbm>>
    tpu.wait_dma2 semaphore(%arg17 : memref<!tpu.dma_semaphore, #tpu.memory_space<semaphore_mem>>) src(%dma_wait3A_19 : memref<2560xi32, #tpu.memory_space<hbm>>) dst(%arg7 : memref<2560xi32, #tpu.memory_space<vmem>>)
    %dma_wait3A_20 = arith.constant 0 : i32
    %dma_wait3A_21 = tpu.memref_slice %arg4[%dma_wait3A_20] : memref<3200000xi32, #tpu.memory_space<hbm>> -> memref<2560xi32, #tpu.memory_space<hbm>>
    %dma_wait3A_22 = arith.constant 0 : i32
    %dma_wait3A_23 = tpu.memref_slice %arg4[%dma_wait3A_22] : memref<3200000xi32, #tpu.memory_space<hbm>> -> memref<2560xi32, #tpu.memory_space<hbm>>
    tpu.wait_dma2 semaphore(%arg17 : memref<!tpu.dma_semaphore, #tpu.memory_space<semaphore_mem>>) src(%dma_wait3A_23 : memref<2560xi32, #tpu.memory_space<hbm>>) dst(%arg8 : memref<2560xi32, #tpu.memory_space<vmem>>)
    %dma_start3A_24 = arith.constant 0 : i32
    %dma_start3A_25 = arith.constant 0 : i32
    %dma_start3A_26 = tpu.memref_slice %arg2[%dma_start3A_24, %dma_start3A_25] : memref<100000x4xf32, #tpu.memory_space<hbm>> -> memref<100000x4xf32, #tpu.memory_space<hbm>>
    tpu.enqueue_indirect_dma source(%dma_start3A_26 : memref<100000x4xf32, #tpu.memory_space<hbm>>) target(%arg11 : memref<2560x4xf32, #tpu.memory_space<vmem>>) offsets(%arg7 : memref<2560xi32, #tpu.memory_space<vmem>>) semaphore(%arg19 : memref<!tpu.dma_semaphore, #tpu.memory_space<semaphore_mem>>)
    %dma_start3A_27 = arith.constant 0 : i32
    %dma_start3A_28 = arith.constant 0 : i32
    %dma_start3A_29 = tpu.memref_slice %arg2[%dma_start3A_27, %dma_start3A_28] : memref<100000x4xf32, #tpu.memory_space<hbm>> -> memref<100000x4xf32, #tpu.memory_space<hbm>>
    tpu.enqueue_indirect_dma source(%dma_start3A_29 : memref<100000x4xf32, #tpu.memory_space<hbm>>) target(%arg12 : memref<2560x4xf32, #tpu.memory_space<vmem>>) offsets(%arg8 : memref<2560xi32, #tpu.memory_space<vmem>>) semaphore(%arg19 : memref<!tpu.dma_semaphore, #tpu.memory_space<semaphore_mem>>)
    %mul3A_30 = arith.constant 20 : i32
    %mul3A_31 = arith.muli %shift_right_logical3A_3, %mul3A_30 : i32
    %dma_start3A_32 = arith.constant 0 : i32
    %dma_start3A_33 = arith.constant 0 : i32
    %dma_start3A_34 = tpu.memref_slice %arg5[%mul3A_31, %dma_start3A_32, %dma_start3A_33] : memref<25000x4x128xf32, #tpu.memory_space<hbm>> -> memref<20x4x128xf32, #tpu.memory_space<hbm>>
    %dma_start3A_35 = arith.constant 0 : i32
    %dma_start3A_36 = arith.constant 0 : i32
    %dma_start3A_37 = tpu.memref_slice %arg5[%mul3A_31, %dma_start3A_35, %dma_start3A_36] : memref<25000x4x128xf32, #tpu.memory_space<hbm>> -> memref<20x4x128xf32, #tpu.memory_space<hbm>>
    tpu.enqueue_dma source(%dma_start3A_37 : memref<20x4x128xf32, #tpu.memory_space<hbm>>) target(%arg15 : memref<20x4x128xf32, #tpu.memory_space<vmem>>) target_semaphore(%arg21 : memref<!tpu.dma_semaphore, #tpu.memory_space<semaphore_mem>>)
    %add3A_38 = arith.constant 1 : i32
    %add3A_39 = arith.addi %shift_right_logical3A_3, %add3A_38 : i32
    %mul3A_40 = arith.constant 2560 : i32
    %mul3A_41 = arith.muli %add3A_39, %mul3A_40 : i32
    %dma_start3A_42 = tpu.memref_slice %arg3[%mul3A_41] : memref<3200000xi32, #tpu.memory_space<hbm>> -> memref<2560xi32, #tpu.memory_space<hbm>>
    %dma_start3A_43 = tpu.memref_slice %arg3[%mul3A_41] : memref<3200000xi32, #tpu.memory_space<hbm>> -> memref<2560xi32, #tpu.memory_space<hbm>>
    tpu.enqueue_dma source(%dma_start3A_43 : memref<2560xi32, #tpu.memory_space<hbm>>) target(%arg9 : memref<2560xi32, #tpu.memory_space<vmem>>) target_semaphore(%arg18 : memref<!tpu.dma_semaphore, #tpu.memory_space<semaphore_mem>>)
    %mul3A_44 = arith.constant 2560 : i32
    %mul3A_45 = arith.muli %add3A_39, %mul3A_44 : i32
    %dma_start3A_46 = tpu.memref_slice %arg4[%mul3A_45] : memref<3200000xi32, #tpu.memory_space<hbm>> -> memref<2560xi32, #tpu.memory_space<hbm>>
    %dma_start3A_47 = tpu.memref_slice %arg4[%mul3A_45] : memref<3200000xi32, #tpu.memory_space<hbm>> -> memref<2560xi32, #tpu.memory_space<hbm>>
    tpu.enqueue_dma source(%dma_start3A_47 : memref<2560xi32, #tpu.memory_space<hbm>>) target(%arg10 : memref<2560xi32, #tpu.memory_space<vmem>>) target_semaphore(%arg18 : memref<!tpu.dma_semaphore, #tpu.memory_space<semaphore_mem>>)
    %dma_wait3A_48 = arith.constant 0 : i32
    %dma_wait3A_49 = arith.constant 0 : i32
    %dma_wait3A_50 = tpu.memref_slice %arg2[%dma_wait3A_48, %dma_wait3A_49] : memref<100000x4xf32, #tpu.memory_space<hbm>> -> memref<100000x4xf32, #tpu.memory_space<hbm>>
    tpu.wait_indirect_dma semaphore(%arg19 : memref<!tpu.dma_semaphore, #tpu.memory_space<semaphore_mem>>) src(%dma_wait3A_50 : memref<100000x4xf32, #tpu.memory_space<hbm>>) dst(%arg11 : memref<2560x4xf32, #tpu.memory_space<vmem>>)
    %dma_wait3A_51 = arith.constant 0 : i32
    %dma_wait3A_52 = arith.constant 0 : i32
    %dma_wait3A_53 = tpu.memref_slice %arg2[%dma_wait3A_51, %dma_wait3A_52] : memref<100000x4xf32, #tpu.memory_space<hbm>> -> memref<100000x4xf32, #tpu.memory_space<hbm>>
    tpu.wait_indirect_dma semaphore(%arg19 : memref<!tpu.dma_semaphore, #tpu.memory_space<semaphore_mem>>) src(%dma_wait3A_53 : memref<100000x4xf32, #tpu.memory_space<hbm>>) dst(%arg12 : memref<2560x4xf32, #tpu.memory_space<vmem>>)
    %dma_wait3A_54 = arith.constant 0 : i32
    %dma_wait3A_55 = arith.constant 0 : i32
    %dma_wait3A_56 = arith.constant 0 : i32
    %dma_wait3A_57 = tpu.memref_slice %arg5[%dma_wait3A_54, %dma_wait3A_55, %dma_wait3A_56] : memref<25000x4x128xf32, #tpu.memory_space<hbm>> -> memref<20x4x128xf32, #tpu.memory_space<hbm>>
    %dma_wait3A_58 = arith.constant 0 : i32
    %dma_wait3A_59 = arith.constant 0 : i32
    %dma_wait3A_60 = arith.constant 0 : i32
    %dma_wait3A_61 = tpu.memref_slice %arg5[%dma_wait3A_58, %dma_wait3A_59, %dma_wait3A_60] : memref<25000x4x128xf32, #tpu.memory_space<hbm>> -> memref<20x4x128xf32, #tpu.memory_space<hbm>>
    tpu.wait_dma2 semaphore(%arg21 : memref<!tpu.dma_semaphore, #tpu.memory_space<semaphore_mem>>) src(%dma_wait3A_61 : memref<20x4x128xf32, #tpu.memory_space<hbm>>) dst(%arg15 : memref<20x4x128xf32, #tpu.memory_space<vmem>>)
    %add3A_62 = arith.constant 1 : i32
    %add3A_63 = arith.addi %shift_right_logical3A_3, %add3A_62 : i32
    %lt3A = arith.cmpi slt, %add3A_63, %shift_right_logical3A_9 : i32
    %convert_element_type3A = arith.extui %lt3A : i1 to i32
    %cond3A = arith.constant 0 : i32
    %cond3A_64 = arith.cmpi ne, %convert_element_type3A, %cond3A : i32
    scf.if %cond3A_64 {
      %dma_wait3A_127 = arith.constant 0 : i32
      %dma_wait3A_128 = tpu.memref_slice %arg3[%dma_wait3A_127] : memref<3200000xi32, #tpu.memory_space<hbm>> -> memref<2560xi32, #tpu.memory_space<hbm>>
      %dma_wait3A_129 = arith.constant 0 : i32
      %dma_wait3A_130 = tpu.memref_slice %arg3[%dma_wait3A_129] : memref<3200000xi32, #tpu.memory_space<hbm>> -> memref<2560xi32, #tpu.memory_space<hbm>>
      tpu.wait_dma2 semaphore(%arg18 : memref<!tpu.dma_semaphore, #tpu.memory_space<semaphore_mem>>) src(%dma_wait3A_130 : memref<2560xi32, #tpu.memory_space<hbm>>) dst(%arg9 : memref<2560xi32, #tpu.memory_space<vmem>>)
      %dma_wait3A_131 = arith.constant 0 : i32
      %dma_wait3A_132 = tpu.memref_slice %arg4[%dma_wait3A_131] : memref<3200000xi32, #tpu.memory_space<hbm>> -> memref<2560xi32, #tpu.memory_space<hbm>>
      %dma_wait3A_133 = arith.constant 0 : i32
      %dma_wait3A_134 = tpu.memref_slice %arg4[%dma_wait3A_133] : memref<3200000xi32, #tpu.memory_space<hbm>> -> memref<2560xi32, #tpu.memory_space<hbm>>
      tpu.wait_dma2 semaphore(%arg18 : memref<!tpu.dma_semaphore, #tpu.memory_space<semaphore_mem>>) src(%dma_wait3A_134 : memref<2560xi32, #tpu.memory_space<hbm>>) dst(%arg10 : memref<2560xi32, #tpu.memory_space<vmem>>)
      %add3A_135 = arith.constant 1 : i32
      %add3A_136 = arith.addi %shift_right_logical3A_3, %add3A_135 : i32
      %mul3A_137 = arith.constant 20 : i32
      %mul3A_138 = arith.muli %add3A_136, %mul3A_137 : i32
      %dma_start3A_139 = arith.constant 0 : i32
      %dma_start3A_140 = arith.constant 0 : i32
      %dma_start3A_141 = tpu.memref_slice %arg5[%mul3A_138, %dma_start3A_139, %dma_start3A_140] : memref<25000x4x128xf32, #tpu.memory_space<hbm>> -> memref<20x4x128xf32, #tpu.memory_space<hbm>>
      %dma_start3A_142 = arith.constant 0 : i32
      %dma_start3A_143 = arith.constant 0 : i32
      %dma_start3A_144 = tpu.memref_slice %arg5[%mul3A_138, %dma_start3A_142, %dma_start3A_143] : memref<25000x4x128xf32, #tpu.memory_space<hbm>> -> memref<20x4x128xf32, #tpu.memory_space<hbm>>
      tpu.enqueue_dma source(%dma_start3A_144 : memref<20x4x128xf32, #tpu.memory_space<hbm>>) target(%arg16 : memref<20x4x128xf32, #tpu.memory_space<vmem>>) target_semaphore(%arg22 : memref<!tpu.dma_semaphore, #tpu.memory_space<semaphore_mem>>)
    } else {
    }
    %add3A_65 = arith.constant 2 : i32
    %add3A_66 = arith.addi %shift_right_logical3A_3, %add3A_65 : i32
    %lt3A_67 = arith.cmpi slt, %add3A_66, %shift_right_logical3A_9 : i32
    %convert_element_type3A_68 = arith.extui %lt3A_67 : i1 to i32
    %cond3A_69 = arith.constant 0 : i32
    %cond3A_70 = arith.cmpi ne, %convert_element_type3A_68, %cond3A_69 : i32
    scf.if %cond3A_70 {
      %add3A_127 = arith.constant 2 : i32
      %add3A_128 = arith.addi %shift_right_logical3A_3, %add3A_127 : i32
      %mul3A_129 = arith.constant 2560 : i32
      %mul3A_130 = arith.muli %add3A_128, %mul3A_129 : i32
      %dma_start3A_131 = tpu.memref_slice %arg3[%mul3A_130] : memref<3200000xi32, #tpu.memory_space<hbm>> -> memref<2560xi32, #tpu.memory_space<hbm>>
      %dma_start3A_132 = tpu.memref_slice %arg3[%mul3A_130] : memref<3200000xi32, #tpu.memory_space<hbm>> -> memref<2560xi32, #tpu.memory_space<hbm>>
      tpu.enqueue_dma source(%dma_start3A_132 : memref<2560xi32, #tpu.memory_space<hbm>>) target(%arg7 : memref<2560xi32, #tpu.memory_space<vmem>>) target_semaphore(%arg17 : memref<!tpu.dma_semaphore, #tpu.memory_space<semaphore_mem>>)
      %mul3A_133 = arith.constant 2560 : i32
      %mul3A_134 = arith.muli %add3A_128, %mul3A_133 : i32
      %dma_start3A_135 = tpu.memref_slice %arg4[%mul3A_134] : memref<3200000xi32, #tpu.memory_space<hbm>> -> memref<2560xi32, #tpu.memory_space<hbm>>
      %dma_start3A_136 = tpu.memref_slice %arg4[%mul3A_134] : memref<3200000xi32, #tpu.memory_space<hbm>> -> memref<2560xi32, #tpu.memory_space<hbm>>
      tpu.enqueue_dma source(%dma_start3A_136 : memref<2560xi32, #tpu.memory_space<hbm>>) target(%arg8 : memref<2560xi32, #tpu.memory_space<vmem>>) target_semaphore(%arg17 : memref<!tpu.dma_semaphore, #tpu.memory_space<semaphore_mem>>)
    } else {
    }
    %scan3A = arith.constant 0 : i32
    %scan3A_71 = arith.constant 0 : i32
    %scan3A_72 = arith.constant 160 : i32
    %scan3A_73 = arith.addi %scan3A_71, %scan3A_72 : i32
    %scan3A_74 = arith.constant 2 : i32
    %scan3A_75 = scf.for %scan3A_127 = %scan3A_71 to %scan3A_73 step %scan3A_74 iter_args(%scan3A_128 = %scan3A) -> (i32)  : i32 {
      %shift_right_logical3A_129 = arith.constant 3 : i32
      %shift_right_logical3A_130 = arith.shrui %scan3A_127, %shift_right_logical3A_129 : i32
      %and3A_131 = arith.constant 7 : i32
      %and3A_132 = arith.andi %scan3A_127, %and3A_131 : i32
      %mul3A_133 = arith.constant 16 : i32
      %mul3A_134 = arith.muli %mul3A_133, %and3A_132 : i32
      %mul3A_135 = arith.constant 16 : i32
      %mul3A_136 = arith.muli %scan3A_127, %mul3A_135 : i32
      %iota3A = tpu.iota {dimensions = array<i32: 0>} : vector<16xi32>
      %add3A_137 = vector.broadcast %mul3A_136 : i32 to vector<16xi32>
      %add3A_138 = arith.addi %add3A_137, %iota3A : vector<16xi32>
      %broadcast_in_dim3A = arith.constant 0 : i32
      %broadcast_in_dim3A_139 = vector.broadcast %broadcast_in_dim3A : i32 to vector<16xi32>
      %gather3A = tpu.vector_load_idx %arg11[%add3A_138, %broadcast_in_dim3A_139] : memref<2560x4xf32, #tpu.memory_space<vmem>>[vector<16xi32>, vector<16xi32>], vector<16xf32>,
      %gather3A_140 = tpu.vector_load_idx %arg12[%add3A_138, %broadcast_in_dim3A_139] : memref<2560x4xf32, #tpu.memory_space<vmem>>[vector<16xi32>, vector<16xi32>], vector<16xf32>,
      %sub3A_141 = arith.subf %gather3A_140, %gather3A : vector<16xf32>
      %get3A = arith.constant 0 : i32
      %get3A_142 = arith.index_cast %shift_right_logical3A_130 : i32 to index
      %get3A_143 = arith.index_cast %get3A : i32 to index
      %get3A_144 = arith.index_cast %mul3A_134 : i32 to index
      %get3A_145 = tpu.vector_load %arg15[%get3A_142, %get3A_143, %get3A_144] {strides = array<i32>} : memref<20x4x128xf32, #tpu.memory_space<vmem>>, vector<16xf32>,
      %add3A_146 = arith.addf %sub3A_141, %get3A_145 : vector<16xf32>
      %swap3A = arith.constant 0 : i32
      %swap3A_147 = arith.index_cast %shift_right_logical3A_130 : i32 to index
      %swap3A_148 = arith.index_cast %swap3A : i32 to index
      %swap3A_149 = arith.index_cast %mul3A_134 : i32 to index
      %swap3A_150 = tpu.vector_load %arg15[%swap3A_147, %swap3A_148, %swap3A_149] {strides = array<i32>} : memref<20x4x128xf32, #tpu.memory_space<vmem>>, vector<16xf32>,
      tpu.vector_store %arg15[%swap3A_147, %swap3A_148, %swap3A_149], %add3A_146 {strides = array<i32>} : memref<20x4x128xf32, #tpu.memory_space<vmem>>, vector<16xf32>,
      %broadcast_in_dim3A_151 = arith.constant 1 : i32
      %broadcast_in_dim3A_152 = vector.broadcast %broadcast_in_dim3A_151 : i32 to vector<16xi32>
      %gather3A_153 = tpu.vector_load_idx %arg11[%add3A_138, %broadcast_in_dim3A_152] : memref<2560x4xf32, #tpu.memory_space<vmem>>[vector<16xi32>, vector<16xi32>], vector<16xf32>,
      %gather3A_154 = tpu.vector_load_idx %arg12[%add3A_138, %broadcast_in_dim3A_152] : memref<2560x4xf32, #tpu.memory_space<vmem>>[vector<16xi32>, vector<16xi32>], vector<16xf32>,
      %sub3A_155 = arith.subf %gather3A_154, %gather3A_153 : vector<16xf32>
      %get3A_156 = arith.constant 1 : i32
      %get3A_157 = arith.index_cast %shift_right_logical3A_130 : i32 to index
      %get3A_158 = arith.index_cast %get3A_156 : i32 to index
      %get3A_159 = arith.index_cast %mul3A_134 : i32 to index
      %get3A_160 = tpu.vector_load %arg15[%get3A_157, %get3A_158, %get3A_159] {strides = array<i32>} : memref<20x4x128xf32, #tpu.memory_space<vmem>>, vector<16xf32>,
      %add3A_161 = arith.addf %sub3A_155, %get3A_160 : vector<16xf32>
      %swap3A_162 = arith.constant 1 : i32
      %swap3A_163 = arith.index_cast %shift_right_logical3A_130 : i32 to index
      %swap3A_164 = arith.index_cast %swap3A_162 : i32 to index
      %swap3A_165 = arith.index_cast %mul3A_134 : i32 to index
      %swap3A_166 = tpu.vector_load %arg15[%swap3A_163, %swap3A_164, %swap3A_165] {strides = array<i32>} : memref<20x4x128xf32, #tpu.memory_space<vmem>>, vector<16xf32>,
      tpu.vector_store %arg15[%swap3A_163, %swap3A_164, %swap3A_165], %add3A_161 {strides = array<i32>} : memref<20x4x128xf32, #tpu.memory_space<vmem>>, vector<16xf32>,
      %broadcast_in_dim3A_167 = arith.constant 2 : i32
      %broadcast_in_dim3A_168 = vector.broadcast %broadcast_in_dim3A_167 : i32 to vector<16xi32>
      %gather3A_169 = tpu.vector_load_idx %arg11[%add3A_138, %broadcast_in_dim3A_168] : memref<2560x4xf32, #tpu.memory_space<vmem>>[vector<16xi32>, vector<16xi32>], vector<16xf32>,
      %gather3A_170 = tpu.vector_load_idx %arg12[%add3A_138, %broadcast_in_dim3A_168] : memref<2560x4xf32, #tpu.memory_space<vmem>>[vector<16xi32>, vector<16xi32>], vector<16xf32>,
      %sub3A_171 = arith.subf %gather3A_170, %gather3A_169 : vector<16xf32>
      %get3A_172 = arith.constant 2 : i32
      %get3A_173 = arith.index_cast %shift_right_logical3A_130 : i32 to index
      %get3A_174 = arith.index_cast %get3A_172 : i32 to index
      %get3A_175 = arith.index_cast %mul3A_134 : i32 to index
      %get3A_176 = tpu.vector_load %arg15[%get3A_173, %get3A_174, %get3A_175] {strides = array<i32>} : memref<20x4x128xf32, #tpu.memory_space<vmem>>, vector<16xf32>,
      %add3A_177 = arith.addf %sub3A_171, %get3A_176 : vector<16xf32>
      %swap3A_178 = arith.constant 2 : i32
      %swap3A_179 = arith.index_cast %shift_right_logical3A_130 : i32 to index
      %swap3A_180 = arith.index_cast %swap3A_178 : i32 to index
      %swap3A_181 = arith.index_cast %mul3A_134 : i32 to index
      %swap3A_182 = tpu.vector_load %arg15[%swap3A_179, %swap3A_180, %swap3A_181] {strides = array<i32>} : memref<20x4x128xf32, #tpu.memory_space<vmem>>, vector<16xf32>,
      tpu.vector_store %arg15[%swap3A_179, %swap3A_180, %swap3A_181], %add3A_177 {strides = array<i32>} : memref<20x4x128xf32, #tpu.memory_space<vmem>>, vector<16xf32>,
      %scan3A_183 = arith.constant 0 : i32
      %scan3A_184 = arith.constant 1 : i32
      %scan3A_185 = arith.addi %scan3A_127, %scan3A_184 : i32
      %shift_right_logical3A_186 = arith.constant 3 : i32
      %shift_right_logical3A_187 = arith.shrui %scan3A_185, %shift_right_logical3A_186 : i32
      %and3A_188 = arith.constant 7 : i32
      %and3A_189 = arith.andi %scan3A_185, %and3A_188 : i32
      %mul3A_190 = arith.constant 16 : i32
      %mul3A_191 = arith.muli %mul3A_190, %and3A_189 : i32
      %mul3A_192 = arith.constant 16 : i32
      %mul3A_193 = arith.muli %scan3A_185, %mul3A_192 : i32
      %iota3A_194 = tpu.iota {dimensions = array<i32: 0>} : vector<16xi32>
      %add3A_195 = vector.broadcast %mul3A_193 : i32 to vector<16xi32>
      %add3A_196 = arith.addi %add3A_195, %iota3A_194 : vector<16xi32>
      %broadcast_in_dim3A_197 = arith.constant 0 : i32
      %broadcast_in_dim3A_198 = vector.broadcast %broadcast_in_dim3A_197 : i32 to vector<16xi32>
      %gather3A_199 = tpu.vector_load_idx %arg11[%add3A_196, %broadcast_in_dim3A_198] : memref<2560x4xf32, #tpu.memory_space<vmem>>[vector<16xi32>, vector<16xi32>], vector<16xf32>,
      %gather3A_200 = tpu.vector_load_idx %arg12[%add3A_196, %broadcast_in_dim3A_198] : memref<2560x4xf32, #tpu.memory_space<vmem>>[vector<16xi32>, vector<16xi32>], vector<16xf32>,
      %sub3A_201 = arith.subf %gather3A_200, %gather3A_199 : vector<16xf32>
      %get3A_202 = arith.constant 0 : i32
      %get3A_203 = arith.index_cast %shift_right_logical3A_187 : i32 to index
      %get3A_204 = arith.index_cast %get3A_202 : i32 to index
      %get3A_205 = arith.index_cast %mul3A_191 : i32 to index
      %get3A_206 = tpu.vector_load %arg15[%get3A_203, %get3A_204, %get3A_205] {strides = array<i32>} : memref<20x4x128xf32, #tpu.memory_space<vmem>>, vector<16xf32>,
      %add3A_207 = arith.addf %sub3A_201, %get3A_206 : vector<16xf32>
      %swap3A_208 = arith.constant 0 : i32
      %swap3A_209 = arith.index_cast %shift_right_logical3A_187 : i32 to index
      %swap3A_210 = arith.index_cast %swap3A_208 : i32 to index
      %swap3A_211 = arith.index_cast %mul3A_191 : i32 to index
      %swap3A_212 = tpu.vector_load %arg15[%swap3A_209, %swap3A_210, %swap3A_211] {strides = array<i32>} : memref<20x4x128xf32, #tpu.memory_space<vmem>>, vector<16xf32>,
      tpu.vector_store %arg15[%swap3A_209, %swap3A_210, %swap3A_211], %add3A_207 {strides = array<i32>} : memref<20x4x128xf32, #tpu.memory_space<vmem>>, vector<16xf32>,
      %broadcast_in_dim3A_213 = arith.constant 1 : i32
      %broadcast_in_dim3A_214 = vector.broadcast %broadcast_in_dim3A_213 : i32 to vector<16xi32>
      %gather3A_215 = tpu.vector_load_idx %arg11[%add3A_196, %broadcast_in_dim3A_214] : memref<2560x4xf32, #tpu.memory_space<vmem>>[vector<16xi32>, vector<16xi32>], vector<16xf32>,
      %gather3A_216 = tpu.vector_load_idx %arg12[%add3A_196, %broadcast_in_dim3A_214] : memref<2560x4xf32, #tpu.memory_space<vmem>>[vector<16xi32>, vector<16xi32>], vector<16xf32>,
      %sub3A_217 = arith.subf %gather3A_216, %gather3A_215 : vector<16xf32>
      %get3A_218 = arith.constant 1 : i32
      %get3A_219 = arith.index_cast %shift_right_logical3A_187 : i32 to index
      %get3A_220 = arith.index_cast %get3A_218 : i32 to index
      %get3A_221 = arith.index_cast %mul3A_191 : i32 to index
      %get3A_222 = tpu.vector_load %arg15[%get3A_219, %get3A_220, %get3A_221] {strides = array<i32>} : memref<20x4x128xf32, #tpu.memory_space<vmem>>, vector<16xf32>,
      %add3A_223 = arith.addf %sub3A_217, %get3A_222 : vector<16xf32>
      %swap3A_224 = arith.constant 1 : i32
      %swap3A_225 = arith.index_cast %shift_right_logical3A_187 : i32 to index
      %swap3A_226 = arith.index_cast %swap3A_224 : i32 to index
      %swap3A_227 = arith.index_cast %mul3A_191 : i32 to index
      %swap3A_228 = tpu.vector_load %arg15[%swap3A_225, %swap3A_226, %swap3A_227] {strides = array<i32>} : memref<20x4x128xf32, #tpu.memory_space<vmem>>, vector<16xf32>,
      tpu.vector_store %arg15[%swap3A_225, %swap3A_226, %swap3A_227], %add3A_223 {strides = array<i32>} : memref<20x4x128xf32, #tpu.memory_space<vmem>>, vector<16xf32>,
      %broadcast_in_dim3A_229 = arith.constant 2 : i32
      %broadcast_in_dim3A_230 = vector.broadcast %broadcast_in_dim3A_229 : i32 to vector<16xi32>
      %gather3A_231 = tpu.vector_load_idx %arg11[%add3A_196, %broadcast_in_dim3A_230] : memref<2560x4xf32, #tpu.memory_space<vmem>>[vector<16xi32>, vector<16xi32>], vector<16xf32>,
      %gather3A_232 = tpu.vector_load_idx %arg12[%add3A_196, %broadcast_in_dim3A_230] : memref<2560x4xf32, #tpu.memory_space<vmem>>[vector<16xi32>, vector<16xi32>], vector<16xf32>,
      %sub3A_233 = arith.subf %gather3A_232, %gather3A_231 : vector<16xf32>
      %get3A_234 = arith.constant 2 : i32
      %get3A_235 = arith.index_cast %shift_right_logical3A_187 : i32 to index
      %get3A_236 = arith.index_cast %get3A_234 : i32 to index
      %get3A_237 = arith.index_cast %mul3A_191 : i32 to index
      %get3A_238 = tpu.vector_load %arg15[%get3A_235, %get3A_236, %get3A_237] {strides = array<i32>} : memref<20x4x128xf32, #tpu.memory_space<vmem>>, vector<16xf32>,
      %add3A_239 = arith.addf %sub3A_233, %get3A_238 : vector<16xf32>
      %swap3A_240 = arith.constant 2 : i32
      %swap3A_241 = arith.index_cast %shift_right_logical3A_187 : i32 to index
      %swap3A_242 = arith.index_cast %swap3A_240 : i32 to index
      %swap3A_243 = arith.index_cast %mul3A_191 : i32 to index
      %swap3A_244 = tpu.vector_load %arg15[%swap3A_241, %swap3A_242, %swap3A_243] {strides = array<i32>} : memref<20x4x128xf32, #tpu.memory_space<vmem>>, vector<16xf32>,
      tpu.vector_store %arg15[%swap3A_241, %swap3A_242, %swap3A_243], %add3A_239 {strides = array<i32>} : memref<20x4x128xf32, #tpu.memory_space<vmem>>, vector<16xf32>,
      %scan3A_245 = arith.constant 0 : i32
      scf.yield %scan3A_245 : i32
    }
    %scan3A_76 = arith.constant 160 : i32
    %add3A_77 = arith.constant 1 : i32
    %add3A_78 = arith.addi %shift_right_logical3A_3, %add3A_77 : i32
    %lt3A_79 = arith.cmpi slt, %add3A_78, %shift_right_logical3A_9 : i32
    %convert_element_type3A_80 = arith.extui %lt3A_79 : i1 to i32
    %cond3A_81 = arith.constant 0 : i32
    %cond3A_82 = arith.cmpi ne, %convert_element_type3A_80, %cond3A_81 : i32
    scf.if %cond3A_82 {
      %dma_start3A_127 = arith.constant 0 : i32
      %dma_start3A_128 = arith.constant 0 : i32
      %dma_start3A_129 = tpu.memref_slice %arg2[%dma_start3A_127, %dma_start3A_128] : memref<100000x4xf32, #tpu.memory_space<hbm>> -> memref<100000x4xf32, #tpu.memory_space<hbm>>
      tpu.enqueue_indirect_dma source(%dma_start3A_129 : memref<100000x4xf32, #tpu.memory_space<hbm>>) target(%arg13 : memref<2560x4xf32, #tpu.memory_space<vmem>>) offsets(%arg9 : memref<2560xi32, #tpu.memory_space<vmem>>) semaphore(%arg20 : memref<!tpu.dma_semaphore, #tpu.memory_space<semaphore_mem>>)
      %dma_start3A_130 = arith.constant 0 : i32
      %dma_start3A_131 = arith.constant 0 : i32
      %dma_start3A_132 = tpu.memref_slice %arg2[%dma_start3A_130, %dma_start3A_131] : memref<100000x4xf32, #tpu.memory_space<hbm>> -> memref<100000x4xf32, #tpu.memory_space<hbm>>
      tpu.enqueue_indirect_dma source(%dma_start3A_132 : memref<100000x4xf32, #tpu.memory_space<hbm>>) target(%arg14 : memref<2560x4xf32, #tpu.memory_space<vmem>>) offsets(%arg10 : memref<2560xi32, #tpu.memory_space<vmem>>) semaphore(%arg20 : memref<!tpu.dma_semaphore, #tpu.memory_space<semaphore_mem>>)
    } else {
    }
    %mul3A_83 = arith.constant 20 : i32
    %mul3A_84 = arith.muli %shift_right_logical3A_3, %mul3A_83 : i32
    %dma_start3A_85 = arith.constant 0 : i32
    %dma_start3A_86 = arith.constant 0 : i32
    %dma_start3A_87 = tpu.memref_slice %arg6[%mul3A_84, %dma_start3A_85, %dma_start3A_86] : memref<25000x4x128xf32, #tpu.memory_space<hbm>> -> memref<20x4x128xf32, #tpu.memory_space<hbm>>
    %dma_start3A_88 = arith.constant 0 : i32
    %dma_start3A_89 = arith.constant 0 : i32
    %dma_start3A_90 = tpu.memref_slice %arg6[%mul3A_84, %dma_start3A_88, %dma_start3A_89] : memref<25000x4x128xf32, #tpu.memory_space<hbm>> -> memref<20x4x128xf32, #tpu.memory_space<hbm>>
    tpu.enqueue_dma source(%arg15 : memref<20x4x128xf32, #tpu.memory_space<vmem>>) target(%dma_start3A_90 : memref<20x4x128xf32, #tpu.memory_space<hbm>>) target_semaphore(%arg23 : memref<!tpu.dma_semaphore, #tpu.memory_space<semaphore_mem>>)
    %sub3A_91 = arith.constant 1 : i32
    %sub3A_92 = arith.subi %sub3A, %sub3A_91 : i32
    %shift_right_logical3A_93 = arith.constant 1 : i32
    %shift_right_logical3A_94 = arith.shrui %sub3A_92, %shift_right_logical3A_93 : i32
    %while3A = arith.constant 0 : i32
    %while3A_95 = arith.constant 0 : i32
    %while3A_96 = arith.subi %shift_right_logical3A_94, %while3A : i32
    %while3A_97 = arith.addi %while3A, %while3A_96 : i32
    %while3A_98 = arith.constant 1 : i32
    %while3A_99 = arith.divsi %while3A_96, %while3A_98 : i32
    %while3A_100 = arith.muli %while3A_99, %while3A_98 : i32
    %while3A_101 = arith.addi %while3A, %while3A_100 : i32
    %while3A_102 = arith.constant 1 : i32
    %while3A_103 = scf.for %while3A_127 = %while3A to %while3A_101 step %while3A_102 iter_args(%while3A_128 = %while3A_95) -> (i32)  : i32 {
      %mul3A_129 = arith.constant 2 : i32
      %mul3A_130 = arith.muli %mul3A_129, %while3A_127 : i32
      %add3A_131 = arith.constant 1 : i32
      %add3A_132 = arith.addi %add3A_131, %mul3A_130 : i32
      %add3A_133 = arith.addi %shift_right_logical3A_3, %add3A_132 : i32
      %dma_wait3A_134 = arith.constant 0 : i32
      %dma_wait3A_135 = arith.constant 0 : i32
      %dma_wait3A_136 = tpu.memref_slice %arg2[%dma_wait3A_134, %dma_wait3A_135] : memref<100000x4xf32, #tpu.memory_space<hbm>> -> memref<100000x4xf32, #tpu.memory_space<hbm>>
      tpu.wait_indirect_dma semaphore(%arg20 : memref<!tpu.dma_semaphore, #tpu.memory_space<semaphore_mem>>) src(%dma_wait3A_136 : memref<100000x4xf32, #tpu.memory_space<hbm>>) dst(%arg13 : memref<2560x4xf32, #tpu.memory_space<vmem>>)
      %dma_wait3A_137 = arith.constant 0 : i32
      %dma_wait3A_138 = arith.constant 0 : i32
      %dma_wait3A_139 = tpu.memref_slice %arg2[%dma_wait3A_137, %dma_wait3A_138] : memref<100000x4xf32, #tpu.memory_space<hbm>> -> memref<100000x4xf32, #tpu.memory_space<hbm>>
      tpu.wait_indirect_dma semaphore(%arg20 : memref<!tpu.dma_semaphore, #tpu.memory_space<semaphore_mem>>) src(%dma_wait3A_139 : memref<100000x4xf32, #tpu.memory_space<hbm>>) dst(%arg14 : memref<2560x4xf32, #tpu.memory_space<vmem>>)
      %dma_wait3A_140 = arith.constant 0 : i32
      %dma_wait3A_141 = arith.constant 0 : i32
      %dma_wait3A_142 = arith.constant 0 : i32
      %dma_wait3A_143 = tpu.memref_slice %arg5[%dma_wait3A_140, %dma_wait3A_141, %dma_wait3A_142] : memref<25000x4x128xf32, #tpu.memory_space<hbm>> -> memref<20x4x128xf32, #tpu.memory_space<hbm>>
      %dma_wait3A_144 = arith.constant 0 : i32
      %dma_wait3A_145 = arith.constant 0 : i32
      %dma_wait3A_146 = arith.constant 0 : i32
      %dma_wait3A_147 = tpu.memref_slice %arg5[%dma_wait3A_144, %dma_wait3A_145, %dma_wait3A_146] : memref<25000x4x128xf32, #tpu.memory_space<hbm>> -> memref<20x4x128xf32, #tpu.memory_space<hbm>>
      tpu.wait_dma2 semaphore(%arg22 : memref<!tpu.dma_semaphore, #tpu.memory_space<semaphore_mem>>) src(%dma_wait3A_147 : memref<20x4x128xf32, #tpu.memory_space<hbm>>) dst(%arg16 : memref<20x4x128xf32, #tpu.memory_space<vmem>>)
      %add3A_148 = arith.constant 1 : i32
      %add3A_149 = arith.addi %add3A_133, %add3A_148 : i32
      %lt3A_150 = arith.cmpi slt, %add3A_149, %shift_right_logical3A_9 : i32
      %convert_element_type3A_151 = arith.extui %lt3A_150 : i1 to i32
      %cond3A_152 = arith.constant 0 : i32
      %cond3A_153 = arith.cmpi ne, %convert_element_type3A_151, %cond3A_152 : i32
      scf.if %cond3A_153 {
        %dma_wait3A_232 = arith.constant 0 : i32
        %dma_wait3A_233 = tpu.memref_slice %arg3[%dma_wait3A_232] : memref<3200000xi32, #tpu.memory_space<hbm>> -> memref<2560xi32, #tpu.memory_space<hbm>>
        %dma_wait3A_234 = arith.constant 0 : i32
        %dma_wait3A_235 = tpu.memref_slice %arg3[%dma_wait3A_234] : memref<3200000xi32, #tpu.memory_space<hbm>> -> memref<2560xi32, #tpu.memory_space<hbm>>
        tpu.wait_dma2 semaphore(%arg17 : memref<!tpu.dma_semaphore, #tpu.memory_space<semaphore_mem>>) src(%dma_wait3A_235 : memref<2560xi32, #tpu.memory_space<hbm>>) dst(%arg7 : memref<2560xi32, #tpu.memory_space<vmem>>)
        %dma_wait3A_236 = arith.constant 0 : i32
        %dma_wait3A_237 = tpu.memref_slice %arg4[%dma_wait3A_236] : memref<3200000xi32, #tpu.memory_space<hbm>> -> memref<2560xi32, #tpu.memory_space<hbm>>
        %dma_wait3A_238 = arith.constant 0 : i32
        %dma_wait3A_239 = tpu.memref_slice %arg4[%dma_wait3A_238] : memref<3200000xi32, #tpu.memory_space<hbm>> -> memref<2560xi32, #tpu.memory_space<hbm>>
        tpu.wait_dma2 semaphore(%arg17 : memref<!tpu.dma_semaphore, #tpu.memory_space<semaphore_mem>>) src(%dma_wait3A_239 : memref<2560xi32, #tpu.memory_space<hbm>>) dst(%arg8 : memref<2560xi32, #tpu.memory_space<vmem>>)
        %dma_wait3A_240 = arith.constant 0 : i32
        %dma_wait3A_241 = arith.constant 0 : i32
        %dma_wait3A_242 = arith.constant 0 : i32
        %dma_wait3A_243 = tpu.memref_slice %arg6[%dma_wait3A_240, %dma_wait3A_241, %dma_wait3A_242] : memref<25000x4x128xf32, #tpu.memory_space<hbm>> -> memref<20x4x128xf32, #tpu.memory_space<hbm>>
        %dma_wait3A_244 = arith.constant 0 : i32
        %dma_wait3A_245 = arith.constant 0 : i32
        %dma_wait3A_246 = arith.constant 0 : i32
        %dma_wait3A_247 = tpu.memref_slice %arg6[%dma_wait3A_244, %dma_wait3A_245, %dma_wait3A_246] : memref<25000x4x128xf32, #tpu.memory_space<hbm>> -> memref<20x4x128xf32, #tpu.memory_space<hbm>>
        tpu.wait_dma2 semaphore(%arg23 : memref<!tpu.dma_semaphore, #tpu.memory_space<semaphore_mem>>) src(%arg15 : memref<20x4x128xf32, #tpu.memory_space<vmem>>) dst(%dma_wait3A_247 : memref<20x4x128xf32, #tpu.memory_space<hbm>>)
        %add3A_248 = arith.constant 1 : i32
        %add3A_249 = arith.addi %add3A_133, %add3A_248 : i32
        %mul3A_250 = arith.constant 20 : i32
        %mul3A_251 = arith.muli %add3A_249, %mul3A_250 : i32
        %dma_start3A_252 = arith.constant 0 : i32
        %dma_start3A_253 = arith.constant 0 : i32
        %dma_start3A_254 = tpu.memref_slice %arg5[%mul3A_251, %dma_start3A_252, %dma_start3A_253] : memref<25000x4x128xf32, #tpu.memory_space<hbm>> -> memref<20x4x128xf32, #tpu.memory_space<hbm>>
        %dma_start3A_255 = arith.constant 0 : i32
        %dma_start3A_256 = arith.constant 0 : i32
        %dma_start3A_257 = tpu.memref_slice %arg5[%mul3A_251, %dma_start3A_255, %dma_start3A_256] : memref<25000x4x128xf32, #tpu.memory_space<hbm>> -> memref<20x4x128xf32, #tpu.memory_space<hbm>>
        tpu.enqueue_dma source(%dma_start3A_257 : memref<20x4x128xf32, #tpu.memory_space<hbm>>) target(%arg15 : memref<20x4x128xf32, #tpu.memory_space<vmem>>) target_semaphore(%arg21 : memref<!tpu.dma_semaphore, #tpu.memory_space<semaphore_mem>>)
      } else {
      }
      %add3A_154 = arith.constant 2 : i32
      %add3A_155 = arith.addi %add3A_133, %add3A_154 : i32
      %lt3A_156 = arith.cmpi slt, %add3A_155, %shift_right_logical3A_9 : i32
      %convert_element_type3A_157 = arith.extui %lt3A_156 : i1 to i32
      %cond3A_158 = arith.constant 0 : i32
      %cond3A_159 = arith.cmpi ne, %convert_element_type3A_157, %cond3A_158 : i32
      scf.if %cond3A_159 {
        %add3A_232 = arith.constant 2 : i32
        %add3A_233 = arith.addi %add3A_133, %add3A_232 : i32
        %mul3A_234 = arith.constant 2560 : i32
        %mul3A_235 = arith.muli %add3A_233, %mul3A_234 : i32
        %dma_start3A_236 = tpu.memref_slice %arg3[%mul3A_235] : memref<3200000xi32, #tpu.memory_space<hbm>> -> memref<2560xi32, #tpu.memory_space<hbm>>
        %dma_start3A_237 = tpu.memref_slice %arg3[%mul3A_235] : memref<3200000xi32, #tpu.memory_space<hbm>> -> memref<2560xi32, #tpu.memory_space<hbm>>
        tpu.enqueue_dma source(%dma_start3A_237 : memref<2560xi32, #tpu.memory_space<hbm>>) target(%arg9 : memref<2560xi32, #tpu.memory_space<vmem>>) target_semaphore(%arg18 : memref<!tpu.dma_semaphore, #tpu.memory_space<semaphore_mem>>)
        %mul3A_238 = arith.constant 2560 : i32
        %mul3A_239 = arith.muli %add3A_233, %mul3A_238 : i32
        %dma_start3A_240 = tpu.memref_slice %arg4[%mul3A_239] : memref<3200000xi32, #tpu.memory_space<hbm>> -> memref<2560xi32, #tpu.memory_space<hbm>>
        %dma_start3A_241 = tpu.memref_slice %arg4[%mul3A_239] : memref<3200000xi32, #tpu.memory_space<hbm>> -> memref<2560xi32, #tpu.memory_space<hbm>>
        tpu.enqueue_dma source(%dma_start3A_241 : memref<2560xi32, #tpu.memory_space<hbm>>) target(%arg10 : memref<2560xi32, #tpu.memory_space<vmem>>) target_semaphore(%arg18 : memref<!tpu.dma_semaphore, #tpu.memory_space<semaphore_mem>>)
      } else {
      }
      %scan3A_160 = arith.constant 0 : i32
      %scan3A_161 = arith.constant 0 : i32
      %scan3A_162 = arith.constant 160 : i32
      %scan3A_163 = arith.addi %scan3A_161, %scan3A_162 : i32
      %scan3A_164 = arith.constant 2 : i32
      %scan3A_165 = scf.for %scan3A_232 = %scan3A_161 to %scan3A_163 step %scan3A_164 iter_args(%scan3A_233 = %scan3A_160) -> (i32)  : i32 {
        %shift_right_logical3A_234 = arith.constant 3 : i32
        %shift_right_logical3A_235 = arith.shrui %scan3A_232, %shift_right_logical3A_234 : i32
        %and3A_236 = arith.constant 7 : i32
        %and3A_237 = arith.andi %scan3A_232, %and3A_236 : i32
        %mul3A_238 = arith.constant 16 : i32
        %mul3A_239 = arith.muli %mul3A_238, %and3A_237 : i32
        %mul3A_240 = arith.constant 16 : i32
        %mul3A_241 = arith.muli %scan3A_232, %mul3A_240 : i32
        %iota3A = tpu.iota {dimensions = array<i32: 0>} : vector<16xi32>
        %add3A_242 = vector.broadcast %mul3A_241 : i32 to vector<16xi32>
        %add3A_243 = arith.addi %add3A_242, %iota3A : vector<16xi32>
        %broadcast_in_dim3A = arith.constant 0 : i32
        %broadcast_in_dim3A_244 = vector.broadcast %broadcast_in_dim3A : i32 to vector<16xi32>
        %gather3A = tpu.vector_load_idx %arg13[%add3A_243, %broadcast_in_dim3A_244] : memref<2560x4xf32, #tpu.memory_space<vmem>>[vector<16xi32>, vector<16xi32>], vector<16xf32>,
        %gather3A_245 = tpu.vector_load_idx %arg14[%add3A_243, %broadcast_in_dim3A_244] : memref<2560x4xf32, #tpu.memory_space<vmem>>[vector<16xi32>, vector<16xi32>], vector<16xf32>,
        %sub3A_246 = arith.subf %gather3A_245, %gather3A : vector<16xf32>
        %get3A = arith.constant 0 : i32
        %get3A_247 = arith.index_cast %shift_right_logical3A_235 : i32 to index
        %get3A_248 = arith.index_cast %get3A : i32 to index
        %get3A_249 = arith.index_cast %mul3A_239 : i32 to index
        %get3A_250 = tpu.vector_load %arg16[%get3A_247, %get3A_248, %get3A_249] {strides = array<i32>} : memref<20x4x128xf32, #tpu.memory_space<vmem>>, vector<16xf32>,
        %add3A_251 = arith.addf %sub3A_246, %get3A_250 : vector<16xf32>
        %swap3A = arith.constant 0 : i32
        %swap3A_252 = arith.index_cast %shift_right_logical3A_235 : i32 to index
        %swap3A_253 = arith.index_cast %swap3A : i32 to index
        %swap3A_254 = arith.index_cast %mul3A_239 : i32 to index
        %swap3A_255 = tpu.vector_load %arg16[%swap3A_252, %swap3A_253, %swap3A_254] {strides = array<i32>} : memref<20x4x128xf32, #tpu.memory_space<vmem>>, vector<16xf32>,
        tpu.vector_store %arg16[%swap3A_252, %swap3A_253, %swap3A_254], %add3A_251 {strides = array<i32>} : memref<20x4x128xf32, #tpu.memory_space<vmem>>, vector<16xf32>,
        %broadcast_in_dim3A_256 = arith.constant 1 : i32
        %broadcast_in_dim3A_257 = vector.broadcast %broadcast_in_dim3A_256 : i32 to vector<16xi32>
        %gather3A_258 = tpu.vector_load_idx %arg13[%add3A_243, %broadcast_in_dim3A_257] : memref<2560x4xf32, #tpu.memory_space<vmem>>[vector<16xi32>, vector<16xi32>], vector<16xf32>,
        %gather3A_259 = tpu.vector_load_idx %arg14[%add3A_243, %broadcast_in_dim3A_257] : memref<2560x4xf32, #tpu.memory_space<vmem>>[vector<16xi32>, vector<16xi32>], vector<16xf32>,
        %sub3A_260 = arith.subf %gather3A_259, %gather3A_258 : vector<16xf32>
        %get3A_261 = arith.constant 1 : i32
        %get3A_262 = arith.index_cast %shift_right_logical3A_235 : i32 to index
        %get3A_263 = arith.index_cast %get3A_261 : i32 to index
        %get3A_264 = arith.index_cast %mul3A_239 : i32 to index
        %get3A_265 = tpu.vector_load %arg16[%get3A_262, %get3A_263, %get3A_264] {strides = array<i32>} : memref<20x4x128xf32, #tpu.memory_space<vmem>>, vector<16xf32>,
        %add3A_266 = arith.addf %sub3A_260, %get3A_265 : vector<16xf32>
        %swap3A_267 = arith.constant 1 : i32
        %swap3A_268 = arith.index_cast %shift_right_logical3A_235 : i32 to index
        %swap3A_269 = arith.index_cast %swap3A_267 : i32 to index
        %swap3A_270 = arith.index_cast %mul3A_239 : i32 to index
        %swap3A_271 = tpu.vector_load %arg16[%swap3A_268, %swap3A_269, %swap3A_270] {strides = array<i32>} : memref<20x4x128xf32, #tpu.memory_space<vmem>>, vector<16xf32>,
        tpu.vector_store %arg16[%swap3A_268, %swap3A_269, %swap3A_270], %add3A_266 {strides = array<i32>} : memref<20x4x128xf32, #tpu.memory_space<vmem>>, vector<16xf32>,
        %broadcast_in_dim3A_272 = arith.constant 2 : i32
        %broadcast_in_dim3A_273 = vector.broadcast %broadcast_in_dim3A_272 : i32 to vector<16xi32>
        %gather3A_274 = tpu.vector_load_idx %arg13[%add3A_243, %broadcast_in_dim3A_273] : memref<2560x4xf32, #tpu.memory_space<vmem>>[vector<16xi32>, vector<16xi32>], vector<16xf32>,
        %gather3A_275 = tpu.vector_load_idx %arg14[%add3A_243, %broadcast_in_dim3A_273] : memref<2560x4xf32, #tpu.memory_space<vmem>>[vector<16xi32>, vector<16xi32>], vector<16xf32>,
        %sub3A_276 = arith.subf %gather3A_275, %gather3A_274 : vector<16xf32>
        %get3A_277 = arith.constant 2 : i32
        %get3A_278 = arith.index_cast %shift_right_logical3A_235 : i32 to index
        %get3A_279 = arith.index_cast %get3A_277 : i32 to index
        %get3A_280 = arith.index_cast %mul3A_239 : i32 to index
        %get3A_281 = tpu.vector_load %arg16[%get3A_278, %get3A_279, %get3A_280] {strides = array<i32>} : memref<20x4x128xf32, #tpu.memory_space<vmem>>, vector<16xf32>,
        %add3A_282 = arith.addf %sub3A_276, %get3A_281 : vector<16xf32>
        %swap3A_283 = arith.constant 2 : i32
        %swap3A_284 = arith.index_cast %shift_right_logical3A_235 : i32 to index
        %swap3A_285 = arith.index_cast %swap3A_283 : i32 to index
        %swap3A_286 = arith.index_cast %mul3A_239 : i32 to index
        %swap3A_287 = tpu.vector_load %arg16[%swap3A_284, %swap3A_285, %swap3A_286] {strides = array<i32>} : memref<20x4x128xf32, #tpu.memory_space<vmem>>, vector<16xf32>,
        tpu.vector_store %arg16[%swap3A_284, %swap3A_285, %swap3A_286], %add3A_282 {strides = array<i32>} : memref<20x4x128xf32, #tpu.memory_space<vmem>>, vector<16xf32>,
        %scan3A_288 = arith.constant 0 : i32
        %scan3A_289 = arith.constant 1 : i32
        %scan3A_290 = arith.addi %scan3A_232, %scan3A_289 : i32
        %shift_right_logical3A_291 = arith.constant 3 : i32
        %shift_right_logical3A_292 = arith.shrui %scan3A_290, %shift_right_logical3A_291 : i32
        %and3A_293 = arith.constant 7 : i32
        %and3A_294 = arith.andi %scan3A_290, %and3A_293 : i32
        %mul3A_295 = arith.constant 16 : i32
        %mul3A_296 = arith.muli %mul3A_295, %and3A_294 : i32
        %mul3A_297 = arith.constant 16 : i32
        %mul3A_298 = arith.muli %scan3A_290, %mul3A_297 : i32
        %iota3A_299 = tpu.iota {dimensions = array<i32: 0>} : vector<16xi32>
        %add3A_300 = vector.broadcast %mul3A_298 : i32 to vector<16xi32>
        %add3A_301 = arith.addi %add3A_300, %iota3A_299 : vector<16xi32>
        %broadcast_in_dim3A_302 = arith.constant 0 : i32
        %broadcast_in_dim3A_303 = vector.broadcast %broadcast_in_dim3A_302 : i32 to vector<16xi32>
        %gather3A_304 = tpu.vector_load_idx %arg13[%add3A_301, %broadcast_in_dim3A_303] : memref<2560x4xf32, #tpu.memory_space<vmem>>[vector<16xi32>, vector<16xi32>], vector<16xf32>,
        %gather3A_305 = tpu.vector_load_idx %arg14[%add3A_301, %broadcast_in_dim3A_303] : memref<2560x4xf32, #tpu.memory_space<vmem>>[vector<16xi32>, vector<16xi32>], vector<16xf32>,
        %sub3A_306 = arith.subf %gather3A_305, %gather3A_304 : vector<16xf32>
        %get3A_307 = arith.constant 0 : i32
        %get3A_308 = arith.index_cast %shift_right_logical3A_292 : i32 to index
        %get3A_309 = arith.index_cast %get3A_307 : i32 to index
        %get3A_310 = arith.index_cast %mul3A_296 : i32 to index
        %get3A_311 = tpu.vector_load %arg16[%get3A_308, %get3A_309, %get3A_310] {strides = array<i32>} : memref<20x4x128xf32, #tpu.memory_space<vmem>>, vector<16xf32>,
        %add3A_312 = arith.addf %sub3A_306, %get3A_311 : vector<16xf32>
        %swap3A_313 = arith.constant 0 : i32
        %swap3A_314 = arith.index_cast %shift_right_logical3A_292 : i32 to index
        %swap3A_315 = arith.index_cast %swap3A_313 : i32 to index
        %swap3A_316 = arith.index_cast %mul3A_296 : i32 to index
        %swap3A_317 = tpu.vector_load %arg16[%swap3A_314, %swap3A_315, %swap3A_316] {strides = array<i32>} : memref<20x4x128xf32, #tpu.memory_space<vmem>>, vector<16xf32>,
        tpu.vector_store %arg16[%swap3A_314, %swap3A_315, %swap3A_316], %add3A_312 {strides = array<i32>} : memref<20x4x128xf32, #tpu.memory_space<vmem>>, vector<16xf32>,
        %broadcast_in_dim3A_318 = arith.constant 1 : i32
        %broadcast_in_dim3A_319 = vector.broadcast %broadcast_in_dim3A_318 : i32 to vector<16xi32>
        %gather3A_320 = tpu.vector_load_idx %arg13[%add3A_301, %broadcast_in_dim3A_319] : memref<2560x4xf32, #tpu.memory_space<vmem>>[vector<16xi32>, vector<16xi32>], vector<16xf32>,
        %gather3A_321 = tpu.vector_load_idx %arg14[%add3A_301, %broadcast_in_dim3A_319] : memref<2560x4xf32, #tpu.memory_space<vmem>>[vector<16xi32>, vector<16xi32>], vector<16xf32>,
        %sub3A_322 = arith.subf %gather3A_321, %gather3A_320 : vector<16xf32>
        %get3A_323 = arith.constant 1 : i32
        %get3A_324 = arith.index_cast %shift_right_logical3A_292 : i32 to index
        %get3A_325 = arith.index_cast %get3A_323 : i32 to index
        %get3A_326 = arith.index_cast %mul3A_296 : i32 to index
        %get3A_327 = tpu.vector_load %arg16[%get3A_324, %get3A_325, %get3A_326] {strides = array<i32>} : memref<20x4x128xf32, #tpu.memory_space<vmem>>, vector<16xf32>,
        %add3A_328 = arith.addf %sub3A_322, %get3A_327 : vector<16xf32>
        %swap3A_329 = arith.constant 1 : i32
        %swap3A_330 = arith.index_cast %shift_right_logical3A_292 : i32 to index
        %swap3A_331 = arith.index_cast %swap3A_329 : i32 to index
        %swap3A_332 = arith.index_cast %mul3A_296 : i32 to index
        %swap3A_333 = tpu.vector_load %arg16[%swap3A_330, %swap3A_331, %swap3A_332] {strides = array<i32>} : memref<20x4x128xf32, #tpu.memory_space<vmem>>, vector<16xf32>,
        tpu.vector_store %arg16[%swap3A_330, %swap3A_331, %swap3A_332], %add3A_328 {strides = array<i32>} : memref<20x4x128xf32, #tpu.memory_space<vmem>>, vector<16xf32>,
        %broadcast_in_dim3A_334 = arith.constant 2 : i32
        %broadcast_in_dim3A_335 = vector.broadcast %broadcast_in_dim3A_334 : i32 to vector<16xi32>
        %gather3A_336 = tpu.vector_load_idx %arg13[%add3A_301, %broadcast_in_dim3A_335] : memref<2560x4xf32, #tpu.memory_space<vmem>>[vector<16xi32>, vector<16xi32>], vector<16xf32>,
        %gather3A_337 = tpu.vector_load_idx %arg14[%add3A_301, %broadcast_in_dim3A_335] : memref<2560x4xf32, #tpu.memory_space<vmem>>[vector<16xi32>, vector<16xi32>], vector<16xf32>,
        %sub3A_338 = arith.subf %gather3A_337, %gather3A_336 : vector<16xf32>
        %get3A_339 = arith.constant 2 : i32
        %get3A_340 = arith.index_cast %shift_right_logical3A_292 : i32 to index
        %get3A_341 = arith.index_cast %get3A_339 : i32 to index
        %get3A_342 = arith.index_cast %mul3A_296 : i32 to index
        %get3A_343 = tpu.vector_load %arg16[%get3A_340, %get3A_341, %get3A_342] {strides = array<i32>} : memref<20x4x128xf32, #tpu.memory_space<vmem>>, vector<16xf32>,
        %add3A_344 = arith.addf %sub3A_338, %get3A_343 : vector<16xf32>
        %swap3A_345 = arith.constant 2 : i32
        %swap3A_346 = arith.index_cast %shift_right_logical3A_292 : i32 to index
        %swap3A_347 = arith.index_cast %swap3A_345 : i32 to index
        %swap3A_348 = arith.index_cast %mul3A_296 : i32 to index
        %swap3A_349 = tpu.vector_load %arg16[%swap3A_346, %swap3A_347, %swap3A_348] {strides = array<i32>} : memref<20x4x128xf32, #tpu.memory_space<vmem>>, vector<16xf32>,
        tpu.vector_store %arg16[%swap3A_346, %swap3A_347, %swap3A_348], %add3A_344 {strides = array<i32>} : memref<20x4x128xf32, #tpu.memory_space<vmem>>, vector<16xf32>,
        %scan3A_350 = arith.constant 0 : i32
        scf.yield %scan3A_350 : i32
      }
      %scan3A_166 = arith.constant 160 : i32
      %add3A_167 = arith.constant 1 : i32
      %add3A_168 = arith.addi %add3A_133, %add3A_167 : i32
      %lt3A_169 = arith.cmpi slt, %add3A_168, %shift_right_logical3A_9 : i32
      %convert_element_type3A_170 = arith.extui %lt3A_169 : i1 to i32
      %cond3A_171 = arith.constant 0 : i32
      %cond3A_172 = arith.cmpi ne, %convert_element_type3A_170, %cond3A_171 : i32
      scf.if %cond3A_172 {
        %dma_start3A_232 = arith.constant 0 : i32
        %dma_start3A_233 = arith.constant 0 : i32
        %dma_start3A_234 = tpu.memref_slice %arg2[%dma_start3A_232, %dma_start3A_233] : memref<100000x4xf32, #tpu.memory_space<hbm>> -> memref<100000x4xf32, #tpu.memory_space<hbm>>
        tpu.enqueue_indirect_dma source(%dma_start3A_234 : memref<100000x4xf32, #tpu.memory_space<hbm>>) target(%arg11 : memref<2560x4xf32, #tpu.memory_space<vmem>>) offsets(%arg7 : memref<2560xi32, #tpu.memory_space<vmem>>) semaphore(%arg19 : memref<!tpu.dma_semaphore, #tpu.memory_space<semaphore_mem>>)
        %dma_start3A_235 = arith.constant 0 : i32
        %dma_start3A_236 = arith.constant 0 : i32
        %dma_start3A_237 = tpu.memref_slice %arg2[%dma_start3A_235, %dma_start3A_236] : memref<100000x4xf32, #tpu.memory_space<hbm>> -> memref<100000x4xf32, #tpu.memory_space<hbm>>
        tpu.enqueue_indirect_dma source(%dma_start3A_237 : memref<100000x4xf32, #tpu.memory_space<hbm>>) target(%arg12 : memref<2560x4xf32, #tpu.memory_space<vmem>>) offsets(%arg8 : memref<2560xi32, #tpu.memory_space<vmem>>) semaphore(%arg19 : memref<!tpu.dma_semaphore, #tpu.memory_space<semaphore_mem>>)
      } else {
      }
      %mul3A_173 = arith.constant 20 : i32
      %mul3A_174 = arith.muli %add3A_133, %mul3A_173 : i32
      %dma_start3A_175 = arith.constant 0 : i32
      %dma_start3A_176 = arith.constant 0 : i32
      %dma_start3A_177 = tpu.memref_slice %arg6[%mul3A_174, %dma_start3A_175, %dma_start3A_176] : memref<25000x4x128xf32, #tpu.memory_space<hbm>> -> memref<20x4x128xf32, #tpu.memory_space<hbm>>
      %dma_start3A_178 = arith.constant 0 : i32
      %dma_start3A_179 = arith.constant 0 : i32
      %dma_start3A_180 = tpu.memref_slice %arg6[%mul3A_174, %dma_start3A_178, %dma_start3A_179] : memref<25000x4x128xf32, #tpu.memory_space<hbm>> -> memref<20x4x128xf32, #tpu.memory_space<hbm>>
      tpu.enqueue_dma source(%arg16 : memref<20x4x128xf32, #tpu.memory_space<vmem>>) target(%dma_start3A_180 : memref<20x4x128xf32, #tpu.memory_space<hbm>>) target_semaphore(%arg24 : memref<!tpu.dma_semaphore, #tpu.memory_space<semaphore_mem>>)
      %add3A_181 = arith.addi %shift_right_logical3A_3, %add3A_132 : i32
      %add3A_182 = arith.constant 1 : i32
      %add3A_183 = arith.addi %add3A_181, %add3A_182 : i32
      %dma_wait3A_184 = arith.constant 0 : i32
      %dma_wait3A_185 = arith.constant 0 : i32
      %dma_wait3A_186 = tpu.memref_slice %arg2[%dma_wait3A_184, %dma_wait3A_185] : memref<100000x4xf32, #tpu.memory_space<hbm>> -> memref<100000x4xf32, #tpu.memory_space<hbm>>
      tpu.wait_indirect_dma semaphore(%arg19 : memref<!tpu.dma_semaphore, #tpu.memory_space<semaphore_mem>>) src(%dma_wait3A_186 : memref<100000x4xf32, #tpu.memory_space<hbm>>) dst(%arg11 : memref<2560x4xf32, #tpu.memory_space<vmem>>)
      %dma_wait3A_187 = arith.constant 0 : i32
      %dma_wait3A_188 = arith.constant 0 : i32
      %dma_wait3A_189 = tpu.memref_slice %arg2[%dma_wait3A_187, %dma_wait3A_188] : memref<100000x4xf32, #tpu.memory_space<hbm>> -> memref<100000x4xf32, #tpu.memory_space<hbm>>
      tpu.wait_indirect_dma semaphore(%arg19 : memref<!tpu.dma_semaphore, #tpu.memory_space<semaphore_mem>>) src(%dma_wait3A_189 : memref<100000x4xf32, #tpu.memory_space<hbm>>) dst(%arg12 : memref<2560x4xf32, #tpu.memory_space<vmem>>)
      %dma_wait3A_190 = arith.constant 0 : i32
      %dma_wait3A_191 = arith.constant 0 : i32
      %dma_wait3A_192 = arith.constant 0 : i32
      %dma_wait3A_193 = tpu.memref_slice %arg5[%dma_wait3A_190, %dma_wait3A_191, %dma_wait3A_192] : memref<25000x4x128xf32, #tpu.memory_space<hbm>> -> memref<20x4x128xf32, #tpu.memory_space<hbm>>
      %dma_wait3A_194 = arith.constant 0 : i32
      %dma_wait3A_195 = arith.constant 0 : i32
      %dma_wait3A_196 = arith.constant 0 : i32
      %dma_wait3A_197 = tpu.memref_slice %arg5[%dma_wait3A_194, %dma_wait3A_195, %dma_wait3A_196] : memref<25000x4x128xf32, #tpu.memory_space<hbm>> -> memref<20x4x128xf32, #tpu.memory_space<hbm>>
      tpu.wait_dma2 semaphore(%arg21 : memref<!tpu.dma_semaphore, #tpu.memory_space<semaphore_mem>>) src(%dma_wait3A_197 : memref<20x4x128xf32, #tpu.memory_space<hbm>>) dst(%arg15 : memref<20x4x128xf32, #tpu.memory_space<vmem>>)
      %add3A_198 = arith.constant 1 : i32
      %add3A_199 = arith.addi %add3A_183, %add3A_198 : i32
      %lt3A_200 = arith.cmpi slt, %add3A_199, %shift_right_logical3A_9 : i32
      %convert_element_type3A_201 = arith.extui %lt3A_200 : i1 to i32
      %cond3A_202 = arith.constant 0 : i32
      %cond3A_203 = arith.cmpi ne, %convert_element_type3A_201, %cond3A_202 : i32
      scf.if %cond3A_203 {
        %dma_wait3A_232 = arith.constant 0 : i32
        %dma_wait3A_233 = tpu.memref_slice %arg3[%dma_wait3A_232] : memref<3200000xi32, #tpu.memory_space<hbm>> -> memref<2560xi32, #tpu.memory_space<hbm>>
        %dma_wait3A_234 = arith.constant 0 : i32
        %dma_wait3A_235 = tpu.memref_slice %arg3[%dma_wait3A_234] : memref<3200000xi32, #tpu.memory_space<hbm>> -> memref<2560xi32, #tpu.memory_space<hbm>>
        tpu.wait_dma2 semaphore(%arg18 : memref<!tpu.dma_semaphore, #tpu.memory_space<semaphore_mem>>) src(%dma_wait3A_235 : memref<2560xi32, #tpu.memory_space<hbm>>) dst(%arg9 : memref<2560xi32, #tpu.memory_space<vmem>>)
        %dma_wait3A_236 = arith.constant 0 : i32
        %dma_wait3A_237 = tpu.memref_slice %arg4[%dma_wait3A_236] : memref<3200000xi32, #tpu.memory_space<hbm>> -> memref<2560xi32, #tpu.memory_space<hbm>>
        %dma_wait3A_238 = arith.constant 0 : i32
        %dma_wait3A_239 = tpu.memref_slice %arg4[%dma_wait3A_238] : memref<3200000xi32, #tpu.memory_space<hbm>> -> memref<2560xi32, #tpu.memory_space<hbm>>
        tpu.wait_dma2 semaphore(%arg18 : memref<!tpu.dma_semaphore, #tpu.memory_space<semaphore_mem>>) src(%dma_wait3A_239 : memref<2560xi32, #tpu.memory_space<hbm>>) dst(%arg10 : memref<2560xi32, #tpu.memory_space<vmem>>)
        %dma_wait3A_240 = arith.constant 0 : i32
        %dma_wait3A_241 = arith.constant 0 : i32
        %dma_wait3A_242 = arith.constant 0 : i32
        %dma_wait3A_243 = tpu.memref_slice %arg6[%dma_wait3A_240, %dma_wait3A_241, %dma_wait3A_242] : memref<25000x4x128xf32, #tpu.memory_space<hbm>> -> memref<20x4x128xf32, #tpu.memory_space<hbm>>
        %dma_wait3A_244 = arith.constant 0 : i32
        %dma_wait3A_245 = arith.constant 0 : i32
        %dma_wait3A_246 = arith.constant 0 : i32
        %dma_wait3A_247 = tpu.memref_slice %arg6[%dma_wait3A_244, %dma_wait3A_245, %dma_wait3A_246] : memref<25000x4x128xf32, #tpu.memory_space<hbm>> -> memref<20x4x128xf32, #tpu.memory_space<hbm>>
        tpu.wait_dma2 semaphore(%arg24 : memref<!tpu.dma_semaphore, #tpu.memory_space<semaphore_mem>>) src(%arg16 : memref<20x4x128xf32, #tpu.memory_space<vmem>>) dst(%dma_wait3A_247 : memref<20x4x128xf32, #tpu.memory_space<hbm>>)
        %add3A_248 = arith.constant 1 : i32
        %add3A_249 = arith.addi %add3A_183, %add3A_248 : i32
        %mul3A_250 = arith.constant 20 : i32
        %mul3A_251 = arith.muli %add3A_249, %mul3A_250 : i32
        %dma_start3A_252 = arith.constant 0 : i32
        %dma_start3A_253 = arith.constant 0 : i32
        %dma_start3A_254 = tpu.memref_slice %arg5[%mul3A_251, %dma_start3A_252, %dma_start3A_253] : memref<25000x4x128xf32, #tpu.memory_space<hbm>> -> memref<20x4x128xf32, #tpu.memory_space<hbm>>
        %dma_start3A_255 = arith.constant 0 : i32
        %dma_start3A_256 = arith.constant 0 : i32
        %dma_start3A_257 = tpu.memref_slice %arg5[%mul3A_251, %dma_start3A_255, %dma_start3A_256] : memref<25000x4x128xf32, #tpu.memory_space<hbm>> -> memref<20x4x128xf32, #tpu.memory_space<hbm>>
        tpu.enqueue_dma source(%dma_start3A_257 : memref<20x4x128xf32, #tpu.memory_space<hbm>>) target(%arg16 : memref<20x4x128xf32, #tpu.memory_space<vmem>>) target_semaphore(%arg22 : memref<!tpu.dma_semaphore, #tpu.memory_space<semaphore_mem>>)
      } else {
      }
      %add3A_204 = arith.constant 2 : i32
      %add3A_205 = arith.addi %add3A_183, %add3A_204 : i32
      %lt3A_206 = arith.cmpi slt, %add3A_205, %shift_right_logical3A_9 : i32
      %convert_element_type3A_207 = arith.extui %lt3A_206 : i1 to i32
      %cond3A_208 = arith.constant 0 : i32
      %cond3A_209 = arith.cmpi ne, %convert_element_type3A_207, %cond3A_208 : i32
      scf.if %cond3A_209 {
        %add3A_232 = arith.constant 2 : i32
        %add3A_233 = arith.addi %add3A_183, %add3A_232 : i32
        %mul3A_234 = arith.constant 2560 : i32
        %mul3A_235 = arith.muli %add3A_233, %mul3A_234 : i32
        %dma_start3A_236 = tpu.memref_slice %arg3[%mul3A_235] : memref<3200000xi32, #tpu.memory_space<hbm>> -> memref<2560xi32, #tpu.memory_space<hbm>>
        %dma_start3A_237 = tpu.memref_slice %arg3[%mul3A_235] : memref<3200000xi32, #tpu.memory_space<hbm>> -> memref<2560xi32, #tpu.memory_space<hbm>>
        tpu.enqueue_dma source(%dma_start3A_237 : memref<2560xi32, #tpu.memory_space<hbm>>) target(%arg7 : memref<2560xi32, #tpu.memory_space<vmem>>) target_semaphore(%arg17 : memref<!tpu.dma_semaphore, #tpu.memory_space<semaphore_mem>>)
        %mul3A_238 = arith.constant 2560 : i32
        %mul3A_239 = arith.muli %add3A_233, %mul3A_238 : i32
        %dma_start3A_240 = tpu.memref_slice %arg4[%mul3A_239] : memref<3200000xi32, #tpu.memory_space<hbm>> -> memref<2560xi32, #tpu.memory_space<hbm>>
        %dma_start3A_241 = tpu.memref_slice %arg4[%mul3A_239] : memref<3200000xi32, #tpu.memory_space<hbm>> -> memref<2560xi32, #tpu.memory_space<hbm>>
        tpu.enqueue_dma source(%dma_start3A_241 : memref<2560xi32, #tpu.memory_space<hbm>>) target(%arg8 : memref<2560xi32, #tpu.memory_space<vmem>>) target_semaphore(%arg17 : memref<!tpu.dma_semaphore, #tpu.memory_space<semaphore_mem>>)
      } else {
      }
      %scan3A_210 = arith.constant 0 : i32
      %scan3A_211 = arith.constant 0 : i32
      %scan3A_212 = arith.constant 160 : i32
      %scan3A_213 = arith.addi %scan3A_211, %scan3A_212 : i32
      %scan3A_214 = arith.constant 2 : i32
      %scan3A_215 = scf.for %scan3A_232 = %scan3A_211 to %scan3A_213 step %scan3A_214 iter_args(%scan3A_233 = %scan3A_210) -> (i32)  : i32 {
        %shift_right_logical3A_234 = arith.constant 3 : i32
        %shift_right_logical3A_235 = arith.shrui %scan3A_232, %shift_right_logical3A_234 : i32
        %and3A_236 = arith.constant 7 : i32
        %and3A_237 = arith.andi %scan3A_232, %and3A_236 : i32
        %mul3A_238 = arith.constant 16 : i32
        %mul3A_239 = arith.muli %mul3A_238, %and3A_237 : i32
        %mul3A_240 = arith.constant 16 : i32
        %mul3A_241 = arith.muli %scan3A_232, %mul3A_240 : i32
        %iota3A = tpu.iota {dimensions = array<i32: 0>} : vector<16xi32>
        %add3A_242 = vector.broadcast %mul3A_241 : i32 to vector<16xi32>
        %add3A_243 = arith.addi %add3A_242, %iota3A : vector<16xi32>
        %broadcast_in_dim3A = arith.constant 0 : i32
        %broadcast_in_dim3A_244 = vector.broadcast %broadcast_in_dim3A : i32 to vector<16xi32>
        %gather3A = tpu.vector_load_idx %arg11[%add3A_243, %broadcast_in_dim3A_244] : memref<2560x4xf32, #tpu.memory_space<vmem>>[vector<16xi32>, vector<16xi32>], vector<16xf32>,
        %gather3A_245 = tpu.vector_load_idx %arg12[%add3A_243, %broadcast_in_dim3A_244] : memref<2560x4xf32, #tpu.memory_space<vmem>>[vector<16xi32>, vector<16xi32>], vector<16xf32>,
        %sub3A_246 = arith.subf %gather3A_245, %gather3A : vector<16xf32>
        %get3A = arith.constant 0 : i32
        %get3A_247 = arith.index_cast %shift_right_logical3A_235 : i32 to index
        %get3A_248 = arith.index_cast %get3A : i32 to index
        %get3A_249 = arith.index_cast %mul3A_239 : i32 to index
        %get3A_250 = tpu.vector_load %arg15[%get3A_247, %get3A_248, %get3A_249] {strides = array<i32>} : memref<20x4x128xf32, #tpu.memory_space<vmem>>, vector<16xf32>,
        %add3A_251 = arith.addf %sub3A_246, %get3A_250 : vector<16xf32>
        %swap3A = arith.constant 0 : i32
        %swap3A_252 = arith.index_cast %shift_right_logical3A_235 : i32 to index
        %swap3A_253 = arith.index_cast %swap3A : i32 to index
        %swap3A_254 = arith.index_cast %mul3A_239 : i32 to index
        %swap3A_255 = tpu.vector_load %arg15[%swap3A_252, %swap3A_253, %swap3A_254] {strides = array<i32>} : memref<20x4x128xf32, #tpu.memory_space<vmem>>, vector<16xf32>,
        tpu.vector_store %arg15[%swap3A_252, %swap3A_253, %swap3A_254], %add3A_251 {strides = array<i32>} : memref<20x4x128xf32, #tpu.memory_space<vmem>>, vector<16xf32>,
        %broadcast_in_dim3A_256 = arith.constant 1 : i32
        %broadcast_in_dim3A_257 = vector.broadcast %broadcast_in_dim3A_256 : i32 to vector<16xi32>
        %gather3A_258 = tpu.vector_load_idx %arg11[%add3A_243, %broadcast_in_dim3A_257] : memref<2560x4xf32, #tpu.memory_space<vmem>>[vector<16xi32>, vector<16xi32>], vector<16xf32>,
        %gather3A_259 = tpu.vector_load_idx %arg12[%add3A_243, %broadcast_in_dim3A_257] : memref<2560x4xf32, #tpu.memory_space<vmem>>[vector<16xi32>, vector<16xi32>], vector<16xf32>,
        %sub3A_260 = arith.subf %gather3A_259, %gather3A_258 : vector<16xf32>
        %get3A_261 = arith.constant 1 : i32
        %get3A_262 = arith.index_cast %shift_right_logical3A_235 : i32 to index
        %get3A_263 = arith.index_cast %get3A_261 : i32 to index
        %get3A_264 = arith.index_cast %mul3A_239 : i32 to index
        %get3A_265 = tpu.vector_load %arg15[%get3A_262, %get3A_263, %get3A_264] {strides = array<i32>} : memref<20x4x128xf32, #tpu.memory_space<vmem>>, vector<16xf32>,
        %add3A_266 = arith.addf %sub3A_260, %get3A_265 : vector<16xf32>
        %swap3A_267 = arith.constant 1 : i32
        %swap3A_268 = arith.index_cast %shift_right_logical3A_235 : i32 to index
        %swap3A_269 = arith.index_cast %swap3A_267 : i32 to index
        %swap3A_270 = arith.index_cast %mul3A_239 : i32 to index
        %swap3A_271 = tpu.vector_load %arg15[%swap3A_268, %swap3A_269, %swap3A_270] {strides = array<i32>} : memref<20x4x128xf32, #tpu.memory_space<vmem>>, vector<16xf32>,
        tpu.vector_store %arg15[%swap3A_268, %swap3A_269, %swap3A_270], %add3A_266 {strides = array<i32>} : memref<20x4x128xf32, #tpu.memory_space<vmem>>, vector<16xf32>,
        %broadcast_in_dim3A_272 = arith.constant 2 : i32
        %broadcast_in_dim3A_273 = vector.broadcast %broadcast_in_dim3A_272 : i32 to vector<16xi32>
        %gather3A_274 = tpu.vector_load_idx %arg11[%add3A_243, %broadcast_in_dim3A_273] : memref<2560x4xf32, #tpu.memory_space<vmem>>[vector<16xi32>, vector<16xi32>], vector<16xf32>,
        %gather3A_275 = tpu.vector_load_idx %arg12[%add3A_243, %broadcast_in_dim3A_273] : memref<2560x4xf32, #tpu.memory_space<vmem>>[vector<16xi32>, vector<16xi32>], vector<16xf32>,
        %sub3A_276 = arith.subf %gather3A_275, %gather3A_274 : vector<16xf32>
        %get3A_277 = arith.constant 2 : i32
        %get3A_278 = arith.index_cast %shift_right_logical3A_235 : i32 to index
        %get3A_279 = arith.index_cast %get3A_277 : i32 to index
        %get3A_280 = arith.index_cast %mul3A_239 : i32 to index
        %get3A_281 = tpu.vector_load %arg15[%get3A_278, %get3A_279, %get3A_280] {strides = array<i32>} : memref<20x4x128xf32, #tpu.memory_space<vmem>>, vector<16xf32>,
        %add3A_282 = arith.addf %sub3A_276, %get3A_281 : vector<16xf32>
        %swap3A_283 = arith.constant 2 : i32
        %swap3A_284 = arith.index_cast %shift_right_logical3A_235 : i32 to index
        %swap3A_285 = arith.index_cast %swap3A_283 : i32 to index
        %swap3A_286 = arith.index_cast %mul3A_239 : i32 to index
        %swap3A_287 = tpu.vector_load %arg15[%swap3A_284, %swap3A_285, %swap3A_286] {strides = array<i32>} : memref<20x4x128xf32, #tpu.memory_space<vmem>>, vector<16xf32>,
        tpu.vector_store %arg15[%swap3A_284, %swap3A_285, %swap3A_286], %add3A_282 {strides = array<i32>} : memref<20x4x128xf32, #tpu.memory_space<vmem>>, vector<16xf32>,
        %scan3A_288 = arith.constant 0 : i32
        %scan3A_289 = arith.constant 1 : i32
        %scan3A_290 = arith.addi %scan3A_232, %scan3A_289 : i32
        %shift_right_logical3A_291 = arith.constant 3 : i32
        %shift_right_logical3A_292 = arith.shrui %scan3A_290, %shift_right_logical3A_291 : i32
        %and3A_293 = arith.constant 7 : i32
        %and3A_294 = arith.andi %scan3A_290, %and3A_293 : i32
        %mul3A_295 = arith.constant 16 : i32
        %mul3A_296 = arith.muli %mul3A_295, %and3A_294 : i32
        %mul3A_297 = arith.constant 16 : i32
        %mul3A_298 = arith.muli %scan3A_290, %mul3A_297 : i32
        %iota3A_299 = tpu.iota {dimensions = array<i32: 0>} : vector<16xi32>
        %add3A_300 = vector.broadcast %mul3A_298 : i32 to vector<16xi32>
        %add3A_301 = arith.addi %add3A_300, %iota3A_299 : vector<16xi32>
        %broadcast_in_dim3A_302 = arith.constant 0 : i32
        %broadcast_in_dim3A_303 = vector.broadcast %broadcast_in_dim3A_302 : i32 to vector<16xi32>
        %gather3A_304 = tpu.vector_load_idx %arg11[%add3A_301, %broadcast_in_dim3A_303] : memref<2560x4xf32, #tpu.memory_space<vmem>>[vector<16xi32>, vector<16xi32>], vector<16xf32>,
        %gather3A_305 = tpu.vector_load_idx %arg12[%add3A_301, %broadcast_in_dim3A_303] : memref<2560x4xf32, #tpu.memory_space<vmem>>[vector<16xi32>, vector<16xi32>], vector<16xf32>,
        %sub3A_306 = arith.subf %gather3A_305, %gather3A_304 : vector<16xf32>
        %get3A_307 = arith.constant 0 : i32
        %get3A_308 = arith.index_cast %shift_right_logical3A_292 : i32 to index
        %get3A_309 = arith.index_cast %get3A_307 : i32 to index
        %get3A_310 = arith.index_cast %mul3A_296 : i32 to index
        %get3A_311 = tpu.vector_load %arg15[%get3A_308, %get3A_309, %get3A_310] {strides = array<i32>} : memref<20x4x128xf32, #tpu.memory_space<vmem>>, vector<16xf32>,
        %add3A_312 = arith.addf %sub3A_306, %get3A_311 : vector<16xf32>
        %swap3A_313 = arith.constant 0 : i32
        %swap3A_314 = arith.index_cast %shift_right_logical3A_292 : i32 to index
        %swap3A_315 = arith.index_cast %swap3A_313 : i32 to index
        %swap3A_316 = arith.index_cast %mul3A_296 : i32 to index
        %swap3A_317 = tpu.vector_load %arg15[%swap3A_314, %swap3A_315, %swap3A_316] {strides = array<i32>} : memref<20x4x128xf32, #tpu.memory_space<vmem>>, vector<16xf32>,
        tpu.vector_store %arg15[%swap3A_314, %swap3A_315, %swap3A_316], %add3A_312 {strides = array<i32>} : memref<20x4x128xf32, #tpu.memory_space<vmem>>, vector<16xf32>,
        %broadcast_in_dim3A_318 = arith.constant 1 : i32
        %broadcast_in_dim3A_319 = vector.broadcast %broadcast_in_dim3A_318 : i32 to vector<16xi32>
        %gather3A_320 = tpu.vector_load_idx %arg11[%add3A_301, %broadcast_in_dim3A_319] : memref<2560x4xf32, #tpu.memory_space<vmem>>[vector<16xi32>, vector<16xi32>], vector<16xf32>,
        %gather3A_321 = tpu.vector_load_idx %arg12[%add3A_301, %broadcast_in_dim3A_319] : memref<2560x4xf32, #tpu.memory_space<vmem>>[vector<16xi32>, vector<16xi32>], vector<16xf32>,
        %sub3A_322 = arith.subf %gather3A_321, %gather3A_320 : vector<16xf32>
        %get3A_323 = arith.constant 1 : i32
        %get3A_324 = arith.index_cast %shift_right_logical3A_292 : i32 to index
        %get3A_325 = arith.index_cast %get3A_323 : i32 to index
        %get3A_326 = arith.index_cast %mul3A_296 : i32 to index
        %get3A_327 = tpu.vector_load %arg15[%get3A_324, %get3A_325, %get3A_326] {strides = array<i32>} : memref<20x4x128xf32, #tpu.memory_space<vmem>>, vector<16xf32>,
        %add3A_328 = arith.addf %sub3A_322, %get3A_327 : vector<16xf32>
        %swap3A_329 = arith.constant 1 : i32
        %swap3A_330 = arith.index_cast %shift_right_logical3A_292 : i32 to index
        %swap3A_331 = arith.index_cast %swap3A_329 : i32 to index
        %swap3A_332 = arith.index_cast %mul3A_296 : i32 to index
        %swap3A_333 = tpu.vector_load %arg15[%swap3A_330, %swap3A_331, %swap3A_332] {strides = array<i32>} : memref<20x4x128xf32, #tpu.memory_space<vmem>>, vector<16xf32>,
        tpu.vector_store %arg15[%swap3A_330, %swap3A_331, %swap3A_332], %add3A_328 {strides = array<i32>} : memref<20x4x128xf32, #tpu.memory_space<vmem>>, vector<16xf32>,
        %broadcast_in_dim3A_334 = arith.constant 2 : i32
        %broadcast_in_dim3A_335 = vector.broadcast %broadcast_in_dim3A_334 : i32 to vector<16xi32>
        %gather3A_336 = tpu.vector_load_idx %arg11[%add3A_301, %broadcast_in_dim3A_335] : memref<2560x4xf32, #tpu.memory_space<vmem>>[vector<16xi32>, vector<16xi32>], vector<16xf32>,
        %gather3A_337 = tpu.vector_load_idx %arg12[%add3A_301, %broadcast_in_dim3A_335] : memref<2560x4xf32, #tpu.memory_space<vmem>>[vector<16xi32>, vector<16xi32>], vector<16xf32>,
        %sub3A_338 = arith.subf %gather3A_337, %gather3A_336 : vector<16xf32>
        %get3A_339 = arith.constant 2 : i32
        %get3A_340 = arith.index_cast %shift_right_logical3A_292 : i32 to index
        %get3A_341 = arith.index_cast %get3A_339 : i32 to index
        %get3A_342 = arith.index_cast %mul3A_296 : i32 to index
        %get3A_343 = tpu.vector_load %arg15[%get3A_340, %get3A_341, %get3A_342] {strides = array<i32>} : memref<20x4x128xf32, #tpu.memory_space<vmem>>, vector<16xf32>,
        %add3A_344 = arith.addf %sub3A_338, %get3A_343 : vector<16xf32>
        %swap3A_345 = arith.constant 2 : i32
        %swap3A_346 = arith.index_cast %shift_right_logical3A_292 : i32 to index
        %swap3A_347 = arith.index_cast %swap3A_345 : i32 to index
        %swap3A_348 = arith.index_cast %mul3A_296 : i32 to index
        %swap3A_349 = tpu.vector_load %arg15[%swap3A_346, %swap3A_347, %swap3A_348] {strides = array<i32>} : memref<20x4x128xf32, #tpu.memory_space<vmem>>, vector<16xf32>,
        tpu.vector_store %arg15[%swap3A_346, %swap3A_347, %swap3A_348], %add3A_344 {strides = array<i32>} : memref<20x4x128xf32, #tpu.memory_space<vmem>>, vector<16xf32>,
        %scan3A_350 = arith.constant 0 : i32
        scf.yield %scan3A_350 : i32
      }
      %scan3A_216 = arith.constant 160 : i32
      %add3A_217 = arith.constant 1 : i32
      %add3A_218 = arith.addi %add3A_183, %add3A_217 : i32
      %lt3A_219 = arith.cmpi slt, %add3A_218, %shift_right_logical3A_9 : i32
      %convert_element_type3A_220 = arith.extui %lt3A_219 : i1 to i32
      %cond3A_221 = arith.constant 0 : i32
      %cond3A_222 = arith.cmpi ne, %convert_element_type3A_220, %cond3A_221 : i32
      scf.if %cond3A_222 {
        %dma_start3A_232 = arith.constant 0 : i32
        %dma_start3A_233 = arith.constant 0 : i32
        %dma_start3A_234 = tpu.memref_slice %arg2[%dma_start3A_232, %dma_start3A_233] : memref<100000x4xf32, #tpu.memory_space<hbm>> -> memref<100000x4xf32, #tpu.memory_space<hbm>>
        tpu.enqueue_indirect_dma source(%dma_start3A_234 : memref<100000x4xf32, #tpu.memory_space<hbm>>) target(%arg13 : memref<2560x4xf32, #tpu.memory_space<vmem>>) offsets(%arg9 : memref<2560xi32, #tpu.memory_space<vmem>>) semaphore(%arg20 : memref<!tpu.dma_semaphore, #tpu.memory_space<semaphore_mem>>)
        %dma_start3A_235 = arith.constant 0 : i32
        %dma_start3A_236 = arith.constant 0 : i32
        %dma_start3A_237 = tpu.memref_slice %arg2[%dma_start3A_235, %dma_start3A_236] : memref<100000x4xf32, #tpu.memory_space<hbm>> -> memref<100000x4xf32, #tpu.memory_space<hbm>>
        tpu.enqueue_indirect_dma source(%dma_start3A_237 : memref<100000x4xf32, #tpu.memory_space<hbm>>) target(%arg14 : memref<2560x4xf32, #tpu.memory_space<vmem>>) offsets(%arg10 : memref<2560xi32, #tpu.memory_space<vmem>>) semaphore(%arg20 : memref<!tpu.dma_semaphore, #tpu.memory_space<semaphore_mem>>)
      } else {
      }
      %mul3A_223 = arith.constant 20 : i32
      %mul3A_224 = arith.muli %add3A_183, %mul3A_223 : i32
      %dma_start3A_225 = arith.constant 0 : i32
      %dma_start3A_226 = arith.constant 0 : i32
      %dma_start3A_227 = tpu.memref_slice %arg6[%mul3A_224, %dma_start3A_225, %dma_start3A_226] : memref<25000x4x128xf32, #tpu.memory_space<hbm>> -> memref<20x4x128xf32, #tpu.memory_space<hbm>>
      %dma_start3A_228 = arith.constant 0 : i32
      %dma_start3A_229 = arith.constant 0 : i32
      %dma_start3A_230 = tpu.memref_slice %arg6[%mul3A_224, %dma_start3A_228, %dma_start3A_229] : memref<25000x4x128xf32, #tpu.memory_space<hbm>> -> memref<20x4x128xf32, #tpu.memory_space<hbm>>
      tpu.enqueue_dma source(%arg15 : memref<20x4x128xf32, #tpu.memory_space<vmem>>) target(%dma_start3A_230 : memref<20x4x128xf32, #tpu.memory_space<hbm>>) target_semaphore(%arg23 : memref<!tpu.dma_semaphore, #tpu.memory_space<semaphore_mem>>)
      %while3A_231 = arith.constant 0 : i32
      scf.yield %while3A_231 : i32
    }
    %while3A_104 = arith.constant 1 : i32
    %while3A_105 = scf.for %while3A_127 = %while3A_101 to %while3A_97 step %while3A_104 iter_args(%while3A_128 = %while3A_103) -> (i32)  : i32 {
      %mul3A_129 = arith.constant 2 : i32
      %mul3A_130 = arith.muli %mul3A_129, %while3A_127 : i32
      %add3A_131 = arith.constant 1 : i32
      %add3A_132 = arith.addi %add3A_131, %mul3A_130 : i32
      %add3A_133 = arith.addi %shift_right_logical3A_3, %add3A_132 : i32
      %dma_wait3A_134 = arith.constant 0 : i32
      %dma_wait3A_135 = arith.constant 0 : i32
      %dma_wait3A_136 = tpu.memref_slice %arg2[%dma_wait3A_134, %dma_wait3A_135] : memref<100000x4xf32, #tpu.memory_space<hbm>> -> memref<100000x4xf32, #tpu.memory_space<hbm>>
      tpu.wait_indirect_dma semaphore(%arg20 : memref<!tpu.dma_semaphore, #tpu.memory_space<semaphore_mem>>) src(%dma_wait3A_136 : memref<100000x4xf32, #tpu.memory_space<hbm>>) dst(%arg13 : memref<2560x4xf32, #tpu.memory_space<vmem>>)
      %dma_wait3A_137 = arith.constant 0 : i32
      %dma_wait3A_138 = arith.constant 0 : i32
      %dma_wait3A_139 = tpu.memref_slice %arg2[%dma_wait3A_137, %dma_wait3A_138] : memref<100000x4xf32, #tpu.memory_space<hbm>> -> memref<100000x4xf32, #tpu.memory_space<hbm>>
      tpu.wait_indirect_dma semaphore(%arg20 : memref<!tpu.dma_semaphore, #tpu.memory_space<semaphore_mem>>) src(%dma_wait3A_139 : memref<100000x4xf32, #tpu.memory_space<hbm>>) dst(%arg14 : memref<2560x4xf32, #tpu.memory_space<vmem>>)
      %dma_wait3A_140 = arith.constant 0 : i32
      %dma_wait3A_141 = arith.constant 0 : i32
      %dma_wait3A_142 = arith.constant 0 : i32
      %dma_wait3A_143 = tpu.memref_slice %arg5[%dma_wait3A_140, %dma_wait3A_141, %dma_wait3A_142] : memref<25000x4x128xf32, #tpu.memory_space<hbm>> -> memref<20x4x128xf32, #tpu.memory_space<hbm>>
      %dma_wait3A_144 = arith.constant 0 : i32
      %dma_wait3A_145 = arith.constant 0 : i32
      %dma_wait3A_146 = arith.constant 0 : i32
      %dma_wait3A_147 = tpu.memref_slice %arg5[%dma_wait3A_144, %dma_wait3A_145, %dma_wait3A_146] : memref<25000x4x128xf32, #tpu.memory_space<hbm>> -> memref<20x4x128xf32, #tpu.memory_space<hbm>>
      tpu.wait_dma2 semaphore(%arg22 : memref<!tpu.dma_semaphore, #tpu.memory_space<semaphore_mem>>) src(%dma_wait3A_147 : memref<20x4x128xf32, #tpu.memory_space<hbm>>) dst(%arg16 : memref<20x4x128xf32, #tpu.memory_space<vmem>>)
      %add3A_148 = arith.constant 1 : i32
      %add3A_149 = arith.addi %add3A_133, %add3A_148 : i32
      %lt3A_150 = arith.cmpi slt, %add3A_149, %shift_right_logical3A_9 : i32
      %convert_element_type3A_151 = arith.extui %lt3A_150 : i1 to i32
      %cond3A_152 = arith.constant 0 : i32
      %cond3A_153 = arith.cmpi ne, %convert_element_type3A_151, %cond3A_152 : i32
      scf.if %cond3A_153 {
        %dma_wait3A_232 = arith.constant 0 : i32
        %dma_wait3A_233 = tpu.memref_slice %arg3[%dma_wait3A_232] : memref<3200000xi32, #tpu.memory_space<hbm>> -> memref<2560xi32, #tpu.memory_space<hbm>>
        %dma_wait3A_234 = arith.constant 0 : i32
        %dma_wait3A_235 = tpu.memref_slice %arg3[%dma_wait3A_234] : memref<3200000xi32, #tpu.memory_space<hbm>> -> memref<2560xi32, #tpu.memory_space<hbm>>
        tpu.wait_dma2 semaphore(%arg17 : memref<!tpu.dma_semaphore, #tpu.memory_space<semaphore_mem>>) src(%dma_wait3A_235 : memref<2560xi32, #tpu.memory_space<hbm>>) dst(%arg7 : memref<2560xi32, #tpu.memory_space<vmem>>)
        %dma_wait3A_236 = arith.constant 0 : i32
        %dma_wait3A_237 = tpu.memref_slice %arg4[%dma_wait3A_236] : memref<3200000xi32, #tpu.memory_space<hbm>> -> memref<2560xi32, #tpu.memory_space<hbm>>
        %dma_wait3A_238 = arith.constant 0 : i32
        %dma_wait3A_239 = tpu.memref_slice %arg4[%dma_wait3A_238] : memref<3200000xi32, #tpu.memory_space<hbm>> -> memref<2560xi32, #tpu.memory_space<hbm>>
        tpu.wait_dma2 semaphore(%arg17 : memref<!tpu.dma_semaphore, #tpu.memory_space<semaphore_mem>>) src(%dma_wait3A_239 : memref<2560xi32, #tpu.memory_space<hbm>>) dst(%arg8 : memref<2560xi32, #tpu.memory_space<vmem>>)
        %dma_wait3A_240 = arith.constant 0 : i32
        %dma_wait3A_241 = arith.constant 0 : i32
        %dma_wait3A_242 = arith.constant 0 : i32
        %dma_wait3A_243 = tpu.memref_slice %arg6[%dma_wait3A_240, %dma_wait3A_241, %dma_wait3A_242] : memref<25000x4x128xf32, #tpu.memory_space<hbm>> -> memref<20x4x128xf32, #tpu.memory_space<hbm>>
        %dma_wait3A_244 = arith.constant 0 : i32
        %dma_wait3A_245 = arith.constant 0 : i32
        %dma_wait3A_246 = arith.constant 0 : i32
        %dma_wait3A_247 = tpu.memref_slice %arg6[%dma_wait3A_244, %dma_wait3A_245, %dma_wait3A_246] : memref<25000x4x128xf32, #tpu.memory_space<hbm>> -> memref<20x4x128xf32, #tpu.memory_space<hbm>>
        tpu.wait_dma2 semaphore(%arg23 : memref<!tpu.dma_semaphore, #tpu.memory_space<semaphore_mem>>) src(%arg15 : memref<20x4x128xf32, #tpu.memory_space<vmem>>) dst(%dma_wait3A_247 : memref<20x4x128xf32, #tpu.memory_space<hbm>>)
        %add3A_248 = arith.constant 1 : i32
        %add3A_249 = arith.addi %add3A_133, %add3A_248 : i32
        %mul3A_250 = arith.constant 20 : i32
        %mul3A_251 = arith.muli %add3A_249, %mul3A_250 : i32
        %dma_start3A_252 = arith.constant 0 : i32
        %dma_start3A_253 = arith.constant 0 : i32
        %dma_start3A_254 = tpu.memref_slice %arg5[%mul3A_251, %dma_start3A_252, %dma_start3A_253] : memref<25000x4x128xf32, #tpu.memory_space<hbm>> -> memref<20x4x128xf32, #tpu.memory_space<hbm>>
        %dma_start3A_255 = arith.constant 0 : i32
        %dma_start3A_256 = arith.constant 0 : i32
        %dma_start3A_257 = tpu.memref_slice %arg5[%mul3A_251, %dma_start3A_255, %dma_start3A_256] : memref<25000x4x128xf32, #tpu.memory_space<hbm>> -> memref<20x4x128xf32, #tpu.memory_space<hbm>>
        tpu.enqueue_dma source(%dma_start3A_257 : memref<20x4x128xf32, #tpu.memory_space<hbm>>) target(%arg15 : memref<20x4x128xf32, #tpu.memory_space<vmem>>) target_semaphore(%arg21 : memref<!tpu.dma_semaphore, #tpu.memory_space<semaphore_mem>>)
      } else {
      }
      %add3A_154 = arith.constant 2 : i32
      %add3A_155 = arith.addi %add3A_133, %add3A_154 : i32
      %lt3A_156 = arith.cmpi slt, %add3A_155, %shift_right_logical3A_9 : i32
      %convert_element_type3A_157 = arith.extui %lt3A_156 : i1 to i32
      %cond3A_158 = arith.constant 0 : i32
      %cond3A_159 = arith.cmpi ne, %convert_element_type3A_157, %cond3A_158 : i32
      scf.if %cond3A_159 {
        %add3A_232 = arith.constant 2 : i32
        %add3A_233 = arith.addi %add3A_133, %add3A_232 : i32
        %mul3A_234 = arith.constant 2560 : i32
        %mul3A_235 = arith.muli %add3A_233, %mul3A_234 : i32
        %dma_start3A_236 = tpu.memref_slice %arg3[%mul3A_235] : memref<3200000xi32, #tpu.memory_space<hbm>> -> memref<2560xi32, #tpu.memory_space<hbm>>
        %dma_start3A_237 = tpu.memref_slice %arg3[%mul3A_235] : memref<3200000xi32, #tpu.memory_space<hbm>> -> memref<2560xi32, #tpu.memory_space<hbm>>
        tpu.enqueue_dma source(%dma_start3A_237 : memref<2560xi32, #tpu.memory_space<hbm>>) target(%arg9 : memref<2560xi32, #tpu.memory_space<vmem>>) target_semaphore(%arg18 : memref<!tpu.dma_semaphore, #tpu.memory_space<semaphore_mem>>)
        %mul3A_238 = arith.constant 2560 : i32
        %mul3A_239 = arith.muli %add3A_233, %mul3A_238 : i32
        %dma_start3A_240 = tpu.memref_slice %arg4[%mul3A_239] : memref<3200000xi32, #tpu.memory_space<hbm>> -> memref<2560xi32, #tpu.memory_space<hbm>>
        %dma_start3A_241 = tpu.memref_slice %arg4[%mul3A_239] : memref<3200000xi32, #tpu.memory_space<hbm>> -> memref<2560xi32, #tpu.memory_space<hbm>>
        tpu.enqueue_dma source(%dma_start3A_241 : memref<2560xi32, #tpu.memory_space<hbm>>) target(%arg10 : memref<2560xi32, #tpu.memory_space<vmem>>) target_semaphore(%arg18 : memref<!tpu.dma_semaphore, #tpu.memory_space<semaphore_mem>>)
      } else {
      }
      %scan3A_160 = arith.constant 0 : i32
      %scan3A_161 = arith.constant 0 : i32
      %scan3A_162 = arith.constant 160 : i32
      %scan3A_163 = arith.addi %scan3A_161, %scan3A_162 : i32
      %scan3A_164 = arith.constant 2 : i32
      %scan3A_165 = scf.for %scan3A_232 = %scan3A_161 to %scan3A_163 step %scan3A_164 iter_args(%scan3A_233 = %scan3A_160) -> (i32)  : i32 {
        %shift_right_logical3A_234 = arith.constant 3 : i32
        %shift_right_logical3A_235 = arith.shrui %scan3A_232, %shift_right_logical3A_234 : i32
        %and3A_236 = arith.constant 7 : i32
        %and3A_237 = arith.andi %scan3A_232, %and3A_236 : i32
        %mul3A_238 = arith.constant 16 : i32
        %mul3A_239 = arith.muli %mul3A_238, %and3A_237 : i32
        %mul3A_240 = arith.constant 16 : i32
        %mul3A_241 = arith.muli %scan3A_232, %mul3A_240 : i32
        %iota3A = tpu.iota {dimensions = array<i32: 0>} : vector<16xi32>
        %add3A_242 = vector.broadcast %mul3A_241 : i32 to vector<16xi32>
        %add3A_243 = arith.addi %add3A_242, %iota3A : vector<16xi32>
        %broadcast_in_dim3A = arith.constant 0 : i32
        %broadcast_in_dim3A_244 = vector.broadcast %broadcast_in_dim3A : i32 to vector<16xi32>
        %gather3A = tpu.vector_load_idx %arg13[%add3A_243, %broadcast_in_dim3A_244] : memref<2560x4xf32, #tpu.memory_space<vmem>>[vector<16xi32>, vector<16xi32>], vector<16xf32>,
        %gather3A_245 = tpu.vector_load_idx %arg14[%add3A_243, %broadcast_in_dim3A_244] : memref<2560x4xf32, #tpu.memory_space<vmem>>[vector<16xi32>, vector<16xi32>], vector<16xf32>,
        %sub3A_246 = arith.subf %gather3A_245, %gather3A : vector<16xf32>
        %get3A = arith.constant 0 : i32
        %get3A_247 = arith.index_cast %shift_right_logical3A_235 : i32 to index
        %get3A_248 = arith.index_cast %get3A : i32 to index
        %get3A_249 = arith.index_cast %mul3A_239 : i32 to index
        %get3A_250 = tpu.vector_load %arg16[%get3A_247, %get3A_248, %get3A_249] {strides = array<i32>} : memref<20x4x128xf32, #tpu.memory_space<vmem>>, vector<16xf32>,
        %add3A_251 = arith.addf %sub3A_246, %get3A_250 : vector<16xf32>
        %swap3A = arith.constant 0 : i32
        %swap3A_252 = arith.index_cast %shift_right_logical3A_235 : i32 to index
        %swap3A_253 = arith.index_cast %swap3A : i32 to index
        %swap3A_254 = arith.index_cast %mul3A_239 : i32 to index
        %swap3A_255 = tpu.vector_load %arg16[%swap3A_252, %swap3A_253, %swap3A_254] {strides = array<i32>} : memref<20x4x128xf32, #tpu.memory_space<vmem>>, vector<16xf32>,
        tpu.vector_store %arg16[%swap3A_252, %swap3A_253, %swap3A_254], %add3A_251 {strides = array<i32>} : memref<20x4x128xf32, #tpu.memory_space<vmem>>, vector<16xf32>,
        %broadcast_in_dim3A_256 = arith.constant 1 : i32
        %broadcast_in_dim3A_257 = vector.broadcast %broadcast_in_dim3A_256 : i32 to vector<16xi32>
        %gather3A_258 = tpu.vector_load_idx %arg13[%add3A_243, %broadcast_in_dim3A_257] : memref<2560x4xf32, #tpu.memory_space<vmem>>[vector<16xi32>, vector<16xi32>], vector<16xf32>,
        %gather3A_259 = tpu.vector_load_idx %arg14[%add3A_243, %broadcast_in_dim3A_257] : memref<2560x4xf32, #tpu.memory_space<vmem>>[vector<16xi32>, vector<16xi32>], vector<16xf32>,
        %sub3A_260 = arith.subf %gather3A_259, %gather3A_258 : vector<16xf32>
        %get3A_261 = arith.constant 1 : i32
        %get3A_262 = arith.index_cast %shift_right_logical3A_235 : i32 to index
        %get3A_263 = arith.index_cast %get3A_261 : i32 to index
        %get3A_264 = arith.index_cast %mul3A_239 : i32 to index
        %get3A_265 = tpu.vector_load %arg16[%get3A_262, %get3A_263, %get3A_264] {strides = array<i32>} : memref<20x4x128xf32, #tpu.memory_space<vmem>>, vector<16xf32>,
        %add3A_266 = arith.addf %sub3A_260, %get3A_265 : vector<16xf32>
        %swap3A_267 = arith.constant 1 : i32
        %swap3A_268 = arith.index_cast %shift_right_logical3A_235 : i32 to index
        %swap3A_269 = arith.index_cast %swap3A_267 : i32 to index
        %swap3A_270 = arith.index_cast %mul3A_239 : i32 to index
        %swap3A_271 = tpu.vector_load %arg16[%swap3A_268, %swap3A_269, %swap3A_270] {strides = array<i32>} : memref<20x4x128xf32, #tpu.memory_space<vmem>>, vector<16xf32>,
        tpu.vector_store %arg16[%swap3A_268, %swap3A_269, %swap3A_270], %add3A_266 {strides = array<i32>} : memref<20x4x128xf32, #tpu.memory_space<vmem>>, vector<16xf32>,
        %broadcast_in_dim3A_272 = arith.constant 2 : i32
        %broadcast_in_dim3A_273 = vector.broadcast %broadcast_in_dim3A_272 : i32 to vector<16xi32>
        %gather3A_274 = tpu.vector_load_idx %arg13[%add3A_243, %broadcast_in_dim3A_273] : memref<2560x4xf32, #tpu.memory_space<vmem>>[vector<16xi32>, vector<16xi32>], vector<16xf32>,
        %gather3A_275 = tpu.vector_load_idx %arg14[%add3A_243, %broadcast_in_dim3A_273] : memref<2560x4xf32, #tpu.memory_space<vmem>>[vector<16xi32>, vector<16xi32>], vector<16xf32>,
        %sub3A_276 = arith.subf %gather3A_275, %gather3A_274 : vector<16xf32>
        %get3A_277 = arith.constant 2 : i32
        %get3A_278 = arith.index_cast %shift_right_logical3A_235 : i32 to index
        %get3A_279 = arith.index_cast %get3A_277 : i32 to index
        %get3A_280 = arith.index_cast %mul3A_239 : i32 to index
        %get3A_281 = tpu.vector_load %arg16[%get3A_278, %get3A_279, %get3A_280] {strides = array<i32>} : memref<20x4x128xf32, #tpu.memory_space<vmem>>, vector<16xf32>,
        %add3A_282 = arith.addf %sub3A_276, %get3A_281 : vector<16xf32>
        %swap3A_283 = arith.constant 2 : i32
        %swap3A_284 = arith.index_cast %shift_right_logical3A_235 : i32 to index
        %swap3A_285 = arith.index_cast %swap3A_283 : i32 to index
        %swap3A_286 = arith.index_cast %mul3A_239 : i32 to index
        %swap3A_287 = tpu.vector_load %arg16[%swap3A_284, %swap3A_285, %swap3A_286] {strides = array<i32>} : memref<20x4x128xf32, #tpu.memory_space<vmem>>, vector<16xf32>,
        tpu.vector_store %arg16[%swap3A_284, %swap3A_285, %swap3A_286], %add3A_282 {strides = array<i32>} : memref<20x4x128xf32, #tpu.memory_space<vmem>>, vector<16xf32>,
        %scan3A_288 = arith.constant 0 : i32
        %scan3A_289 = arith.constant 1 : i32
        %scan3A_290 = arith.addi %scan3A_232, %scan3A_289 : i32
        %shift_right_logical3A_291 = arith.constant 3 : i32
        %shift_right_logical3A_292 = arith.shrui %scan3A_290, %shift_right_logical3A_291 : i32
        %and3A_293 = arith.constant 7 : i32
        %and3A_294 = arith.andi %scan3A_290, %and3A_293 : i32
        %mul3A_295 = arith.constant 16 : i32
        %mul3A_296 = arith.muli %mul3A_295, %and3A_294 : i32
        %mul3A_297 = arith.constant 16 : i32
        %mul3A_298 = arith.muli %scan3A_290, %mul3A_297 : i32
        %iota3A_299 = tpu.iota {dimensions = array<i32: 0>} : vector<16xi32>
        %add3A_300 = vector.broadcast %mul3A_298 : i32 to vector<16xi32>
        %add3A_301 = arith.addi %add3A_300, %iota3A_299 : vector<16xi32>
        %broadcast_in_dim3A_302 = arith.constant 0 : i32
        %broadcast_in_dim3A_303 = vector.broadcast %broadcast_in_dim3A_302 : i32 to vector<16xi32>
        %gather3A_304 = tpu.vector_load_idx %arg13[%add3A_301, %broadcast_in_dim3A_303] : memref<2560x4xf32, #tpu.memory_space<vmem>>[vector<16xi32>, vector<16xi32>], vector<16xf32>,
        %gather3A_305 = tpu.vector_load_idx %arg14[%add3A_301, %broadcast_in_dim3A_303] : memref<2560x4xf32, #tpu.memory_space<vmem>>[vector<16xi32>, vector<16xi32>], vector<16xf32>,
        %sub3A_306 = arith.subf %gather3A_305, %gather3A_304 : vector<16xf32>
        %get3A_307 = arith.constant 0 : i32
        %get3A_308 = arith.index_cast %shift_right_logical3A_292 : i32 to index
        %get3A_309 = arith.index_cast %get3A_307 : i32 to index
        %get3A_310 = arith.index_cast %mul3A_296 : i32 to index
        %get3A_311 = tpu.vector_load %arg16[%get3A_308, %get3A_309, %get3A_310] {strides = array<i32>} : memref<20x4x128xf32, #tpu.memory_space<vmem>>, vector<16xf32>,
        %add3A_312 = arith.addf %sub3A_306, %get3A_311 : vector<16xf32>
        %swap3A_313 = arith.constant 0 : i32
        %swap3A_314 = arith.index_cast %shift_right_logical3A_292 : i32 to index
        %swap3A_315 = arith.index_cast %swap3A_313 : i32 to index
        %swap3A_316 = arith.index_cast %mul3A_296 : i32 to index
        %swap3A_317 = tpu.vector_load %arg16[%swap3A_314, %swap3A_315, %swap3A_316] {strides = array<i32>} : memref<20x4x128xf32, #tpu.memory_space<vmem>>, vector<16xf32>,
        tpu.vector_store %arg16[%swap3A_314, %swap3A_315, %swap3A_316], %add3A_312 {strides = array<i32>} : memref<20x4x128xf32, #tpu.memory_space<vmem>>, vector<16xf32>,
        %broadcast_in_dim3A_318 = arith.constant 1 : i32
        %broadcast_in_dim3A_319 = vector.broadcast %broadcast_in_dim3A_318 : i32 to vector<16xi32>
        %gather3A_320 = tpu.vector_load_idx %arg13[%add3A_301, %broadcast_in_dim3A_319] : memref<2560x4xf32, #tpu.memory_space<vmem>>[vector<16xi32>, vector<16xi32>], vector<16xf32>,
        %gather3A_321 = tpu.vector_load_idx %arg14[%add3A_301, %broadcast_in_dim3A_319] : memref<2560x4xf32, #tpu.memory_space<vmem>>[vector<16xi32>, vector<16xi32>], vector<16xf32>,
        %sub3A_322 = arith.subf %gather3A_321, %gather3A_320 : vector<16xf32>
        %get3A_323 = arith.constant 1 : i32
        %get3A_324 = arith.index_cast %shift_right_logical3A_292 : i32 to index
        %get3A_325 = arith.index_cast %get3A_323 : i32 to index
        %get3A_326 = arith.index_cast %mul3A_296 : i32 to index
        %get3A_327 = tpu.vector_load %arg16[%get3A_324, %get3A_325, %get3A_326] {strides = array<i32>} : memref<20x4x128xf32, #tpu.memory_space<vmem>>, vector<16xf32>,
        %add3A_328 = arith.addf %sub3A_322, %get3A_327 : vector<16xf32>
        %swap3A_329 = arith.constant 1 : i32
        %swap3A_330 = arith.index_cast %shift_right_logical3A_292 : i32 to index
        %swap3A_331 = arith.index_cast %swap3A_329 : i32 to index
        %swap3A_332 = arith.index_cast %mul3A_296 : i32 to index
        %swap3A_333 = tpu.vector_load %arg16[%swap3A_330, %swap3A_331, %swap3A_332] {strides = array<i32>} : memref<20x4x128xf32, #tpu.memory_space<vmem>>, vector<16xf32>,
        tpu.vector_store %arg16[%swap3A_330, %swap3A_331, %swap3A_332], %add3A_328 {strides = array<i32>} : memref<20x4x128xf32, #tpu.memory_space<vmem>>, vector<16xf32>,
        %broadcast_in_dim3A_334 = arith.constant 2 : i32
        %broadcast_in_dim3A_335 = vector.broadcast %broadcast_in_dim3A_334 : i32 to vector<16xi32>
        %gather3A_336 = tpu.vector_load_idx %arg13[%add3A_301, %broadcast_in_dim3A_335] : memref<2560x4xf32, #tpu.memory_space<vmem>>[vector<16xi32>, vector<16xi32>], vector<16xf32>,
        %gather3A_337 = tpu.vector_load_idx %arg14[%add3A_301, %broadcast_in_dim3A_335] : memref<2560x4xf32, #tpu.memory_space<vmem>>[vector<16xi32>, vector<16xi32>], vector<16xf32>,
        %sub3A_338 = arith.subf %gather3A_337, %gather3A_336 : vector<16xf32>
        %get3A_339 = arith.constant 2 : i32
        %get3A_340 = arith.index_cast %shift_right_logical3A_292 : i32 to index
        %get3A_341 = arith.index_cast %get3A_339 : i32 to index
        %get3A_342 = arith.index_cast %mul3A_296 : i32 to index
        %get3A_343 = tpu.vector_load %arg16[%get3A_340, %get3A_341, %get3A_342] {strides = array<i32>} : memref<20x4x128xf32, #tpu.memory_space<vmem>>, vector<16xf32>,
        %add3A_344 = arith.addf %sub3A_338, %get3A_343 : vector<16xf32>
        %swap3A_345 = arith.constant 2 : i32
        %swap3A_346 = arith.index_cast %shift_right_logical3A_292 : i32 to index
        %swap3A_347 = arith.index_cast %swap3A_345 : i32 to index
        %swap3A_348 = arith.index_cast %mul3A_296 : i32 to index
        %swap3A_349 = tpu.vector_load %arg16[%swap3A_346, %swap3A_347, %swap3A_348] {strides = array<i32>} : memref<20x4x128xf32, #tpu.memory_space<vmem>>, vector<16xf32>,
        tpu.vector_store %arg16[%swap3A_346, %swap3A_347, %swap3A_348], %add3A_344 {strides = array<i32>} : memref<20x4x128xf32, #tpu.memory_space<vmem>>, vector<16xf32>,
        %scan3A_350 = arith.constant 0 : i32
        scf.yield %scan3A_350 : i32
      }
      %scan3A_166 = arith.constant 160 : i32
      %add3A_167 = arith.constant 1 : i32
      %add3A_168 = arith.addi %add3A_133, %add3A_167 : i32
      %lt3A_169 = arith.cmpi slt, %add3A_168, %shift_right_logical3A_9 : i32
      %convert_element_type3A_170 = arith.extui %lt3A_169 : i1 to i32
      %cond3A_171 = arith.constant 0 : i32
      %cond3A_172 = arith.cmpi ne, %convert_element_type3A_170, %cond3A_171 : i32
      scf.if %cond3A_172 {
        %dma_start3A_232 = arith.constant 0 : i32
        %dma_start3A_233 = arith.constant 0 : i32
        %dma_start3A_234 = tpu.memref_slice %arg2[%dma_start3A_232, %dma_start3A_233] : memref<100000x4xf32, #tpu.memory_space<hbm>> -> memref<100000x4xf32, #tpu.memory_space<hbm>>
        tpu.enqueue_indirect_dma source(%dma_start3A_234 : memref<100000x4xf32, #tpu.memory_space<hbm>>) target(%arg11 : memref<2560x4xf32, #tpu.memory_space<vmem>>) offsets(%arg7 : memref<2560xi32, #tpu.memory_space<vmem>>) semaphore(%arg19 : memref<!tpu.dma_semaphore, #tpu.memory_space<semaphore_mem>>)
        %dma_start3A_235 = arith.constant 0 : i32
        %dma_start3A_236 = arith.constant 0 : i32
        %dma_start3A_237 = tpu.memref_slice %arg2[%dma_start3A_235, %dma_start3A_236] : memref<100000x4xf32, #tpu.memory_space<hbm>> -> memref<100000x4xf32, #tpu.memory_space<hbm>>
        tpu.enqueue_indirect_dma source(%dma_start3A_237 : memref<100000x4xf32, #tpu.memory_space<hbm>>) target(%arg12 : memref<2560x4xf32, #tpu.memory_space<vmem>>) offsets(%arg8 : memref<2560xi32, #tpu.memory_space<vmem>>) semaphore(%arg19 : memref<!tpu.dma_semaphore, #tpu.memory_space<semaphore_mem>>)
      } else {
      }
      %mul3A_173 = arith.constant 20 : i32
      %mul3A_174 = arith.muli %add3A_133, %mul3A_173 : i32
      %dma_start3A_175 = arith.constant 0 : i32
      %dma_start3A_176 = arith.constant 0 : i32
      %dma_start3A_177 = tpu.memref_slice %arg6[%mul3A_174, %dma_start3A_175, %dma_start3A_176] : memref<25000x4x128xf32, #tpu.memory_space<hbm>> -> memref<20x4x128xf32, #tpu.memory_space<hbm>>
      %dma_start3A_178 = arith.constant 0 : i32
      %dma_start3A_179 = arith.constant 0 : i32
      %dma_start3A_180 = tpu.memref_slice %arg6[%mul3A_174, %dma_start3A_178, %dma_start3A_179] : memref<25000x4x128xf32, #tpu.memory_space<hbm>> -> memref<20x4x128xf32, #tpu.memory_space<hbm>>
      tpu.enqueue_dma source(%arg16 : memref<20x4x128xf32, #tpu.memory_space<vmem>>) target(%dma_start3A_180 : memref<20x4x128xf32, #tpu.memory_space<hbm>>) target_semaphore(%arg24 : memref<!tpu.dma_semaphore, #tpu.memory_space<semaphore_mem>>)
      %add3A_181 = arith.addi %shift_right_logical3A_3, %add3A_132 : i32
      %add3A_182 = arith.constant 1 : i32
      %add3A_183 = arith.addi %add3A_181, %add3A_182 : i32
      %dma_wait3A_184 = arith.constant 0 : i32
      %dma_wait3A_185 = arith.constant 0 : i32
      %dma_wait3A_186 = tpu.memref_slice %arg2[%dma_wait3A_184, %dma_wait3A_185] : memref<100000x4xf32, #tpu.memory_space<hbm>> -> memref<100000x4xf32, #tpu.memory_space<hbm>>
      tpu.wait_indirect_dma semaphore(%arg19 : memref<!tpu.dma_semaphore, #tpu.memory_space<semaphore_mem>>) src(%dma_wait3A_186 : memref<100000x4xf32, #tpu.memory_space<hbm>>) dst(%arg11 : memref<2560x4xf32, #tpu.memory_space<vmem>>)
      %dma_wait3A_187 = arith.constant 0 : i32
      %dma_wait3A_188 = arith.constant 0 : i32
      %dma_wait3A_189 = tpu.memref_slice %arg2[%dma_wait3A_187, %dma_wait3A_188] : memref<100000x4xf32, #tpu.memory_space<hbm>> -> memref<100000x4xf32, #tpu.memory_space<hbm>>
      tpu.wait_indirect_dma semaphore(%arg19 : memref<!tpu.dma_semaphore, #tpu.memory_space<semaphore_mem>>) src(%dma_wait3A_189 : memref<100000x4xf32, #tpu.memory_space<hbm>>) dst(%arg12 : memref<2560x4xf32, #tpu.memory_space<vmem>>)
      %dma_wait3A_190 = arith.constant 0 : i32
      %dma_wait3A_191 = arith.constant 0 : i32
      %dma_wait3A_192 = arith.constant 0 : i32
      %dma_wait3A_193 = tpu.memref_slice %arg5[%dma_wait3A_190, %dma_wait3A_191, %dma_wait3A_192] : memref<25000x4x128xf32, #tpu.memory_space<hbm>> -> memref<20x4x128xf32, #tpu.memory_space<hbm>>
      %dma_wait3A_194 = arith.constant 0 : i32
      %dma_wait3A_195 = arith.constant 0 : i32
      %dma_wait3A_196 = arith.constant 0 : i32
      %dma_wait3A_197 = tpu.memref_slice %arg5[%dma_wait3A_194, %dma_wait3A_195, %dma_wait3A_196] : memref<25000x4x128xf32, #tpu.memory_space<hbm>> -> memref<20x4x128xf32, #tpu.memory_space<hbm>>
      tpu.wait_dma2 semaphore(%arg21 : memref<!tpu.dma_semaphore, #tpu.memory_space<semaphore_mem>>) src(%dma_wait3A_197 : memref<20x4x128xf32, #tpu.memory_space<hbm>>) dst(%arg15 : memref<20x4x128xf32, #tpu.memory_space<vmem>>)
      %add3A_198 = arith.constant 1 : i32
      %add3A_199 = arith.addi %add3A_183, %add3A_198 : i32
      %lt3A_200 = arith.cmpi slt, %add3A_199, %shift_right_logical3A_9 : i32
      %convert_element_type3A_201 = arith.extui %lt3A_200 : i1 to i32
      %cond3A_202 = arith.constant 0 : i32
      %cond3A_203 = arith.cmpi ne, %convert_element_type3A_201, %cond3A_202 : i32
      scf.if %cond3A_203 {
        %dma_wait3A_232 = arith.constant 0 : i32
        %dma_wait3A_233 = tpu.memref_slice %arg3[%dma_wait3A_232] : memref<3200000xi32, #tpu.memory_space<hbm>> -> memref<2560xi32, #tpu.memory_space<hbm>>
        %dma_wait3A_234 = arith.constant 0 : i32
        %dma_wait3A_235 = tpu.memref_slice %arg3[%dma_wait3A_234] : memref<3200000xi32, #tpu.memory_space<hbm>> -> memref<2560xi32, #tpu.memory_space<hbm>>
        tpu.wait_dma2 semaphore(%arg18 : memref<!tpu.dma_semaphore, #tpu.memory_space<semaphore_mem>>) src(%dma_wait3A_235 : memref<2560xi32, #tpu.memory_space<hbm>>) dst(%arg9 : memref<2560xi32, #tpu.memory_space<vmem>>)
        %dma_wait3A_236 = arith.constant 0 : i32
        %dma_wait3A_237 = tpu.memref_slice %arg4[%dma_wait3A_236] : memref<3200000xi32, #tpu.memory_space<hbm>> -> memref<2560xi32, #tpu.memory_space<hbm>>
        %dma_wait3A_238 = arith.constant 0 : i32
        %dma_wait3A_239 = tpu.memref_slice %arg4[%dma_wait3A_238] : memref<3200000xi32, #tpu.memory_space<hbm>> -> memref<2560xi32, #tpu.memory_space<hbm>>
        tpu.wait_dma2 semaphore(%arg18 : memref<!tpu.dma_semaphore, #tpu.memory_space<semaphore_mem>>) src(%dma_wait3A_239 : memref<2560xi32, #tpu.memory_space<hbm>>) dst(%arg10 : memref<2560xi32, #tpu.memory_space<vmem>>)
        %dma_wait3A_240 = arith.constant 0 : i32
        %dma_wait3A_241 = arith.constant 0 : i32
        %dma_wait3A_242 = arith.constant 0 : i32
        %dma_wait3A_243 = tpu.memref_slice %arg6[%dma_wait3A_240, %dma_wait3A_241, %dma_wait3A_242] : memref<25000x4x128xf32, #tpu.memory_space<hbm>> -> memref<20x4x128xf32, #tpu.memory_space<hbm>>
        %dma_wait3A_244 = arith.constant 0 : i32
        %dma_wait3A_245 = arith.constant 0 : i32
        %dma_wait3A_246 = arith.constant 0 : i32
        %dma_wait3A_247 = tpu.memref_slice %arg6[%dma_wait3A_244, %dma_wait3A_245, %dma_wait3A_246] : memref<25000x4x128xf32, #tpu.memory_space<hbm>> -> memref<20x4x128xf32, #tpu.memory_space<hbm>>
        tpu.wait_dma2 semaphore(%arg24 : memref<!tpu.dma_semaphore, #tpu.memory_space<semaphore_mem>>) src(%arg16 : memref<20x4x128xf32, #tpu.memory_space<vmem>>) dst(%dma_wait3A_247 : memref<20x4x128xf32, #tpu.memory_space<hbm>>)
        %add3A_248 = arith.constant 1 : i32
        %add3A_249 = arith.addi %add3A_183, %add3A_248 : i32
        %mul3A_250 = arith.constant 20 : i32
        %mul3A_251 = arith.muli %add3A_249, %mul3A_250 : i32
        %dma_start3A_252 = arith.constant 0 : i32
        %dma_start3A_253 = arith.constant 0 : i32
        %dma_start3A_254 = tpu.memref_slice %arg5[%mul3A_251, %dma_start3A_252, %dma_start3A_253] : memref<25000x4x128xf32, #tpu.memory_space<hbm>> -> memref<20x4x128xf32, #tpu.memory_space<hbm>>
        %dma_start3A_255 = arith.constant 0 : i32
        %dma_start3A_256 = arith.constant 0 : i32
        %dma_start3A_257 = tpu.memref_slice %arg5[%mul3A_251, %dma_start3A_255, %dma_start3A_256] : memref<25000x4x128xf32, #tpu.memory_space<hbm>> -> memref<20x4x128xf32, #tpu.memory_space<hbm>>
        tpu.enqueue_dma source(%dma_start3A_257 : memref<20x4x128xf32, #tpu.memory_space<hbm>>) target(%arg16 : memref<20x4x128xf32, #tpu.memory_space<vmem>>) target_semaphore(%arg22 : memref<!tpu.dma_semaphore, #tpu.memory_space<semaphore_mem>>)
      } else {
      }
      %add3A_204 = arith.constant 2 : i32
      %add3A_205 = arith.addi %add3A_183, %add3A_204 : i32
      %lt3A_206 = arith.cmpi slt, %add3A_205, %shift_right_logical3A_9 : i32
      %convert_element_type3A_207 = arith.extui %lt3A_206 : i1 to i32
      %cond3A_208 = arith.constant 0 : i32
      %cond3A_209 = arith.cmpi ne, %convert_element_type3A_207, %cond3A_208 : i32
      scf.if %cond3A_209 {
        %add3A_232 = arith.constant 2 : i32
        %add3A_233 = arith.addi %add3A_183, %add3A_232 : i32
        %mul3A_234 = arith.constant 2560 : i32
        %mul3A_235 = arith.muli %add3A_233, %mul3A_234 : i32
        %dma_start3A_236 = tpu.memref_slice %arg3[%mul3A_235] : memref<3200000xi32, #tpu.memory_space<hbm>> -> memref<2560xi32, #tpu.memory_space<hbm>>
        %dma_start3A_237 = tpu.memref_slice %arg3[%mul3A_235] : memref<3200000xi32, #tpu.memory_space<hbm>> -> memref<2560xi32, #tpu.memory_space<hbm>>
        tpu.enqueue_dma source(%dma_start3A_237 : memref<2560xi32, #tpu.memory_space<hbm>>) target(%arg7 : memref<2560xi32, #tpu.memory_space<vmem>>) target_semaphore(%arg17 : memref<!tpu.dma_semaphore, #tpu.memory_space<semaphore_mem>>)
        %mul3A_238 = arith.constant 2560 : i32
        %mul3A_239 = arith.muli %add3A_233, %mul3A_238 : i32
        %dma_start3A_240 = tpu.memref_slice %arg4[%mul3A_239] : memref<3200000xi32, #tpu.memory_space<hbm>> -> memref<2560xi32, #tpu.memory_space<hbm>>
        %dma_start3A_241 = tpu.memref_slice %arg4[%mul3A_239] : memref<3200000xi32, #tpu.memory_space<hbm>> -> memref<2560xi32, #tpu.memory_space<hbm>>
        tpu.enqueue_dma source(%dma_start3A_241 : memref<2560xi32, #tpu.memory_space<hbm>>) target(%arg8 : memref<2560xi32, #tpu.memory_space<vmem>>) target_semaphore(%arg17 : memref<!tpu.dma_semaphore, #tpu.memory_space<semaphore_mem>>)
      } else {
      }
      %scan3A_210 = arith.constant 0 : i32
      %scan3A_211 = arith.constant 0 : i32
      %scan3A_212 = arith.constant 160 : i32
      %scan3A_213 = arith.addi %scan3A_211, %scan3A_212 : i32
      %scan3A_214 = arith.constant 2 : i32
      %scan3A_215 = scf.for %scan3A_232 = %scan3A_211 to %scan3A_213 step %scan3A_214 iter_args(%scan3A_233 = %scan3A_210) -> (i32)  : i32 {
        %shift_right_logical3A_234 = arith.constant 3 : i32
        %shift_right_logical3A_235 = arith.shrui %scan3A_232, %shift_right_logical3A_234 : i32
        %and3A_236 = arith.constant 7 : i32
        %and3A_237 = arith.andi %scan3A_232, %and3A_236 : i32
        %mul3A_238 = arith.constant 16 : i32
        %mul3A_239 = arith.muli %mul3A_238, %and3A_237 : i32
        %mul3A_240 = arith.constant 16 : i32
        %mul3A_241 = arith.muli %scan3A_232, %mul3A_240 : i32
        %iota3A = tpu.iota {dimensions = array<i32: 0>} : vector<16xi32>
        %add3A_242 = vector.broadcast %mul3A_241 : i32 to vector<16xi32>
        %add3A_243 = arith.addi %add3A_242, %iota3A : vector<16xi32>
        %broadcast_in_dim3A = arith.constant 0 : i32
        %broadcast_in_dim3A_244 = vector.broadcast %broadcast_in_dim3A : i32 to vector<16xi32>
        %gather3A = tpu.vector_load_idx %arg11[%add3A_243, %broadcast_in_dim3A_244] : memref<2560x4xf32, #tpu.memory_space<vmem>>[vector<16xi32>, vector<16xi32>], vector<16xf32>,
        %gather3A_245 = tpu.vector_load_idx %arg12[%add3A_243, %broadcast_in_dim3A_244] : memref<2560x4xf32, #tpu.memory_space<vmem>>[vector<16xi32>, vector<16xi32>], vector<16xf32>,
        %sub3A_246 = arith.subf %gather3A_245, %gather3A : vector<16xf32>
        %get3A = arith.constant 0 : i32
        %get3A_247 = arith.index_cast %shift_right_logical3A_235 : i32 to index
        %get3A_248 = arith.index_cast %get3A : i32 to index
        %get3A_249 = arith.index_cast %mul3A_239 : i32 to index
        %get3A_250 = tpu.vector_load %arg15[%get3A_247, %get3A_248, %get3A_249] {strides = array<i32>} : memref<20x4x128xf32, #tpu.memory_space<vmem>>, vector<16xf32>,
        %add3A_251 = arith.addf %sub3A_246, %get3A_250 : vector<16xf32>
        %swap3A = arith.constant 0 : i32
        %swap3A_252 = arith.index_cast %shift_right_logical3A_235 : i32 to index
        %swap3A_253 = arith.index_cast %swap3A : i32 to index
        %swap3A_254 = arith.index_cast %mul3A_239 : i32 to index
        %swap3A_255 = tpu.vector_load %arg15[%swap3A_252, %swap3A_253, %swap3A_254] {strides = array<i32>} : memref<20x4x128xf32, #tpu.memory_space<vmem>>, vector<16xf32>,
        tpu.vector_store %arg15[%swap3A_252, %swap3A_253, %swap3A_254], %add3A_251 {strides = array<i32>} : memref<20x4x128xf32, #tpu.memory_space<vmem>>, vector<16xf32>,
        %broadcast_in_dim3A_256 = arith.constant 1 : i32
        %broadcast_in_dim3A_257 = vector.broadcast %broadcast_in_dim3A_256 : i32 to vector<16xi32>
        %gather3A_258 = tpu.vector_load_idx %arg11[%add3A_243, %broadcast_in_dim3A_257] : memref<2560x4xf32, #tpu.memory_space<vmem>>[vector<16xi32>, vector<16xi32>], vector<16xf32>,
        %gather3A_259 = tpu.vector_load_idx %arg12[%add3A_243, %broadcast_in_dim3A_257] : memref<2560x4xf32, #tpu.memory_space<vmem>>[vector<16xi32>, vector<16xi32>], vector<16xf32>,
        %sub3A_260 = arith.subf %gather3A_259, %gather3A_258 : vector<16xf32>
        %get3A_261 = arith.constant 1 : i32
        %get3A_262 = arith.index_cast %shift_right_logical3A_235 : i32 to index
        %get3A_263 = arith.index_cast %get3A_261 : i32 to index
        %get3A_264 = arith.index_cast %mul3A_239 : i32 to index
        %get3A_265 = tpu.vector_load %arg15[%get3A_262, %get3A_263, %get3A_264] {strides = array<i32>} : memref<20x4x128xf32, #tpu.memory_space<vmem>>, vector<16xf32>,
        %add3A_266 = arith.addf %sub3A_260, %get3A_265 : vector<16xf32>
        %swap3A_267 = arith.constant 1 : i32
        %swap3A_268 = arith.index_cast %shift_right_logical3A_235 : i32 to index
        %swap3A_269 = arith.index_cast %swap3A_267 : i32 to index
        %swap3A_270 = arith.index_cast %mul3A_239 : i32 to index
        %swap3A_271 = tpu.vector_load %arg15[%swap3A_268, %swap3A_269, %swap3A_270] {strides = array<i32>} : memref<20x4x128xf32, #tpu.memory_space<vmem>>, vector<16xf32>,
        tpu.vector_store %arg15[%swap3A_268, %swap3A_269, %swap3A_270], %add3A_266 {strides = array<i32>} : memref<20x4x128xf32, #tpu.memory_space<vmem>>, vector<16xf32>,
        %broadcast_in_dim3A_272 = arith.constant 2 : i32
        %broadcast_in_dim3A_273 = vector.broadcast %broadcast_in_dim3A_272 : i32 to vector<16xi32>
        %gather3A_274 = tpu.vector_load_idx %arg11[%add3A_243, %broadcast_in_dim3A_273] : memref<2560x4xf32, #tpu.memory_space<vmem>>[vector<16xi32>, vector<16xi32>], vector<16xf32>,
        %gather3A_275 = tpu.vector_load_idx %arg12[%add3A_243, %broadcast_in_dim3A_273] : memref<2560x4xf32, #tpu.memory_space<vmem>>[vector<16xi32>, vector<16xi32>], vector<16xf32>,
        %sub3A_276 = arith.subf %gather3A_275, %gather3A_274 : vector<16xf32>
        %get3A_277 = arith.constant 2 : i32
        %get3A_278 = arith.index_cast %shift_right_logical3A_235 : i32 to index
        %get3A_279 = arith.index_cast %get3A_277 : i32 to index
        %get3A_280 = arith.index_cast %mul3A_239 : i32 to index
        %get3A_281 = tpu.vector_load %arg15[%get3A_278, %get3A_279, %get3A_280] {strides = array<i32>} : memref<20x4x128xf32, #tpu.memory_space<vmem>>, vector<16xf32>,
        %add3A_282 = arith.addf %sub3A_276, %get3A_281 : vector<16xf32>
        %swap3A_283 = arith.constant 2 : i32
        %swap3A_284 = arith.index_cast %shift_right_logical3A_235 : i32 to index
        %swap3A_285 = arith.index_cast %swap3A_283 : i32 to index
        %swap3A_286 = arith.index_cast %mul3A_239 : i32 to index
        %swap3A_287 = tpu.vector_load %arg15[%swap3A_284, %swap3A_285, %swap3A_286] {strides = array<i32>} : memref<20x4x128xf32, #tpu.memory_space<vmem>>, vector<16xf32>,
        tpu.vector_store %arg15[%swap3A_284, %swap3A_285, %swap3A_286], %add3A_282 {strides = array<i32>} : memref<20x4x128xf32, #tpu.memory_space<vmem>>, vector<16xf32>,
        %scan3A_288 = arith.constant 0 : i32
        %scan3A_289 = arith.constant 1 : i32
        %scan3A_290 = arith.addi %scan3A_232, %scan3A_289 : i32
        %shift_right_logical3A_291 = arith.constant 3 : i32
        %shift_right_logical3A_292 = arith.shrui %scan3A_290, %shift_right_logical3A_291 : i32
        %and3A_293 = arith.constant 7 : i32
        %and3A_294 = arith.andi %scan3A_290, %and3A_293 : i32
        %mul3A_295 = arith.constant 16 : i32
        %mul3A_296 = arith.muli %mul3A_295, %and3A_294 : i32
        %mul3A_297 = arith.constant 16 : i32
        %mul3A_298 = arith.muli %scan3A_290, %mul3A_297 : i32
        %iota3A_299 = tpu.iota {dimensions = array<i32: 0>} : vector<16xi32>
        %add3A_300 = vector.broadcast %mul3A_298 : i32 to vector<16xi32>
        %add3A_301 = arith.addi %add3A_300, %iota3A_299 : vector<16xi32>
        %broadcast_in_dim3A_302 = arith.constant 0 : i32
        %broadcast_in_dim3A_303 = vector.broadcast %broadcast_in_dim3A_302 : i32 to vector<16xi32>
        %gather3A_304 = tpu.vector_load_idx %arg11[%add3A_301, %broadcast_in_dim3A_303] : memref<2560x4xf32, #tpu.memory_space<vmem>>[vector<16xi32>, vector<16xi32>], vector<16xf32>,
        %gather3A_305 = tpu.vector_load_idx %arg12[%add3A_301, %broadcast_in_dim3A_303] : memref<2560x4xf32, #tpu.memory_space<vmem>>[vector<16xi32>, vector<16xi32>], vector<16xf32>,
        %sub3A_306 = arith.subf %gather3A_305, %gather3A_304 : vector<16xf32>
        %get3A_307 = arith.constant 0 : i32
        %get3A_308 = arith.index_cast %shift_right_logical3A_292 : i32 to index
        %get3A_309 = arith.index_cast %get3A_307 : i32 to index
        %get3A_310 = arith.index_cast %mul3A_296 : i32 to index
        %get3A_311 = tpu.vector_load %arg15[%get3A_308, %get3A_309, %get3A_310] {strides = array<i32>} : memref<20x4x128xf32, #tpu.memory_space<vmem>>, vector<16xf32>,
        %add3A_312 = arith.addf %sub3A_306, %get3A_311 : vector<16xf32>
        %swap3A_313 = arith.constant 0 : i32
        %swap3A_314 = arith.index_cast %shift_right_logical3A_292 : i32 to index
        %swap3A_315 = arith.index_cast %swap3A_313 : i32 to index
        %swap3A_316 = arith.index_cast %mul3A_296 : i32 to index
        %swap3A_317 = tpu.vector_load %arg15[%swap3A_314, %swap3A_315, %swap3A_316] {strides = array<i32>} : memref<20x4x128xf32, #tpu.memory_space<vmem>>, vector<16xf32>,
        tpu.vector_store %arg15[%swap3A_314, %swap3A_315, %swap3A_316], %add3A_312 {strides = array<i32>} : memref<20x4x128xf32, #tpu.memory_space<vmem>>, vector<16xf32>,
        %broadcast_in_dim3A_318 = arith.constant 1 : i32
        %broadcast_in_dim3A_319 = vector.broadcast %broadcast_in_dim3A_318 : i32 to vector<16xi32>
        %gather3A_320 = tpu.vector_load_idx %arg11[%add3A_301, %broadcast_in_dim3A_319] : memref<2560x4xf32, #tpu.memory_space<vmem>>[vector<16xi32>, vector<16xi32>], vector<16xf32>,
        %gather3A_321 = tpu.vector_load_idx %arg12[%add3A_301, %broadcast_in_dim3A_319] : memref<2560x4xf32, #tpu.memory_space<vmem>>[vector<16xi32>, vector<16xi32>], vector<16xf32>,
        %sub3A_322 = arith.subf %gather3A_321, %gather3A_320 : vector<16xf32>
        %get3A_323 = arith.constant 1 : i32
        %get3A_324 = arith.index_cast %shift_right_logical3A_292 : i32 to index
        %get3A_325 = arith.index_cast %get3A_323 : i32 to index
        %get3A_326 = arith.index_cast %mul3A_296 : i32 to index
        %get3A_327 = tpu.vector_load %arg15[%get3A_324, %get3A_325, %get3A_326] {strides = array<i32>} : memref<20x4x128xf32, #tpu.memory_space<vmem>>, vector<16xf32>,
        %add3A_328 = arith.addf %sub3A_322, %get3A_327 : vector<16xf32>
        %swap3A_329 = arith.constant 1 : i32
        %swap3A_330 = arith.index_cast %shift_right_logical3A_292 : i32 to index
        %swap3A_331 = arith.index_cast %swap3A_329 : i32 to index
        %swap3A_332 = arith.index_cast %mul3A_296 : i32 to index
        %swap3A_333 = tpu.vector_load %arg15[%swap3A_330, %swap3A_331, %swap3A_332] {strides = array<i32>} : memref<20x4x128xf32, #tpu.memory_space<vmem>>, vector<16xf32>,
        tpu.vector_store %arg15[%swap3A_330, %swap3A_331, %swap3A_332], %add3A_328 {strides = array<i32>} : memref<20x4x128xf32, #tpu.memory_space<vmem>>, vector<16xf32>,
        %broadcast_in_dim3A_334 = arith.constant 2 : i32
        %broadcast_in_dim3A_335 = vector.broadcast %broadcast_in_dim3A_334 : i32 to vector<16xi32>
        %gather3A_336 = tpu.vector_load_idx %arg11[%add3A_301, %broadcast_in_dim3A_335] : memref<2560x4xf32, #tpu.memory_space<vmem>>[vector<16xi32>, vector<16xi32>], vector<16xf32>,
        %gather3A_337 = tpu.vector_load_idx %arg12[%add3A_301, %broadcast_in_dim3A_335] : memref<2560x4xf32, #tpu.memory_space<vmem>>[vector<16xi32>, vector<16xi32>], vector<16xf32>,
        %sub3A_338 = arith.subf %gather3A_337, %gather3A_336 : vector<16xf32>
        %get3A_339 = arith.constant 2 : i32
        %get3A_340 = arith.index_cast %shift_right_logical3A_292 : i32 to index
        %get3A_341 = arith.index_cast %get3A_339 : i32 to index
        %get3A_342 = arith.index_cast %mul3A_296 : i32 to index
        %get3A_343 = tpu.vector_load %arg15[%get3A_340, %get3A_341, %get3A_342] {strides = array<i32>} : memref<20x4x128xf32, #tpu.memory_space<vmem>>, vector<16xf32>,
        %add3A_344 = arith.addf %sub3A_338, %get3A_343 : vector<16xf32>
        %swap3A_345 = arith.constant 2 : i32
        %swap3A_346 = arith.index_cast %shift_right_logical3A_292 : i32 to index
        %swap3A_347 = arith.index_cast %swap3A_345 : i32 to index
        %swap3A_348 = arith.index_cast %mul3A_296 : i32 to index
        %swap3A_349 = tpu.vector_load %arg15[%swap3A_346, %swap3A_347, %swap3A_348] {strides = array<i32>} : memref<20x4x128xf32, #tpu.memory_space<vmem>>, vector<16xf32>,
        tpu.vector_store %arg15[%swap3A_346, %swap3A_347, %swap3A_348], %add3A_344 {strides = array<i32>} : memref<20x4x128xf32, #tpu.memory_space<vmem>>, vector<16xf32>,
        %scan3A_350 = arith.constant 0 : i32
        scf.yield %scan3A_350 : i32
      }
      %scan3A_216 = arith.constant 160 : i32
      %add3A_217 = arith.constant 1 : i32
      %add3A_218 = arith.addi %add3A_183, %add3A_217 : i32
      %lt3A_219 = arith.cmpi slt, %add3A_218, %shift_right_logical3A_9 : i32
      %convert_element_type3A_220 = arith.extui %lt3A_219 : i1 to i32
      %cond3A_221 = arith.constant 0 : i32
      %cond3A_222 = arith.cmpi ne, %convert_element_type3A_220, %cond3A_221 : i32
      scf.if %cond3A_222 {
        %dma_start3A_232 = arith.constant 0 : i32
        %dma_start3A_233 = arith.constant 0 : i32
        %dma_start3A_234 = tpu.memref_slice %arg2[%dma_start3A_232, %dma_start3A_233] : memref<100000x4xf32, #tpu.memory_space<hbm>> -> memref<100000x4xf32, #tpu.memory_space<hbm>>
        tpu.enqueue_indirect_dma source(%dma_start3A_234 : memref<100000x4xf32, #tpu.memory_space<hbm>>) target(%arg13 : memref<2560x4xf32, #tpu.memory_space<vmem>>) offsets(%arg9 : memref<2560xi32, #tpu.memory_space<vmem>>) semaphore(%arg20 : memref<!tpu.dma_semaphore, #tpu.memory_space<semaphore_mem>>)
        %dma_start3A_235 = arith.constant 0 : i32
        %dma_start3A_236 = arith.constant 0 : i32
        %dma_start3A_237 = tpu.memref_slice %arg2[%dma_start3A_235, %dma_start3A_236] : memref<100000x4xf32, #tpu.memory_space<hbm>> -> memref<100000x4xf32, #tpu.memory_space<hbm>>
        tpu.enqueue_indirect_dma source(%dma_start3A_237 : memref<100000x4xf32, #tpu.memory_space<hbm>>) target(%arg14 : memref<2560x4xf32, #tpu.memory_space<vmem>>) offsets(%arg10 : memref<2560xi32, #tpu.memory_space<vmem>>) semaphore(%arg20 : memref<!tpu.dma_semaphore, #tpu.memory_space<semaphore_mem>>)
      } else {
      }
      %mul3A_223 = arith.constant 20 : i32
      %mul3A_224 = arith.muli %add3A_183, %mul3A_223 : i32
      %dma_start3A_225 = arith.constant 0 : i32
      %dma_start3A_226 = arith.constant 0 : i32
      %dma_start3A_227 = tpu.memref_slice %arg6[%mul3A_224, %dma_start3A_225, %dma_start3A_226] : memref<25000x4x128xf32, #tpu.memory_space<hbm>> -> memref<20x4x128xf32, #tpu.memory_space<hbm>>
      %dma_start3A_228 = arith.constant 0 : i32
      %dma_start3A_229 = arith.constant 0 : i32
      %dma_start3A_230 = tpu.memref_slice %arg6[%mul3A_224, %dma_start3A_228, %dma_start3A_229] : memref<25000x4x128xf32, #tpu.memory_space<hbm>> -> memref<20x4x128xf32, #tpu.memory_space<hbm>>
      tpu.enqueue_dma source(%arg15 : memref<20x4x128xf32, #tpu.memory_space<vmem>>) target(%dma_start3A_230 : memref<20x4x128xf32, #tpu.memory_space<hbm>>) target_semaphore(%arg23 : memref<!tpu.dma_semaphore, #tpu.memory_space<semaphore_mem>>)
      %while3A_231 = arith.constant 0 : i32
      scf.yield %while3A_231 : i32
    }
    %and3A = arith.constant 1 : i32
    %and3A_106 = arith.andi %sub3A, %and3A : i32
    %eq3A = arith.constant 0 : i32
    %eq3A_107 = arith.cmpi eq, %and3A_106, %eq3A : i32
    %convert_element_type3A_108 = arith.extui %eq3A_107 : i1 to i32
    %cond3A_109 = arith.constant 0 : i32
    %cond3A_110 = arith.cmpi ne, %convert_element_type3A_108, %cond3A_109 : i32
    scf.if %cond3A_110 {
      %sub3A_127 = arith.constant 1 : i32
      %sub3A_128 = arith.subi %shift_right_logical3A_9, %sub3A_127 : i32
      %dma_wait3A_129 = arith.constant 0 : i32
      %dma_wait3A_130 = arith.constant 0 : i32
      %dma_wait3A_131 = tpu.memref_slice %arg2[%dma_wait3A_129, %dma_wait3A_130] : memref<100000x4xf32, #tpu.memory_space<hbm>> -> memref<100000x4xf32, #tpu.memory_space<hbm>>
      tpu.wait_indirect_dma semaphore(%arg20 : memref<!tpu.dma_semaphore, #tpu.memory_space<semaphore_mem>>) src(%dma_wait3A_131 : memref<100000x4xf32, #tpu.memory_space<hbm>>) dst(%arg13 : memref<2560x4xf32, #tpu.memory_space<vmem>>)
      %dma_wait3A_132 = arith.constant 0 : i32
      %dma_wait3A_133 = arith.constant 0 : i32
      %dma_wait3A_134 = tpu.memref_slice %arg2[%dma_wait3A_132, %dma_wait3A_133] : memref<100000x4xf32, #tpu.memory_space<hbm>> -> memref<100000x4xf32, #tpu.memory_space<hbm>>
      tpu.wait_indirect_dma semaphore(%arg20 : memref<!tpu.dma_semaphore, #tpu.memory_space<semaphore_mem>>) src(%dma_wait3A_134 : memref<100000x4xf32, #tpu.memory_space<hbm>>) dst(%arg14 : memref<2560x4xf32, #tpu.memory_space<vmem>>)
      %dma_wait3A_135 = arith.constant 0 : i32
      %dma_wait3A_136 = arith.constant 0 : i32
      %dma_wait3A_137 = arith.constant 0 : i32
      %dma_wait3A_138 = tpu.memref_slice %arg5[%dma_wait3A_135, %dma_wait3A_136, %dma_wait3A_137] : memref<25000x4x128xf32, #tpu.memory_space<hbm>> -> memref<20x4x128xf32, #tpu.memory_space<hbm>>
      %dma_wait3A_139 = arith.constant 0 : i32
      %dma_wait3A_140 = arith.constant 0 : i32
      %dma_wait3A_141 = arith.constant 0 : i32
      %dma_wait3A_142 = tpu.memref_slice %arg5[%dma_wait3A_139, %dma_wait3A_140, %dma_wait3A_141] : memref<25000x4x128xf32, #tpu.memory_space<hbm>> -> memref<20x4x128xf32, #tpu.memory_space<hbm>>
      tpu.wait_dma2 semaphore(%arg22 : memref<!tpu.dma_semaphore, #tpu.memory_space<semaphore_mem>>) src(%dma_wait3A_142 : memref<20x4x128xf32, #tpu.memory_space<hbm>>) dst(%arg16 : memref<20x4x128xf32, #tpu.memory_space<vmem>>)
      %add3A_143 = arith.constant 1 : i32
      %add3A_144 = arith.addi %sub3A_128, %add3A_143 : i32
      %lt3A_145 = arith.cmpi slt, %add3A_144, %shift_right_logical3A_9 : i32
      %convert_element_type3A_146 = arith.extui %lt3A_145 : i1 to i32
      %cond3A_147 = arith.constant 0 : i32
      %cond3A_148 = arith.cmpi ne, %convert_element_type3A_146, %cond3A_147 : i32
      scf.if %cond3A_148 {
        %dma_wait3A_176 = arith.constant 0 : i32
        %dma_wait3A_177 = tpu.memref_slice %arg3[%dma_wait3A_176] : memref<3200000xi32, #tpu.memory_space<hbm>> -> memref<2560xi32, #tpu.memory_space<hbm>>
        %dma_wait3A_178 = arith.constant 0 : i32
        %dma_wait3A_179 = tpu.memref_slice %arg3[%dma_wait3A_178] : memref<3200000xi32, #tpu.memory_space<hbm>> -> memref<2560xi32, #tpu.memory_space<hbm>>
        tpu.wait_dma2 semaphore(%arg17 : memref<!tpu.dma_semaphore, #tpu.memory_space<semaphore_mem>>) src(%dma_wait3A_179 : memref<2560xi32, #tpu.memory_space<hbm>>) dst(%arg7 : memref<2560xi32, #tpu.memory_space<vmem>>)
        %dma_wait3A_180 = arith.constant 0 : i32
        %dma_wait3A_181 = tpu.memref_slice %arg4[%dma_wait3A_180] : memref<3200000xi32, #tpu.memory_space<hbm>> -> memref<2560xi32, #tpu.memory_space<hbm>>
        %dma_wait3A_182 = arith.constant 0 : i32
        %dma_wait3A_183 = tpu.memref_slice %arg4[%dma_wait3A_182] : memref<3200000xi32, #tpu.memory_space<hbm>> -> memref<2560xi32, #tpu.memory_space<hbm>>
        tpu.wait_dma2 semaphore(%arg17 : memref<!tpu.dma_semaphore, #tpu.memory_space<semaphore_mem>>) src(%dma_wait3A_183 : memref<2560xi32, #tpu.memory_space<hbm>>) dst(%arg8 : memref<2560xi32, #tpu.memory_space<vmem>>)
        %dma_wait3A_184 = arith.constant 0 : i32
        %dma_wait3A_185 = arith.constant 0 : i32
        %dma_wait3A_186 = arith.constant 0 : i32
        %dma_wait3A_187 = tpu.memref_slice %arg6[%dma_wait3A_184, %dma_wait3A_185, %dma_wait3A_186] : memref<25000x4x128xf32, #tpu.memory_space<hbm>> -> memref<20x4x128xf32, #tpu.memory_space<hbm>>
        %dma_wait3A_188 = arith.constant 0 : i32
        %dma_wait3A_189 = arith.constant 0 : i32
        %dma_wait3A_190 = arith.constant 0 : i32
        %dma_wait3A_191 = tpu.memref_slice %arg6[%dma_wait3A_188, %dma_wait3A_189, %dma_wait3A_190] : memref<25000x4x128xf32, #tpu.memory_space<hbm>> -> memref<20x4x128xf32, #tpu.memory_space<hbm>>
        tpu.wait_dma2 semaphore(%arg23 : memref<!tpu.dma_semaphore, #tpu.memory_space<semaphore_mem>>) src(%arg15 : memref<20x4x128xf32, #tpu.memory_space<vmem>>) dst(%dma_wait3A_191 : memref<20x4x128xf32, #tpu.memory_space<hbm>>)
        %add3A_192 = arith.constant 1 : i32
        %add3A_193 = arith.addi %sub3A_128, %add3A_192 : i32
        %mul3A_194 = arith.constant 20 : i32
        %mul3A_195 = arith.muli %add3A_193, %mul3A_194 : i32
        %dma_start3A_196 = arith.constant 0 : i32
        %dma_start3A_197 = arith.constant 0 : i32
        %dma_start3A_198 = tpu.memref_slice %arg5[%mul3A_195, %dma_start3A_196, %dma_start3A_197] : memref<25000x4x128xf32, #tpu.memory_space<hbm>> -> memref<20x4x128xf32, #tpu.memory_space<hbm>>
        %dma_start3A_199 = arith.constant 0 : i32
        %dma_start3A_200 = arith.constant 0 : i32
        %dma_start3A_201 = tpu.memref_slice %arg5[%mul3A_195, %dma_start3A_199, %dma_start3A_200] : memref<25000x4x128xf32, #tpu.memory_space<hbm>> -> memref<20x4x128xf32, #tpu.memory_space<hbm>>
        tpu.enqueue_dma source(%dma_start3A_201 : memref<20x4x128xf32, #tpu.memory_space<hbm>>) target(%arg15 : memref<20x4x128xf32, #tpu.memory_space<vmem>>) target_semaphore(%arg21 : memref<!tpu.dma_semaphore, #tpu.memory_space<semaphore_mem>>)
      } else {
      }
      %add3A_149 = arith.constant 2 : i32
      %add3A_150 = arith.addi %sub3A_128, %add3A_149 : i32
      %lt3A_151 = arith.cmpi slt, %add3A_150, %shift_right_logical3A_9 : i32
      %convert_element_type3A_152 = arith.extui %lt3A_151 : i1 to i32
      %cond3A_153 = arith.constant 0 : i32
      %cond3A_154 = arith.cmpi ne, %convert_element_type3A_152, %cond3A_153 : i32
      scf.if %cond3A_154 {
        %add3A_176 = arith.constant 2 : i32
        %add3A_177 = arith.addi %sub3A_128, %add3A_176 : i32
        %mul3A_178 = arith.constant 2560 : i32
        %mul3A_179 = arith.muli %add3A_177, %mul3A_178 : i32
        %dma_start3A_180 = tpu.memref_slice %arg3[%mul3A_179] : memref<3200000xi32, #tpu.memory_space<hbm>> -> memref<2560xi32, #tpu.memory_space<hbm>>
        %dma_start3A_181 = tpu.memref_slice %arg3[%mul3A_179] : memref<3200000xi32, #tpu.memory_space<hbm>> -> memref<2560xi32, #tpu.memory_space<hbm>>
        tpu.enqueue_dma source(%dma_start3A_181 : memref<2560xi32, #tpu.memory_space<hbm>>) target(%arg9 : memref<2560xi32, #tpu.memory_space<vmem>>) target_semaphore(%arg18 : memref<!tpu.dma_semaphore, #tpu.memory_space<semaphore_mem>>)
        %mul3A_182 = arith.constant 2560 : i32
        %mul3A_183 = arith.muli %add3A_177, %mul3A_182 : i32
        %dma_start3A_184 = tpu.memref_slice %arg4[%mul3A_183] : memref<3200000xi32, #tpu.memory_space<hbm>> -> memref<2560xi32, #tpu.memory_space<hbm>>
        %dma_start3A_185 = tpu.memref_slice %arg4[%mul3A_183] : memref<3200000xi32, #tpu.memory_space<hbm>> -> memref<2560xi32, #tpu.memory_space<hbm>>
        tpu.enqueue_dma source(%dma_start3A_185 : memref<2560xi32, #tpu.memory_space<hbm>>) target(%arg10 : memref<2560xi32, #tpu.memory_space<vmem>>) target_semaphore(%arg18 : memref<!tpu.dma_semaphore, #tpu.memory_space<semaphore_mem>>)
      } else {
      }
      %scan3A_155 = arith.constant 0 : i32
      %scan3A_156 = arith.constant 0 : i32
      %scan3A_157 = arith.constant 160 : i32
      %scan3A_158 = arith.addi %scan3A_156, %scan3A_157 : i32
      %scan3A_159 = arith.constant 2 : i32
      %scan3A_160 = scf.for %scan3A_176 = %scan3A_156 to %scan3A_158 step %scan3A_159 iter_args(%scan3A_177 = %scan3A_155) -> (i32)  : i32 {
        %shift_right_logical3A_178 = arith.constant 3 : i32
        %shift_right_logical3A_179 = arith.shrui %scan3A_176, %shift_right_logical3A_178 : i32
        %and3A_180 = arith.constant 7 : i32
        %and3A_181 = arith.andi %scan3A_176, %and3A_180 : i32
        %mul3A_182 = arith.constant 16 : i32
        %mul3A_183 = arith.muli %mul3A_182, %and3A_181 : i32
        %mul3A_184 = arith.constant 16 : i32
        %mul3A_185 = arith.muli %scan3A_176, %mul3A_184 : i32
        %iota3A = tpu.iota {dimensions = array<i32: 0>} : vector<16xi32>
        %add3A_186 = vector.broadcast %mul3A_185 : i32 to vector<16xi32>
        %add3A_187 = arith.addi %add3A_186, %iota3A : vector<16xi32>
        %broadcast_in_dim3A = arith.constant 0 : i32
        %broadcast_in_dim3A_188 = vector.broadcast %broadcast_in_dim3A : i32 to vector<16xi32>
        %gather3A = tpu.vector_load_idx %arg13[%add3A_187, %broadcast_in_dim3A_188] : memref<2560x4xf32, #tpu.memory_space<vmem>>[vector<16xi32>, vector<16xi32>], vector<16xf32>,
        %gather3A_189 = tpu.vector_load_idx %arg14[%add3A_187, %broadcast_in_dim3A_188] : memref<2560x4xf32, #tpu.memory_space<vmem>>[vector<16xi32>, vector<16xi32>], vector<16xf32>,
        %sub3A_190 = arith.subf %gather3A_189, %gather3A : vector<16xf32>
        %get3A = arith.constant 0 : i32
        %get3A_191 = arith.index_cast %shift_right_logical3A_179 : i32 to index
        %get3A_192 = arith.index_cast %get3A : i32 to index
        %get3A_193 = arith.index_cast %mul3A_183 : i32 to index
        %get3A_194 = tpu.vector_load %arg16[%get3A_191, %get3A_192, %get3A_193] {strides = array<i32>} : memref<20x4x128xf32, #tpu.memory_space<vmem>>, vector<16xf32>,
        %add3A_195 = arith.addf %sub3A_190, %get3A_194 : vector<16xf32>
        %swap3A = arith.constant 0 : i32
        %swap3A_196 = arith.index_cast %shift_right_logical3A_179 : i32 to index
        %swap3A_197 = arith.index_cast %swap3A : i32 to index
        %swap3A_198 = arith.index_cast %mul3A_183 : i32 to index
        %swap3A_199 = tpu.vector_load %arg16[%swap3A_196, %swap3A_197, %swap3A_198] {strides = array<i32>} : memref<20x4x128xf32, #tpu.memory_space<vmem>>, vector<16xf32>,
        tpu.vector_store %arg16[%swap3A_196, %swap3A_197, %swap3A_198], %add3A_195 {strides = array<i32>} : memref<20x4x128xf32, #tpu.memory_space<vmem>>, vector<16xf32>,
        %broadcast_in_dim3A_200 = arith.constant 1 : i32
        %broadcast_in_dim3A_201 = vector.broadcast %broadcast_in_dim3A_200 : i32 to vector<16xi32>
        %gather3A_202 = tpu.vector_load_idx %arg13[%add3A_187, %broadcast_in_dim3A_201] : memref<2560x4xf32, #tpu.memory_space<vmem>>[vector<16xi32>, vector<16xi32>], vector<16xf32>,
        %gather3A_203 = tpu.vector_load_idx %arg14[%add3A_187, %broadcast_in_dim3A_201] : memref<2560x4xf32, #tpu.memory_space<vmem>>[vector<16xi32>, vector<16xi32>], vector<16xf32>,
        %sub3A_204 = arith.subf %gather3A_203, %gather3A_202 : vector<16xf32>
        %get3A_205 = arith.constant 1 : i32
        %get3A_206 = arith.index_cast %shift_right_logical3A_179 : i32 to index
        %get3A_207 = arith.index_cast %get3A_205 : i32 to index
        %get3A_208 = arith.index_cast %mul3A_183 : i32 to index
        %get3A_209 = tpu.vector_load %arg16[%get3A_206, %get3A_207, %get3A_208] {strides = array<i32>} : memref<20x4x128xf32, #tpu.memory_space<vmem>>, vector<16xf32>,
        %add3A_210 = arith.addf %sub3A_204, %get3A_209 : vector<16xf32>
        %swap3A_211 = arith.constant 1 : i32
        %swap3A_212 = arith.index_cast %shift_right_logical3A_179 : i32 to index
        %swap3A_213 = arith.index_cast %swap3A_211 : i32 to index
        %swap3A_214 = arith.index_cast %mul3A_183 : i32 to index
        %swap3A_215 = tpu.vector_load %arg16[%swap3A_212, %swap3A_213, %swap3A_214] {strides = array<i32>} : memref<20x4x128xf32, #tpu.memory_space<vmem>>, vector<16xf32>,
        tpu.vector_store %arg16[%swap3A_212, %swap3A_213, %swap3A_214], %add3A_210 {strides = array<i32>} : memref<20x4x128xf32, #tpu.memory_space<vmem>>, vector<16xf32>,
        %broadcast_in_dim3A_216 = arith.constant 2 : i32
        %broadcast_in_dim3A_217 = vector.broadcast %broadcast_in_dim3A_216 : i32 to vector<16xi32>
        %gather3A_218 = tpu.vector_load_idx %arg13[%add3A_187, %broadcast_in_dim3A_217] : memref<2560x4xf32, #tpu.memory_space<vmem>>[vector<16xi32>, vector<16xi32>], vector<16xf32>,
        %gather3A_219 = tpu.vector_load_idx %arg14[%add3A_187, %broadcast_in_dim3A_217] : memref<2560x4xf32, #tpu.memory_space<vmem>>[vector<16xi32>, vector<16xi32>], vector<16xf32>,
        %sub3A_220 = arith.subf %gather3A_219, %gather3A_218 : vector<16xf32>
        %get3A_221 = arith.constant 2 : i32
        %get3A_222 = arith.index_cast %shift_right_logical3A_179 : i32 to index
        %get3A_223 = arith.index_cast %get3A_221 : i32 to index
        %get3A_224 = arith.index_cast %mul3A_183 : i32 to index
        %get3A_225 = tpu.vector_load %arg16[%get3A_222, %get3A_223, %get3A_224] {strides = array<i32>} : memref<20x4x128xf32, #tpu.memory_space<vmem>>, vector<16xf32>,
        %add3A_226 = arith.addf %sub3A_220, %get3A_225 : vector<16xf32>
        %swap3A_227 = arith.constant 2 : i32
        %swap3A_228 = arith.index_cast %shift_right_logical3A_179 : i32 to index
        %swap3A_229 = arith.index_cast %swap3A_227 : i32 to index
        %swap3A_230 = arith.index_cast %mul3A_183 : i32 to index
        %swap3A_231 = tpu.vector_load %arg16[%swap3A_228, %swap3A_229, %swap3A_230] {strides = array<i32>} : memref<20x4x128xf32, #tpu.memory_space<vmem>>, vector<16xf32>,
        tpu.vector_store %arg16[%swap3A_228, %swap3A_229, %swap3A_230], %add3A_226 {strides = array<i32>} : memref<20x4x128xf32, #tpu.memory_space<vmem>>, vector<16xf32>,
        %scan3A_232 = arith.constant 0 : i32
        %scan3A_233 = arith.constant 1 : i32
        %scan3A_234 = arith.addi %scan3A_176, %scan3A_233 : i32
        %shift_right_logical3A_235 = arith.constant 3 : i32
        %shift_right_logical3A_236 = arith.shrui %scan3A_234, %shift_right_logical3A_235 : i32
        %and3A_237 = arith.constant 7 : i32
        %and3A_238 = arith.andi %scan3A_234, %and3A_237 : i32
        %mul3A_239 = arith.constant 16 : i32
        %mul3A_240 = arith.muli %mul3A_239, %and3A_238 : i32
        %mul3A_241 = arith.constant 16 : i32
        %mul3A_242 = arith.muli %scan3A_234, %mul3A_241 : i32
        %iota3A_243 = tpu.iota {dimensions = array<i32: 0>} : vector<16xi32>
        %add3A_244 = vector.broadcast %mul3A_242 : i32 to vector<16xi32>
        %add3A_245 = arith.addi %add3A_244, %iota3A_243 : vector<16xi32>
        %broadcast_in_dim3A_246 = arith.constant 0 : i32
        %broadcast_in_dim3A_247 = vector.broadcast %broadcast_in_dim3A_246 : i32 to vector<16xi32>
        %gather3A_248 = tpu.vector_load_idx %arg13[%add3A_245, %broadcast_in_dim3A_247] : memref<2560x4xf32, #tpu.memory_space<vmem>>[vector<16xi32>, vector<16xi32>], vector<16xf32>,
        %gather3A_249 = tpu.vector_load_idx %arg14[%add3A_245, %broadcast_in_dim3A_247] : memref<2560x4xf32, #tpu.memory_space<vmem>>[vector<16xi32>, vector<16xi32>], vector<16xf32>,
        %sub3A_250 = arith.subf %gather3A_249, %gather3A_248 : vector<16xf32>
        %get3A_251 = arith.constant 0 : i32
        %get3A_252 = arith.index_cast %shift_right_logical3A_236 : i32 to index
        %get3A_253 = arith.index_cast %get3A_251 : i32 to index
        %get3A_254 = arith.index_cast %mul3A_240 : i32 to index
        %get3A_255 = tpu.vector_load %arg16[%get3A_252, %get3A_253, %get3A_254] {strides = array<i32>} : memref<20x4x128xf32, #tpu.memory_space<vmem>>, vector<16xf32>,
        %add3A_256 = arith.addf %sub3A_250, %get3A_255 : vector<16xf32>
        %swap3A_257 = arith.constant 0 : i32
        %swap3A_258 = arith.index_cast %shift_right_logical3A_236 : i32 to index
        %swap3A_259 = arith.index_cast %swap3A_257 : i32 to index
        %swap3A_260 = arith.index_cast %mul3A_240 : i32 to index
        %swap3A_261 = tpu.vector_load %arg16[%swap3A_258, %swap3A_259, %swap3A_260] {strides = array<i32>} : memref<20x4x128xf32, #tpu.memory_space<vmem>>, vector<16xf32>,
        tpu.vector_store %arg16[%swap3A_258, %swap3A_259, %swap3A_260], %add3A_256 {strides = array<i32>} : memref<20x4x128xf32, #tpu.memory_space<vmem>>, vector<16xf32>,
        %broadcast_in_dim3A_262 = arith.constant 1 : i32
        %broadcast_in_dim3A_263 = vector.broadcast %broadcast_in_dim3A_262 : i32 to vector<16xi32>
        %gather3A_264 = tpu.vector_load_idx %arg13[%add3A_245, %broadcast_in_dim3A_263] : memref<2560x4xf32, #tpu.memory_space<vmem>>[vector<16xi32>, vector<16xi32>], vector<16xf32>,
        %gather3A_265 = tpu.vector_load_idx %arg14[%add3A_245, %broadcast_in_dim3A_263] : memref<2560x4xf32, #tpu.memory_space<vmem>>[vector<16xi32>, vector<16xi32>], vector<16xf32>,
        %sub3A_266 = arith.subf %gather3A_265, %gather3A_264 : vector<16xf32>
        %get3A_267 = arith.constant 1 : i32
        %get3A_268 = arith.index_cast %shift_right_logical3A_236 : i32 to index
        %get3A_269 = arith.index_cast %get3A_267 : i32 to index
        %get3A_270 = arith.index_cast %mul3A_240 : i32 to index
        %get3A_271 = tpu.vector_load %arg16[%get3A_268, %get3A_269, %get3A_270] {strides = array<i32>} : memref<20x4x128xf32, #tpu.memory_space<vmem>>, vector<16xf32>,
        %add3A_272 = arith.addf %sub3A_266, %get3A_271 : vector<16xf32>
        %swap3A_273 = arith.constant 1 : i32
        %swap3A_274 = arith.index_cast %shift_right_logical3A_236 : i32 to index
        %swap3A_275 = arith.index_cast %swap3A_273 : i32 to index
        %swap3A_276 = arith.index_cast %mul3A_240 : i32 to index
        %swap3A_277 = tpu.vector_load %arg16[%swap3A_274, %swap3A_275, %swap3A_276] {strides = array<i32>} : memref<20x4x128xf32, #tpu.memory_space<vmem>>, vector<16xf32>,
        tpu.vector_store %arg16[%swap3A_274, %swap3A_275, %swap3A_276], %add3A_272 {strides = array<i32>} : memref<20x4x128xf32, #tpu.memory_space<vmem>>, vector<16xf32>,
        %broadcast_in_dim3A_278 = arith.constant 2 : i32
        %broadcast_in_dim3A_279 = vector.broadcast %broadcast_in_dim3A_278 : i32 to vector<16xi32>
        %gather3A_280 = tpu.vector_load_idx %arg13[%add3A_245, %broadcast_in_dim3A_279] : memref<2560x4xf32, #tpu.memory_space<vmem>>[vector<16xi32>, vector<16xi32>], vector<16xf32>,
        %gather3A_281 = tpu.vector_load_idx %arg14[%add3A_245, %broadcast_in_dim3A_279] : memref<2560x4xf32, #tpu.memory_space<vmem>>[vector<16xi32>, vector<16xi32>], vector<16xf32>,
        %sub3A_282 = arith.subf %gather3A_281, %gather3A_280 : vector<16xf32>
        %get3A_283 = arith.constant 2 : i32
        %get3A_284 = arith.index_cast %shift_right_logical3A_236 : i32 to index
        %get3A_285 = arith.index_cast %get3A_283 : i32 to index
        %get3A_286 = arith.index_cast %mul3A_240 : i32 to index
        %get3A_287 = tpu.vector_load %arg16[%get3A_284, %get3A_285, %get3A_286] {strides = array<i32>} : memref<20x4x128xf32, #tpu.memory_space<vmem>>, vector<16xf32>,
        %add3A_288 = arith.addf %sub3A_282, %get3A_287 : vector<16xf32>
        %swap3A_289 = arith.constant 2 : i32
        %swap3A_290 = arith.index_cast %shift_right_logical3A_236 : i32 to index
        %swap3A_291 = arith.index_cast %swap3A_289 : i32 to index
        %swap3A_292 = arith.index_cast %mul3A_240 : i32 to index
        %swap3A_293 = tpu.vector_load %arg16[%swap3A_290, %swap3A_291, %swap3A_292] {strides = array<i32>} : memref<20x4x128xf32, #tpu.memory_space<vmem>>, vector<16xf32>,
        tpu.vector_store %arg16[%swap3A_290, %swap3A_291, %swap3A_292], %add3A_288 {strides = array<i32>} : memref<20x4x128xf32, #tpu.memory_space<vmem>>, vector<16xf32>,
        %scan3A_294 = arith.constant 0 : i32
        scf.yield %scan3A_294 : i32
      }
      %scan3A_161 = arith.constant 160 : i32
      %add3A_162 = arith.constant 1 : i32
      %add3A_163 = arith.addi %sub3A_128, %add3A_162 : i32
      %lt3A_164 = arith.cmpi slt, %add3A_163, %shift_right_logical3A_9 : i32
      %convert_element_type3A_165 = arith.extui %lt3A_164 : i1 to i32
      %cond3A_166 = arith.constant 0 : i32
      %cond3A_167 = arith.cmpi ne, %convert_element_type3A_165, %cond3A_166 : i32
      scf.if %cond3A_167 {
        %dma_start3A_176 = arith.constant 0 : i32
        %dma_start3A_177 = arith.constant 0 : i32
        %dma_start3A_178 = tpu.memref_slice %arg2[%dma_start3A_176, %dma_start3A_177] : memref<100000x4xf32, #tpu.memory_space<hbm>> -> memref<100000x4xf32, #tpu.memory_space<hbm>>
        tpu.enqueue_indirect_dma source(%dma_start3A_178 : memref<100000x4xf32, #tpu.memory_space<hbm>>) target(%arg11 : memref<2560x4xf32, #tpu.memory_space<vmem>>) offsets(%arg7 : memref<2560xi32, #tpu.memory_space<vmem>>) semaphore(%arg19 : memref<!tpu.dma_semaphore, #tpu.memory_space<semaphore_mem>>)
        %dma_start3A_179 = arith.constant 0 : i32
        %dma_start3A_180 = arith.constant 0 : i32
        %dma_start3A_181 = tpu.memref_slice %arg2[%dma_start3A_179, %dma_start3A_180] : memref<100000x4xf32, #tpu.memory_space<hbm>> -> memref<100000x4xf32, #tpu.memory_space<hbm>>
        tpu.enqueue_indirect_dma source(%dma_start3A_181 : memref<100000x4xf32, #tpu.memory_space<hbm>>) target(%arg12 : memref<2560x4xf32, #tpu.memory_space<vmem>>) offsets(%arg8 : memref<2560xi32, #tpu.memory_space<vmem>>) semaphore(%arg19 : memref<!tpu.dma_semaphore, #tpu.memory_space<semaphore_mem>>)
      } else {
      }
      %mul3A_168 = arith.constant 20 : i32
      %mul3A_169 = arith.muli %sub3A_128, %mul3A_168 : i32
      %dma_start3A_170 = arith.constant 0 : i32
      %dma_start3A_171 = arith.constant 0 : i32
      %dma_start3A_172 = tpu.memref_slice %arg6[%mul3A_169, %dma_start3A_170, %dma_start3A_171] : memref<25000x4x128xf32, #tpu.memory_space<hbm>> -> memref<20x4x128xf32, #tpu.memory_space<hbm>>
      %dma_start3A_173 = arith.constant 0 : i32
      %dma_start3A_174 = arith.constant 0 : i32
      %dma_start3A_175 = tpu.memref_slice %arg6[%mul3A_169, %dma_start3A_173, %dma_start3A_174] : memref<25000x4x128xf32, #tpu.memory_space<hbm>> -> memref<20x4x128xf32, #tpu.memory_space<hbm>>
      tpu.enqueue_dma source(%arg16 : memref<20x4x128xf32, #tpu.memory_space<vmem>>) target(%dma_start3A_175 : memref<20x4x128xf32, #tpu.memory_space<hbm>>) target_semaphore(%arg24 : memref<!tpu.dma_semaphore, #tpu.memory_space<semaphore_mem>>)
    } else {
    }
    %dma_wait3A_111 = arith.constant 0 : i32
    %dma_wait3A_112 = arith.constant 0 : i32
    %dma_wait3A_113 = arith.constant 0 : i32
    %dma_wait3A_114 = tpu.memref_slice %arg6[%dma_wait3A_111, %dma_wait3A_112, %dma_wait3A_113] : memref<25000x4x128xf32, #tpu.memory_space<hbm>> -> memref<20x4x128xf32, #tpu.memory_space<hbm>>
    %dma_wait3A_115 = arith.constant 0 : i32
    %dma_wait3A_116 = arith.constant 0 : i32
    %dma_wait3A_117 = arith.constant 0 : i32
    %dma_wait3A_118 = tpu.memref_slice %arg6[%dma_wait3A_115, %dma_wait3A_116, %dma_wait3A_117] : memref<25000x4x128xf32, #tpu.memory_space<hbm>> -> memref<20x4x128xf32, #tpu.memory_space<hbm>>
    tpu.wait_dma2 semaphore(%arg23 : memref<!tpu.dma_semaphore, #tpu.memory_space<semaphore_mem>>) src(%arg15 : memref<20x4x128xf32, #tpu.memory_space<vmem>>) dst(%dma_wait3A_118 : memref<20x4x128xf32, #tpu.memory_space<hbm>>)
    %dma_wait3A_119 = arith.constant 0 : i32
    %dma_wait3A_120 = arith.constant 0 : i32
    %dma_wait3A_121 = arith.constant 0 : i32
    %dma_wait3A_122 = tpu.memref_slice %arg6[%dma_wait3A_119, %dma_wait3A_120, %dma_wait3A_121] : memref<25000x4x128xf32, #tpu.memory_space<hbm>> -> memref<20x4x128xf32, #tpu.memory_space<hbm>>
    %dma_wait3A_123 = arith.constant 0 : i32
    %dma_wait3A_124 = arith.constant 0 : i32
    %dma_wait3A_125 = arith.constant 0 : i32
    %dma_wait3A_126 = tpu.memref_slice %arg6[%dma_wait3A_123, %dma_wait3A_124, %dma_wait3A_125] : memref<25000x4x128xf32, #tpu.memory_space<hbm>> -> memref<20x4x128xf32, #tpu.memory_space<hbm>>
    tpu.wait_dma2 semaphore(%arg24 : memref<!tpu.dma_semaphore, #tpu.memory_space<semaphore_mem>>) src(%arg16 : memref<20x4x128xf32, #tpu.memory_space<vmem>>) dst(%dma_wait3A_126 : memref<20x4x128xf32, #tpu.memory_space<hbm>>)
    return
  }
}

</mosaic_0001>

<sc_bundles>
// kernel: kernel.3.cloned.1.call-start
scs
__scs_entry_jumppad:
0x0: {  	(pc) =	sbr.rel $0x88, $3  }
0x1: {  	(tag) =	ssettag $0x0;
	lr =	simm.s32 $0x1  }
0x2: {  	[smem:$0x3F9D] =	sst lr;
	_ =	strace $0xD0000000  }
0x3: {  	_ = 	snop  }
0x4: {  	_ = 	snop  }
0x5: {  	_ = 	snop  }
0x6: {  	_ = 	snop  }
0x7: {  	_ = 	snop  }
__scs_overlays_trampoline_lowered:
0x8: {  	[smem:$0x3FAC] =	sst s0  }
0x9: {  	[smem:$0x3FAD] =	sst s1  }
0xa: {  	[smem:$0x3FAE] =	sst s2  }
0xb: {  	[smem:$0x3FAF] =	sst s3  }
0xc: {  	[smem:$0x3FB0] =	sst s4  }
0xd: {  	[smem:$0x3FB1] =	sst s5  }
0xe: {  	[smem:$0x3FB2] =	sst s6  }
0xf: {  	[smem:$0x3FB3] =	sst s7  }
0x10: {  	[smem:$0x3FB4] =	sst s8  }
0x11: {  	[smem:$0x3FB5] =	sst s9;
	s0 =	simm.s32 @!p0 $0x0  }
0x12: {  	s1 =	sld [smem:$0x3F9B];
	s0 =	simm.s32 @p0 $0x1  }
0x13: {  	[smem:$0x3FB6] =	sst s0;
	s0 =	simm.s32 @!p1 $0x0  }
0x14: {  	s2 =	sld [smem:$0x3F9A];
	s0 =	simm.s32 @p1 $0x1  }
0x15: {  	[smem:$0x3FB7] =	sst s0;
	s0 =	simm.s32 @!p2 $0x0  }
0x16: {  	s3 =	sld [smem:$0x3FDB];
	s0 =	simm.s32 @p2 $0x1  }
0x17: {  	s4 =	simm.s32 $0x1BF5;
	[smem:$0x3FB9] =	sst s0  }
0x18: {  	s0 =	sld [smem:$0x3F9C];
	_ =	swait.ge [sflag:s4], $0x0  }
0x19: {  	s7 =	sld [smem:$0x3F9D]  }
0x1a: {  	s8 =	sadd.s32 $0xFFFFE003, lr  }
0x1b: {  	s9 =	sadd.s32 $0xFFFFFEF7, lr;
	s5 =	simm.s32 $0xFFFFFFFF;
	p2 =	slt.u32 s8, $0xFFFFF086  }
0x1c: {  	p1 =	slt.u32 s9, $0xF7A;
	s5 =	simm.s32 @!p2 $0x0  }
0x1d: {  	s5 =	simm.s32 @p1 $0x1;
	p0 =	seq.s32 s7, s2  }
0x1e: {  	s7 =	smul.u32 @!p0 $0xF7A, s2;
	p2 =	seq.s32 @!p0 s5, $0x0  }
0x1f: {  	s9 =	smul.u32 $0xF7A, s1;
	s8 =	simm.s32 @!p0 $0x1BF5;
	p2 =	por !p2, p0  }
0x20: {  	[sflag:s8] =	ssyncset.s32 @!p0 $0xFFFFF086;
	s6 =	sadd.s32 @!p0 s3, s7;
	s7 =	simm.s32 @!p0 $0x108  }
0x21: {  	s3 =	sadd.s32 s3, s9;
	s6 =	sadd.s32 @!p0 $0x88, s6;
	s7 =	simm.s32 @p2 $0x1082  }
0x22: {  	[simem:s7], [sflag:s8] =	dma.local @!p0 [hbm:s6], $0xF7A  }
0x23: {  	s9 =	sor.u32 $0xD0000000, s2;
	s6 =	simm.s32 $0x108;
	_ =	swait.ge @!p0 [sflag:s8], $0x0  }
0x24: {  	s3 =	sadd.s32 $0x88, s3;
	s6 =	simm.s32 @!p1 $0x1082;
	[sflag:s4] =	ssyncset.s32 $0xFFFFF086  }
0x25: {  	[simem:s6], [sflag:s4] =	dma.local [hbm:s3], $0xF7A  }
0x26: {  	[smem:$0x3F9D] =	sst s1;
	(tag) =	ssettag s2;
	_ =	strace s9  }
0x27: {  	s1 =	sld [smem:$0x3FAD]  }
0x28: {  	s2 =	sld [smem:$0x3FAE]  }
0x29: {  	s4 =	sld [smem:$0x3FB0]  }
0x2a: {  	p0 =	seq.s32 s5, $0x0;
	s5 =	sld [smem:$0x3FB1]  }
0x2b: {  	s6 =	sld [smem:$0x3FB2]  }
0x2c: {  	s7 =	sld [smem:$0x3FB3]  }
0x2d: {  	s3 =	simm.s32 $0x108;
	s8 =	sld [smem:$0x3FB4]  }
0x2e: {  	s3 =	simm.s32 @!p0 $0x1082;
	s9 =	sld [smem:$0x3FB5]  }
0x2f: {  	lr =	sadd.s32 s0, s3;
	s0 =	sld [smem:$0x3FAC]  }
0x30: {  	s3 =	sld [smem:$0x3FAF]  }
0x31: {  	[smem:$0x3FB8] =	sst s10  }
0x32: {  	s10 =	sld [smem:$0x3FB6];
	_ =	sdelay $0x3  }
0x33: {  	p0 =	seq.s32 s10, $0x1;
	s10 =	sld [smem:$0x3FB8];
	_ =	sdelay $0x3  }
0x34: {  	[smem:$0x3FB8] =	sst s10  }
0x35: {  	s10 =	sld [smem:$0x3FB7];
	_ =	sdelay $0x3  }
0x36: {  	p1 =	seq.s32 s10, $0x1;
	s10 =	sld [smem:$0x3FB8];
	_ =	sdelay $0x3  }
0x37: {  	[smem:$0x3FB8] =	sst s10  }
0x38: {  	s10 =	sld [smem:$0x3FB9]  }
0x39: {  	_ = 	snop;
	(pc) =	sbr.ind lr, $3  }
0x3a: {  	_ = 	snop  }
0x3b: {  	_ = 	snop  }
0x3c: {  	p2 =	seq.s32 s10, $0x1;
	s10 =	sld [smem:$0x3FB8]  }
0x3d: {  	_ =	shalt  }
0x3e: {  	_ =	shalt  }
0x3f: {  	_ =	shalt  }
0x40: {  	_ =	shalt  }
0x41: {  	_ =	shalt  }
0x42: {  	_ =	shalt  }
0x43: {  	_ =	shalt  }
0x44: {  	_ =	shalt  }
0x45: {  	_ =	shalt  }
0x46: {  	_ =	shalt  }
0x47: {  	_ =	shalt  }
0x48: {  	_ =	shalt  }
0x49: {  	_ =	shalt  }
0x4a: {  	_ =	shalt  }
0x4b: {  	_ =	shalt  }
0x4c: {  	_ =	shalt  }
0x4d: {  	_ =	shalt  }
0x4e: {  	_ =	shalt  }
0x4f: {  	_ =	shalt  }
0x50: {  	_ =	shalt  }
0x51: {  	_ =	shalt  }
0x52: {  	_ =	shalt  }
0x53: {  	_ =	shalt  }
0x54: {  	_ =	shalt  }
0x55: {  	_ =	shalt  }
0x56: {  	_ =	shalt  }
0x57: {  	_ =	shalt  }
0x58: {  	_ =	shalt  }
0x59: {  	_ =	shalt  }
0x5a: {  	_ =	shalt  }
0x5b: {  	_ =	shalt  }
0x5c: {  	_ =	shalt  }
0x5d: {  	_ =	shalt  }
0x5e: {  	_ =	shalt  }
0x5f: {  	_ =	shalt  }
0x60: {  	_ =	shalt  }
0x61: {  	_ =	shalt  }
0x62: {  	_ =	shalt  }
0x63: {  	_ =	shalt  }
0x64: {  	_ =	shalt  }
0x65: {  	_ =	shalt  }
0x66: {  	_ =	shalt  }
0x67: {  	_ =	shalt  }
0x68: {  	_ =	shalt  }
0x69: {  	_ =	shalt  }
0x6a: {  	_ =	shalt  }
0x6b: {  	_ =	shalt  }
0x6c: {  	_ =	shalt  }
0x6d: {  	_ =	shalt  }
0x6e: {  	_ =	shalt  }
0x6f: {  	_ =	shalt  }
0x70: {  	_ =	shalt  }
0x71: {  	_ =	shalt  }
0x72: {  	_ =	shalt  }
0x73: {  	_ =	shalt  }
0x74: {  	_ =	shalt  }
0x75: {  	_ =	shalt  }
0x76: {  	_ =	shalt  }
0x77: {  	_ =	shalt  }
0x78: {  	_ =	shalt  }
0x79: {  	_ =	shalt  }
0x7a: {  	_ =	shalt  }
0x7b: {  	_ =	shalt  }
0x7c: {  	_ =	shalt  }
0x7d: {  	_ =	shalt  }
0x7e: {  	_ =	shalt  }
0x7f: {  	_ =	shalt  }
0x80: {  	_ =	shalt  }
0x81: {  	_ =	shalt  }
0x82: {  	_ =	shalt  }
0x83: {  	_ =	shalt  }
0x84: {  	_ =	shalt  }
0x85: {  	_ =	shalt  }
0x86: {  	_ =	shalt  }
0x87: {  	_ =	shalt  }
.Lfunc_end0:
.L_simem_size_0:
called_computation_lowered:
.L_overlay_start_0:
0x88: {  	s2 =	sld [smem:$0x3FD9]  }
0x89: {  	s3 =	sld [smem:$0x3FFE];
	_ =	sdelay $0x1  }
0x8a: {  	s1 =	srdreg.scid  }
0x8b: {  	s0 =	sand.u32 $0x1, s1  }
0x8c: {  	s17 =	sshll.u32 s0, $0xA;
	s2 =	sadd.s32 s3, s2  }
0x8d: {  	s2 =	sadd.s32 s2, s17  }
0x8e: {  	[smem:$0x3FC4] =	sst s2  }
0x8f: {  	_ = 	snop  }
0x90: {  	s2 =	sld [smem:$0x3FC8]  }
0x91: {  	s18 =	sld [smem:$0x3FC7]  }
0x92: {  	s4 =	sld [smem:$0x3FD0];
	(tm) =	ssettm $0x1  }
0x93: {  	s5 =	sld [smem:$0x3FFB];
	_ =	sdelay $0x3  }
0x94: {  	_ =	strace s5  }
0x95: {  	s5 =	sld [smem:$0x3FFC];
	_ =	sdelay $0x3  }
0x96: {  	_ =	strace s5  }
0x97: {  	s5 =	sld [smem:$0x3FFD];
	_ =	sdelay $0x3  }
0x98: {  	_ =	strace s5  }
0x99: {  	_ =	strace $0x8FFFFFFF  }
0x9a: {  	s19 =	sld [smem:$0x3FDB];
	_ =	sdelay $0x1  }
0x9b: {  	s6 =	simm.s32 $_scs_section_size  }
0x9c: {  	s7 =	simm.s32 $_size__tile_overlayer_lowered;
	s8 =	simm.s32 $_tile_overlayer_lowered  }
0x9d: {  	s22 =	simm.s32 $0x1BFF;
	s21 =	sshll.u32 s8, $0x1;
	s5 =	sadd.s32 s6, s19  }
0x9e: {  	s9 =	simm.s32 $0x0;
	s20 =	sshll.u32 s7, $0x1;
	s7 =	sadd.s32 s21, s5  }
0x9f: {  	[timem:s9], [sflag:s22] =	dma.local [hbm:s7], s20  }
0xa0: {  	_ =	swait.ge [sflag:s22], s20  }
0xa1: {  	s6 =	ssub.s32 $0x0, s20;
	[sflag:s22] =	ssyncset.done $0x0  }
0xa2: {  	[sflag:s22] =	ssyncadd.s32 s6;
	_ =	sdelay $0x1  }
0xa3: {  	s23 =	simm.s32 $0x1B8B  }
0xa4: {  	_ =	swait.ge [sflag:s23], $0x1  }
0xa5: {  	[sflag:s23] =	ssyncset.done $0x0  }
0xa6: {  	s25 =	simm.s32 $0x1B8E;
	s24 =	sld [smem:$0x3FFE];
	[sflag:s23] =	ssyncadd.s32 $0xFFFFFFFF  }
0xa7: {  	s26 =	simm.s32 $execute0_lowered;
	[smem:$0x3FD2] =	sst s25  }
0xa8: {  	s7 =	sshll.u32 s26, $0x1;
	_ =	strace $0x80000046;
	[dreg:$0x1] =	wrdreg $0xFFFFFFFF  }
0xa9: {  	s28 =	simm.s32 $_size_execute0_lowered;
	s5 =	sadd.s32 s5, s7;
	[dreg:$0x0] =	wrdreg $0x0  }
0xaa: {  	s7 =	sshll.u32 s28, $0x1;
	[dreg:$0x2] =	wrdreg s5  }
0xab: {  	[dreg:$0x3] =	wrdreg s7  }
0xac: {  	[dreg:$0x4] =	wrdreg $0xC0  }
0xad: {  	_ =	task [dreg:s9], $0x5FFFF  }
0xae: {  	[dreg:$0x1] =	wrdreg $0xFFFFFFFF  }
0xaf: {  	[dreg:$0x0] =	wrdreg $0x60  }
0xb0: {  	[dreg:$0x2] =	wrdreg s24  }
0xb1: {  	[dreg:$0x3] =	wrdreg s2  }
0xb2: {  	[dreg:$0x4] =	wrdreg s18  }
0xb3: {  	[dreg:$0x5] =	wrdreg s4  }
0xb4: {  	[dreg:$0x6] =	wrdreg $0x9  }
0xb5: {  	_ =	task.clear_ibuf [dreg:s9], $0x7FFFF;
	_ =	strace $0x90000046  }
0xb6: {  	s29 =	simm.s32 $0x9;
	_ =	strace $0x80000048  }
0xb7: {  	_ =	swait.ge [sflag:s29], $0x1  }
0xb8: {  	[sflag:s29] =	ssyncadd.s32 $0xFFFFFFFF  }
0xb9: {  	_ =	strace $0x90000048  }
0xba: {  	_ =	sfence  }
0xbb: {  	s30 =	sld [smem:$0x0];
	_ =	sdelay $0x2  }
0xbc: {  	s31 =	sshll.u32 s1, $0xD;
	s1 =	sshrl.u32 s1, $0x2  }
0xbd: {  	s3 =	sand.u32 $0x4000, s31;
	s1 =	sadd.s32 s1, s30  }
0xbe: {  	s0 =	sor.u32 s3, s0;
	s1 =	sshll.u32 s1, $0x11  }
0xbf: {  	s0 =	sor.u32 s1, s0  }
0xc0: {  	s0 =	sadd.s32 $0x8F2B, s0  }
0xc1: {  	[sflag:s0] =	ssyncadd.remote.s32 $0x1  }
0xc2: {  	_ =	sfence.sel $0xFFFF  }
0xc3: {  	[dreg:$0x0] =	wrdreg $0xFFFFFFFF;
	(pc) =	sbr.abs _section_cstart, $3  }
0xc4: {  	[dreg:$0x1] =	wrdreg $0xFFFFFFFF  }
0xc5: {  	_ =	task.clear_ibuf [dreg:s9], $0x2FFFF;
	_ =	strace $0x9FFFFFFF  }
0xc6: {  	(tm) =	ssettm $0x7FFFFFFF  }
0xc7: {  	_ =	shalt  }
tec
execute0_lowered:
.L_overlay_start_1:
0x0: {  	(tag) =	ssettag $0x1  }
0x1: {  	s0 =	rddreg [dreg:$0x0]  }
0x2: {  	s1 =	rddreg [dreg:$0x1]  }
0x3: {  	s3 =	rddreg [dreg:$0x2]  }
0x4: {  	s2 =	srdreg.scid;
	s15 =	stileid.u32  }
0x5: {  	s4 =	rddreg [dreg:$0x3];
	s5 =	simm.s32 $0x0;
	s30 =	simm.s32 $0x3  }
0x6: {  	s31 =	simm.s32 $0x5;
	s28 =	simm.s32 $0xC800;
	s29 =	simm.s32 $0x11800  }
0x7: {  	s2 =	sand.u32 $0x1, s2;
	s6 =	sshll.u32 s15, $0x1;
	s22 =	smul.u32 $0x9C4, s15  }
0x8: {  	s6 =	sor.u32 s2, s6;
	s19 =	ssub.s32 $0x2, s2;
	s2 =	smul.u32 $0x4E2, s2  }
0x9: {  	[smem:$0x7FF] =	sst s5;
	s7 =	sadd.s32 $0x400, s0;
	s8 =	smul.u32 $0x4E2, s6  }
0xa: {  	_ =	strace $0x80000047;
	s6 =	sadd.s32 $0x186E00, s0;
	s10 =	sshrl.u32 s19, $0x1  }
0xb: {  	s0 =	ssub.s32 s19, s10;
	s2 =	sadd.s32 s2, s22;
	s9 =	sshrl.u32 s8, $0x5  }
0xc: {  	s19 =	simm.s32 $0x19000;
	s8 =	sadd.s32 $0x4E2, s8;
	s11 =	smul.u32 $0x140, s9  }
0xd: {  	s0 =	smax.u32 s0, $0x1;
	s8 =	sshrl.u32 s8, $0x5;
	s20 =	smul.u32 $0x500, s9  }
0xe: {  	[dreg:$0xf] =	wrdreg s0;
	s0 =	simm.s32 $0x6;
	s13 =	ssub.s32 s8, s9  }
0xf: {  	s25 =	smul.u32 $0x2800, s8;
	s12 =	sadd.s32 s1, s11;
	s21 =	sadd.s32 s3, s11  }
0x10: {  	s16 =	sadd.s32 s7, s20;
	s14 =	sadd.s32 $0x140, s11;
	s11 =	sadd.s32 $0x280, s11  }
0x11: {  	s10 =	sadd.s32 s4, s20;
	s26 =	sadd.s32 $0xFFFFFFFF, s13;
	[dreg:$0x5] =	wrdreg s12  }
0x12: {  	s13 =	sand.u32 $0x1, s13;
	[dreg:$0x6] =	wrdreg s21;
	s12 =	sadd.s32 $0x1, s9  }
0x13: {  	s17 =	sadd.s32 s1, s14;
	s14 =	sadd.s32 s3, s14;
	[dreg:$0x7] =	wrdreg s16  }
0x14: {  	s23 =	sadd.s32 $0x500, s16;
	s9 =	sadd.s32 $0x2, s9;
	[dreg:$0xd] =	wrdreg s10  }
0x15: {  	s24 =	sadd.s32 s1, s11;
	s11 =	sadd.s32 s3, s11;
	[dreg:$0x8] =	wrdreg s17  }
0x16: {  	s10 =	sadd.s32 $0xFFFFD800, s25;
	p2 =	slt.u32 s26, $0x2;
	[dreg:$0x9] =	wrdreg s14  }
0x17: {  	p3 =	sne.s32 s13, $0x0;
	s25 =	simm.s32 $0x7800;
	[dreg:$0xa] =	wrdreg s23  }
0x18: {  	s26 =	simm.s32 $0x16800;
	s13 =	simm.s32 $0x0;
	[dreg:$0xb] =	wrdreg s24  }
.Ltmp0:
0x19: {  	[dreg:$0xc] =	wrdreg s11;
	s14 =	sadd.s32 $0x4E2, s2;
	(pc) =	sbr.rel .LBB2_1-.Ltmp0, $4  }
0x1a: {  	s2 =	sshrl.u32 s2, $0x5;
	s10 =	sshrl.u32 s10, $0x3;
	p0 =	sge.u32 s12, s8  }
0x1b: {  	p1 =	sge.u32 s9, s8;
	s14 =	sshrl.u32 s14, $0x5;
	s2 =	sxor.u32 $0xFFFFFFFF, s2  }
0x1c: {  	v0 =	vlaneseq.u32;
	s24 =	simm.s32 $0x2800;
	s10 =	sadd.s32 s4, s10;
	s2 =	sadd.s32 s2, s14  }
0x1d: {  	v0 =	vmul.u32 $0x8, v0;
	[dreg:$0xe] =	wrdreg s10;
	s20 =	sshrl.u32 s2, $0x1;
	s2 =	simm.s32 $0x4  }
.LBB2_13:
0x1e: {  	s9 =	simm.s32 $0x7  }
0x1f: {  	_ =	swait.ge [sflag:s9], $0x2800  }
0x20: {  	[sflag:s9] =	ssyncset.done $0x0  }
0x21: {  	s10 =	simm.s32 $0x8;
	[sflag:s9] =	ssyncadd.s32 $0xFFFFD800  }
0x22: {  	_ =	swait.ge [sflag:s10], $0x2800  }
0x23: {  	s13 =	sadd.s32 $0x1, s13;
	s23 =	rddreg [dreg:$0xf]  }
0x24: {  	p4 =	sne.s32 s13, s23  }
.Ltmp1:
0x25: {  	_ = 	snop;
	(pc) =	sbr.rel @!p4 .LBB2_14-.Ltmp1, $3  }
0x26: {  	_ =	sdelay $0x1  }
0x27: {  	[sflag:s10] =	ssyncset.done $0x0  }
0x28: {  	[sflag:s10] =	ssyncadd.s32 $0xFFFFD800  }
.LBB2_1:
0x29: {  	s9 =	rddreg [dreg:$0x5]  }
0x2a: {  	[tilespmem:s5], [sflag:$0x1] =	stream.linear.gather [hbm4b:s9+s5], $0xA00, $0x38;
	[tilespmem:$0x1B800] =	vst v63  }
0x2b: {  	s22 =	rddreg [dreg:$0x6];
	s10 =	simm.s32 $0xA00;
	s23 =	simm.s32 $0x1  }
0x2c: {  	[tilespmem:s10], [sflag:$0x1] =	stream.linear.gather [hbm4b:s22+s5], $0xA00, $0x38;
	[tilespmem:$0x1B800] =	vst v63  }
0x2d: {  	_ =	swait.ge [sflag:s23], $0xA00  }
0x2e: {  	[sflag:s23] =	ssyncset.done $0x0  }
0x2f: {  	[sflag:s23] =	ssyncadd.s32 $0xFFFFF600  }
0x30: {  	_ =	swait.ge [sflag:s23], $0xA00  }
0x31: {  	[sflag:s23] =	ssyncset.done $0x0  }
0x32: {  	[sflag:s23] =	ssyncadd.s32 $0xFFFFF600  }
0x33: {  	[tilespmem:s24], [sflag:$0x3] =	stream.indirect.gather [hbm4b:s6+s10], $0x4, s5, s10, $0xb8;
	[tilespmem:$0x1B800] =	vst v63  }
0x34: {  	_ = 	snop  }
0x35: {  	[tilespmem:s25], [sflag:$0x3] =	stream.indirect.gather [hbm4b:s6+s10], $0x4, s10, s10, $0xb8;
	[tilespmem:$0x1B800] =	vst v63  }
0x36: {  	s11 =	rddreg [dreg:$0x7]  }
0x37: {  	[tilespmem:s26], [sflag:$0x5] =	stream.linear.gather [hbm4b:s11+s5], $0x2800, $0x38;
	[tilespmem:$0x1B800] =	vst v63  }
0x38: {  	s15 =	simm.s32 $0x1400;
	s14 =	rddreg [dreg:$0x8]  }
0x39: {  	[tilespmem:s15], [sflag:$0x2] =	stream.linear.gather [hbm4b:s14+s5], $0xA00, $0x38;
	[tilespmem:$0x1B800] =	vst v63  }
0x3a: {  	s17 =	simm.s32 $0x1E00;
	s16 =	rddreg [dreg:$0x9]  }
0x3b: {  	[tilespmem:s17], [sflag:$0x2] =	stream.linear.gather [hbm4b:s16+s5], $0xA00, $0x38;
	[tilespmem:$0x1B800] =	vst v63  }
0x3c: {  	_ =	swait.ge [sflag:s30], $0x2800  }
0x3d: {  	[sflag:s30] =	ssyncset.done $0x0  }
0x3e: {  	[sflag:s30] =	ssyncadd.s32 $0xFFFFD800  }
0x3f: {  	_ =	swait.ge [sflag:s30], $0x2800  }
0x40: {  	[sflag:s30] =	ssyncset.done $0x0  }
0x41: {  	[sflag:s30] =	ssyncadd.s32 $0xFFFFD800  }
0x42: {  	_ =	swait.ge [sflag:s31], $0x2800  }
0x43: {  	[sflag:s31] =	ssyncset.done $0x0  }
0x44: {  	s9 =	simm.s32 @!p0 $0x2;
	[sflag:s31] =	ssyncadd.s32 $0xFFFFD800  }
0x45: {  	_ =	swait.ge @!p0 [sflag:s9], $0xA00  }
0x46: {  	[sflag:s9] =	ssyncset.done @!p0 $0x0  }
0x47: {  	[sflag:s9] =	ssyncadd.s32 @!p0 $0xFFFFF600  }
0x48: {  	s18 =	simm.s32 $0x0;
	_ =	swait.ge @!p0 [sflag:s9], $0xA00  }
0x49: {  	v1 =	vmov s18;
	s11 =	simm.s32 @!p0 $0x19000;
	[sflag:s9] =	ssyncset.done @!p0 $0x0  }
0x4a: {  	v1 =	vshll.u32 v1, $0x3;
	s14 =	rddreg [dreg:$0xa];
	[sflag:s9] =	ssyncadd.s32 @!p0 $0xFFFFF600;
	s9 =	simm.s32 @!p0 $0x0  }
0x4b: {  	v1 =	vor.u32 v0, v1;
	[tilespmem:s11], [sflag:$0x6] =	stream.linear.gather @!p0 [hbm4b:s14+s9], $0x2800, $0x38;
	[tilespmem:$0x1B800] =	vst v63  }
0x4c: {  	s9 =	simm.s32 @!p1 $0x0;
	s11 =	rddreg [dreg:$0xb]  }
0x4d: {  	[tilespmem:s9], [sflag:$0x1] =	stream.linear.gather @!p1 [hbm4b:s11+s9], $0xA00, $0x38;
	[tilespmem:$0x1B800] =	vst v63  }
0x4e: {  	s14 =	rddreg [dreg:$0xc];
	s11 =	simm.s32 @!p1 $0xA00  }
0x4f: {  	[tilespmem:s11], [sflag:$0x1] =	stream.linear.gather @!p1 [hbm4b:s14+s9], $0xA00, $0x38;
	[tilespmem:$0x1B800] =	vst v63  }
0x50: {  	s21 =	sand.u32 $0x3E00, s5;
	v2 =	vld.idx.msk [tilespmem:v1+s24+$0x0], $0xffff  }
0x51: {  	s10 =	sand.u32 $0x60, s18;
	s9 =	sadd.s32 $0x16800, s21;
	v3 =	vld.idx.msk [tilespmem:v1+s25+$0x0], $0xffff  }
0x52: {  	s10 =	sor.u32 s10, s9  }
0x53: {  	v4 =	vld [tilespmem:s10+$0x0];
	_ =	sdelay $0x2  }
0x54: {  	v2 =	vsub.f32 v3, v2;
	v3 =	vor.u32 $0x1, v1;
	_ =	sdelay $0x1  }
0x55: {  	v2 =	vadd.f32 v4, v2;
	_ =	sdelay $0x1  }
0x56: {  	[tilespmem:s10+$0x0] =	vst v2  }
0x57: {  	v2 =	vld.idx.msk [tilespmem:v3+s24+$0x0], $0xffff  }
0x58: {  	v3 =	vld.idx.msk [tilespmem:v3+s25+$0x0], $0xffff;
	_ =	sdelay $0x1  }
0x59: {  	v4 =	vld [tilespmem:s10+$0x80];
	_ =	sdelay $0x2  }
0x5a: {  	v1 =	vor.u32 $0x2, v1;
	v2 =	vsub.f32 v3, v2;
	_ =	sdelay $0x1  }
0x5b: {  	v2 =	vadd.f32 v4, v2;
	_ =	sdelay $0x1  }
0x5c: {  	[tilespmem:s10+$0x80] =	vst v2  }
0x5d: {  	v2 =	vld.idx.msk [tilespmem:v1+s24+$0x0], $0xffff  }
0x5e: {  	v1 =	vld.idx.msk [tilespmem:v1+s25+$0x0], $0xffff;
	_ =	sdelay $0x1  }
0x5f: {  	s22 =	simm.s32 $0x10;
	v3 =	vld [tilespmem:s10+$0x100]  }
0x60: {  	v4 =	vmov s22  }
0x61: {  	v4 =	vshll.u32 v4, $0x3  }
0x62: {  	v1 =	vsub.f32 v1, v2;
	v2 =	vor.u32 v0, v4;
	_ =	sdelay $0x1  }
0x63: {  	v1 =	vadd.f32 v3, v1;
	_ =	sdelay $0x1  }
0x64: {  	[tilespmem:s10+$0x100] =	vst v1  }
0x65: {  	v1 =	vld.idx.msk [tilespmem:v2+s24+$0x0], $0xffff  }
0x66: {  	s23 =	sand.u32 $0x70, s22;
	v3 =	vld.idx.msk [tilespmem:v2+s25+$0x0], $0xffff  }
0x67: {  	s16 =	sor.u32 s23, s9  }
0x68: {  	v4 =	vld [tilespmem:s16+$0x0];
	_ =	sdelay $0x2  }
0x69: {  	v1 =	vsub.f32 v3, v1;
	v3 =	vor.u32 $0x1, v2;
	_ =	sdelay $0x1  }
0x6a: {  	v1 =	vadd.f32 v4, v1;
	_ =	sdelay $0x1  }
0x6b: {  	[tilespmem:s16+$0x0] =	vst v1  }
0x6c: {  	v1 =	vld.idx.msk [tilespmem:v3+s24+$0x0], $0xffff  }
0x6d: {  	v3 =	vld.idx.msk [tilespmem:v3+s25+$0x0], $0xffff;
	_ =	sdelay $0x1  }
0x6e: {  	v4 =	vld [tilespmem:s16+$0x80];
	_ =	sdelay $0x2  }
0x6f: {  	v1 =	vsub.f32 v3, v1;
	v3 =	vor.u32 $0x2, v2;
	_ =	sdelay $0x1  }
0x70: {  	v2 =	vadd.f32 v4, v1;
	_ =	sdelay $0x1  }
0x71: {  	[tilespmem:s16+$0x80] =	vst v2  }
0x72: {  	v2 =	vld.idx.msk [tilespmem:v3+s24+$0x0], $0xffff  }
0x73: {  	v3 =	vld.idx.msk [tilespmem:v3+s25+$0x0], $0xffff  }
0x74: {  	s15 =	simm.s32 $0x0  }
0x75: {  	s11 =	simm.s32 $0x2;
	s14 =	simm.s32 $0x30;
	s9 =	simm.s32 $0x20;
	v1 =	vld [tilespmem:s16+$0x100]  }
.LBB2_2:
0x76: {  	s11 =	sadd.s32 $0x2, s11;
	v4 =	vmov s9;
	s15 =	sadd.s32 $0x80, s15  }
0x77: {  	p4 =	slt.u32 s11, $0x9E;
	v4 =	vshll.u32 v4, $0x3  }
0x78: {  	v2 =	vsub.f32 v3, v2;
	v4 =	vor.u32 v0, v4;
	_ =	sdelay $0x1  }
0x79: {  	v1 =	vadd.f32 v1, v2;
	_ =	sdelay $0x1  }
0x7a: {  	[tilespmem:s16+$0x100] =	vst v1  }
0x7b: {  	s10 =	sand.u32 $0x3E00, s15;
	v1 =	vld.idx.msk [tilespmem:v4+s24+$0x0], $0xffff  }
0x7c: {  	s9 =	sand.u32 $0x60, s9;
	s10 =	sadd.s32 $0x16800, s10;
	v2 =	vld.idx.msk [tilespmem:v4+s25+$0x0], $0xffff  }
0x7d: {  	s9 =	sor.u32 s9, s10  }
0x7e: {  	v3 =	vld [tilespmem:s9+$0x0];
	_ =	sdelay $0x3  }
0x7f: {  	v1 =	vsub.f32 v2, v1;
	v2 =	vor.u32 $0x1, v4;
	_ =	sdelay $0x1  }
0x80: {  	v1 =	vadd.f32 v3, v1;
	_ =	sdelay $0x1  }
0x81: {  	[tilespmem:s9+$0x0] =	vst v1  }
0x82: {  	v1 =	vld.idx.msk [tilespmem:v2+s24+$0x0], $0xffff  }
0x83: {  	v2 =	vld.idx.msk [tilespmem:v2+s25+$0x0], $0xffff  }
0x84: {  	v3 =	vld [tilespmem:s9+$0x80];
	_ =	sdelay $0x4  }
0x85: {  	v1 =	vsub.f32 v2, v1;
	v2 =	vor.u32 $0x2, v4;
	_ =	sdelay $0x1  }
0x86: {  	v1 =	vadd.f32 v3, v1;
	_ =	sdelay $0x1  }
0x87: {  	[tilespmem:s9+$0x80] =	vst v1;
	v1 =	vld [tilespmem:s9+$0x100]  }
0x88: {  	v3 =	vld.idx.msk [tilespmem:v2+s24+$0x0], $0xffff  }
0x89: {  	v2 =	vld.idx.msk [tilespmem:v2+s25+$0x0], $0xffff;
	_ =	sdelay $0x3  }
0x8a: {  	v4 =	vmov s14  }
0x8b: {  	v4 =	vshll.u32 v4, $0x3  }
0x8c: {  	v2 =	vsub.f32 v2, v3;
	v3 =	vor.u32 v0, v4;
	_ =	sdelay $0x1  }
0x8d: {  	s16 =	sand.u32 $0x70, s14;
	v1 =	vadd.f32 v1, v2  }
0x8e: {  	s16 =	sor.u32 s16, s10  }
0x8f: {  	[tilespmem:s9+$0x100] =	vst v1;
	v1 =	vld [tilespmem:s16+$0x0]  }
0x90: {  	v2 =	vld.idx.msk [tilespmem:v3+s24+$0x0], $0xffff  }
0x91: {  	v4 =	vld.idx.msk [tilespmem:v3+s25+$0x0], $0xffff  }
0x92: {  	v5 =	vld [tilespmem:s16+$0x80];
	_ =	sdelay $0x4  }
0x93: {  	v2 =	vsub.f32 v4, v2;
	v4 =	vor.u32 $0x1, v3;
	_ =	sdelay $0x1  }
0x94: {  	v1 =	vadd.f32 v1, v2;
	_ =	sdelay $0x1  }
0x95: {  	[tilespmem:s16+$0x0] =	vst v1  }
0x96: {  	v1 =	vld.idx.msk [tilespmem:v4+s24+$0x0], $0xffff  }
0x97: {  	v2 =	vld.idx.msk [tilespmem:v4+s25+$0x0], $0xffff;
	_ =	sdelay $0x5  }
0x98: {  	v3 =	vor.u32 $0x2, v3;
	v1 =	vsub.f32 v2, v1;
	_ =	sdelay $0x1  }
0x99: {  	v2 =	vadd.f32 v5, v1  }
0x9a: {  	v1 =	vld [tilespmem:s16+$0x100]  }
0x9b: {  	[tilespmem:s16+$0x80] =	vst v2  }
.Ltmp2:
0x9c: {  	v2 =	vld.idx.msk [tilespmem:v3+s24+$0x0], $0xffff;
	(pc) =	sbr.rel @p4 .LBB2_2-.Ltmp2, $3  }
0x9d: {  	v3 =	vld.idx.msk [tilespmem:v3+s25+$0x0], $0xffff;
	_ =	sdelay $0x1  }
0x9e: {  	s14 =	sadd.s32 $0x20, s14  }
0x9f: {  	s9 =	sadd.s32 $0xFFFFFFF0, s14  }
0xa0: {  	v4 =	vmov s9  }
0xa1: {  	v4 =	vshll.u32 v4, $0x3  }
0xa2: {  	v2 =	vsub.f32 v3, v2;
	v4 =	vor.u32 v0, v4;
	_ =	sdelay $0x1  }
0xa3: {  	v1 =	vadd.f32 v1, v2;
	_ =	sdelay $0x1  }
0xa4: {  	s10 =	sadd.s32 $0x80, s15;
	[tilespmem:s16+$0x100] =	vst v1  }
0xa5: {  	s10 =	sand.u32 $0x3E00, s10;
	v1 =	vld.idx.msk [tilespmem:v4+s24+$0x0], $0xffff  }
0xa6: {  	s21 =	sand.u32 $0x60, s9;
	s10 =	sadd.s32 $0x16800, s10;
	v2 =	vld.idx.msk [tilespmem:v4+s25+$0x0], $0xffff  }
0xa7: {  	s9 =	sor.u32 s21, s10  }
0xa8: {  	v3 =	vld [tilespmem:s9+$0x0];
	_ =	sdelay $0x2  }
0xa9: {  	v1 =	vsub.f32 v2, v1;
	v2 =	vor.u32 $0x1, v4;
	_ =	sdelay $0x1  }
0xaa: {  	v1 =	vadd.f32 v3, v1;
	_ =	sdelay $0x1  }
0xab: {  	[tilespmem:s9+$0x0] =	vst v1  }
0xac: {  	v1 =	vld.idx.msk [tilespmem:v2+s24+$0x0], $0xffff  }
0xad: {  	v2 =	vld.idx.msk [tilespmem:v2+s25+$0x0], $0xffff;
	_ =	sdelay $0x1  }
0xae: {  	v3 =	vld [tilespmem:s9+$0x80];
	_ =	sdelay $0x2  }
0xaf: {  	v1 =	vsub.f32 v2, v1;
	v2 =	vor.u32 $0x2, v4;
	_ =	sdelay $0x1  }
0xb0: {  	v1 =	vadd.f32 v3, v1;
	_ =	sdelay $0x1  }
0xb1: {  	[tilespmem:s9+$0x80] =	vst v1  }
0xb2: {  	v1 =	vld.idx.msk [tilespmem:v2+s24+$0x0], $0xffff  }
0xb3: {  	v2 =	vld.idx.msk [tilespmem:v2+s25+$0x0], $0xffff;
	_ =	sdelay $0x1  }
0xb4: {  	v3 =	vld [tilespmem:s9+$0x100]  }
0xb5: {  	v61 =	vmov s14  }
0xb6: {  	v4 =	vshll.u32 v61, $0x3  }
0xb7: {  	v1 =	vsub.f32 v2, v1;
	v2 =	vor.u32 v0, v4;
	_ =	sdelay $0x1  }
0xb8: {  	v1 =	vadd.f32 v3, v1;
	_ =	sdelay $0x1  }
0xb9: {  	[tilespmem:s9+$0x100] =	vst v1  }
0xba: {  	v1 =	vld.idx.msk [tilespmem:v2+s24+$0x0], $0xffff  }
0xbb: {  	s22 =	sand.u32 $0x70, s14;
	v3 =	vld.idx.msk [tilespmem:v2+s25+$0x0], $0xffff  }
0xbc: {  	s9 =	sor.u32 s22, s10  }
0xbd: {  	v62 =	vld [tilespmem:s9+$0x0];
	_ =	sdelay $0x2  }
0xbe: {  	v1 =	vsub.f32 v3, v1;
	v3 =	vor.u32 $0x1, v2;
	_ =	sdelay $0x1  }
0xbf: {  	v1 =	vadd.f32 v62, v1;
	_ =	sdelay $0x1  }
0xc0: {  	[tilespmem:s9+$0x0] =	vst v1  }
0xc1: {  	v1 =	vld.idx.msk [tilespmem:v3+s24+$0x0], $0xffff  }
0xc2: {  	v3 =	vld.idx.msk [tilespmem:v3+s25+$0x0], $0xffff;
	_ =	sdelay $0x1  }
0xc3: {  	v63 =	vld [tilespmem:s9+$0x80];
	_ =	sdelay $0x2  }
0xc4: {  	v2 =	vor.u32 $0x2, v2;
	v1 =	vsub.f32 v3, v1;
	_ =	sdelay $0x1  }
0xc5: {  	v1 =	vadd.f32 v63, v1;
	_ =	sdelay $0x1  }
0xc6: {  	[tilespmem:s9+$0x80] =	vst v1  }
0xc7: {  	v1 =	vld.idx.msk [tilespmem:v2+s24+$0x0], $0xffff  }
0xc8: {  	v2 =	vld.idx.msk [tilespmem:v2+s25+$0x0], $0xffff;
	_ =	sdelay $0x1  }
0xc9: {  	v3 =	vld [tilespmem:s9+$0x100];
	_ =	sdelay $0x2  }
0xca: {  	v1 =	vsub.f32 v2, v1;
	_ =	sdelay $0x1  }
0xcb: {  	v1 =	vadd.f32 v3, v1;
	_ =	sdelay $0x1  }
0xcc: {  	s11 =	simm.s32 @!p0 $0xC800;
	s10 =	simm.s32 @!p0 $0x1400;
	[tilespmem:s9+$0x100] =	vst v1;
	s9 =	simm.s32 @!p0 $0xA00  }
0xcd: {  	[tilespmem:s11], [sflag:$0x4] =	stream.indirect.gather @!p0 [hbm4b:s6+s9], $0x4, s10, s9, $0xb8;
	[tilespmem:$0x1B800] =	vst v63  }
.Ltmp3:
0xce: {  	_ = 	snop;
	(pc) =	sbr.rel @p2 .LBB2_9-.Ltmp3, $4  }
0xcf: {  	s10 =	simm.s32 @!p0 $0x1E00;
	s11 =	simm.s32 @!p0 $0x11800  }
0xd0: {  	[tilespmem:s11], [sflag:$0x4] =	stream.indirect.gather @!p0 [hbm4b:s6+s9], $0x4, s10, s9, $0xb8;
	[tilespmem:$0x1B800] =	vst v63  }
0xd1: {  	s14 =	simm.s32 $0x0;
	s23 =	rddreg [dreg:$0xd];
	s15 =	simm.s32 $0x0  }
0xd2: {  	[hbm4b:s23+s14] =	stream.linear.scatter [tilespmem:s26], [sflag:$0x7], $0x2800, $0x38;
	[tilespmem:$0x1B800] =	vst v63  }
.LBB2_4:
0xd3: {  	_ =	swait.ge [sflag:s2], $0x2800  }
0xd4: {  	[sflag:s2] =	ssyncset.done $0x0  }
0xd5: {  	[sflag:s2] =	ssyncadd.s32 $0xFFFFD800  }
0xd6: {  	_ =	swait.ge [sflag:s2], $0x2800  }
0xd7: {  	s9 =	sshll.u32 s15, $0x1;
	[sflag:s2] =	ssyncset.done $0x0  }
0xd8: {  	s17 =	sadd.s32 s9, s12;
	[sflag:s2] =	ssyncadd.s32 $0xFFFFD800  }
0xd9: {  	s16 =	sadd.s32 $0x1, s17;
	_ =	swait.ge [sflag:s0], $0x2800  }
0xda: {  	p5 =	sge.s32 s16, s8;
	[sflag:s0] =	ssyncset.done $0x0  }
0xdb: {  	s9 =	simm.s32 @!p5 $0x1;
	[sflag:s0] =	ssyncadd.s32 $0xFFFFD800  }
0xdc: {  	_ =	swait.ge @!p5 [sflag:s9], $0xA00  }
0xdd: {  	[sflag:s9] =	ssyncset.done @!p5 $0x0  }
0xde: {  	[sflag:s9] =	ssyncadd.s32 @!p5 $0xFFFFF600  }
0xdf: {  	_ =	swait.ge @!p5 [sflag:s9], $0xA00  }
0xe0: {  	[sflag:s9] =	ssyncset.done @!p5 $0x0  }
0xe1: {  	[sflag:s9] =	ssyncadd.s32 @!p5 $0xFFFFF600;
	s9 =	simm.s32 @!p5 $0x7  }
0xe2: {  	s18 =	sadd.s32 $0x2, s17;
	s10 =	smul.u32 @!p5 $0x2800, s16;
	_ =	swait.ge @!p5 [sflag:s9], $0x2800  }
0xe3: {  	s23 =	simm.s32 $0x0;
	p4 =	sge.s32 s18, s8;
	[sflag:s9] =	ssyncset.done @!p5 $0x0  }
0xe4: {  	s11 =	simm.s32 @!p5 $0x0;
	[sflag:s9] =	ssyncadd.s32 @!p5 $0xFFFFD800;
	s9 =	sshrl.u32 @!p5 s10, $0x3  }
0xe5: {  	v1 =	vmov s23;
	s21 =	simm.s32 @!p5 $0x16800;
	s22 =	smul.u32 @!p4 $0xA00, s18;
	s9 =	sadd.s32 @!p5 s7, s9  }
0xe6: {  	v1 =	vshll.u32 v1, $0x3;
	[tilespmem:s21], [sflag:$0x5] =	stream.linear.gather @!p5 [hbm4b:s9+s11], $0x2800, $0x38;
	[tilespmem:$0x1B800] =	vst v63  }
0xe7: {  	v1 =	vor.u32 v0, v1;
	s9 =	sshrl.u32 @!p4 s22, $0x3  }
0xe8: {  	s21 =	simm.s32 @!p4 $0x0;
	s22 =	simm.s32 @!p4 $0x1400;
	s11 =	sadd.s32 @!p4 s1, s9  }
0xe9: {  	[tilespmem:s22], [sflag:$0x2] =	stream.linear.gather @!p4 [hbm4b:s11+s21], $0xA00, $0x38;
	[tilespmem:$0x1B800] =	vst v63  }
0xea: {  	s9 =	sadd.s32 @!p4 s3, s9;
	s11 =	simm.s32 @!p4 $0x1E00  }
0xeb: {  	[tilespmem:s11], [sflag:$0x2] =	stream.linear.gather @!p4 [hbm4b:s9+s21], $0xA00, $0x38;
	[tilespmem:$0x1B800] =	vst v63  }
0xec: {  	s21 =	sand.u32 $0x3E00, s14;
	v2 =	vld.idx.msk [tilespmem:v1+s28+$0x0], $0xffff  }
0xed: {  	s10 =	sand.u32 $0x60, s23;
	v3 =	vld.idx.msk [tilespmem:v1+s29+$0x0], $0xffff;
	s9 =	sadd.s32 $0x19000, s21  }
0xee: {  	s10 =	sor.u32 s10, s9  }
0xef: {  	v4 =	vld [tilespmem:s10+$0x0];
	_ =	sdelay $0x2  }
0xf0: {  	v2 =	vsub.f32 v3, v2;
	v3 =	vor.u32 $0x1, v1;
	_ =	sdelay $0x1  }
0xf1: {  	v2 =	vadd.f32 v4, v2;
	_ =	sdelay $0x1  }
0xf2: {  	[tilespmem:s10+$0x0] =	vst v2  }
0xf3: {  	v2 =	vld.idx.msk [tilespmem:v3+s28+$0x0], $0xffff  }
0xf4: {  	v3 =	vld.idx.msk [tilespmem:v3+s29+$0x0], $0xffff;
	_ =	sdelay $0x1  }
0xf5: {  	v4 =	vld [tilespmem:s10+$0x80];
	_ =	sdelay $0x2  }
0xf6: {  	v1 =	vor.u32 $0x2, v1;
	v2 =	vsub.f32 v3, v2;
	_ =	sdelay $0x1  }
0xf7: {  	v2 =	vadd.f32 v4, v2;
	_ =	sdelay $0x1  }
0xf8: {  	[tilespmem:s10+$0x80] =	vst v2  }
0xf9: {  	v2 =	vld.idx.msk [tilespmem:v1+s28+$0x0], $0xffff  }
0xfa: {  	v1 =	vld.idx.msk [tilespmem:v1+s29+$0x0], $0xffff;
	_ =	sdelay $0x1  }
0xfb: {  	s22 =	simm.s32 $0x10;
	v3 =	vld [tilespmem:s10+$0x100]  }
0xfc: {  	v4 =	vmov s22  }
0xfd: {  	v4 =	vshll.u32 v4, $0x3  }
0xfe: {  	v1 =	vsub.f32 v1, v2;
	v2 =	vor.u32 v0, v4;
	_ =	sdelay $0x1  }
0xff: {  	v1 =	vadd.f32 v3, v1;
	_ =	sdelay $0x1  }
0x100: {  	[tilespmem:s10+$0x100] =	vst v1  }
0x101: {  	v1 =	vld.idx.msk [tilespmem:v2+s28+$0x0], $0xffff  }
0x102: {  	s23 =	sand.u32 $0x70, s22;
	v3 =	vld.idx.msk [tilespmem:v2+s29+$0x0], $0xffff  }
0x103: {  	s9 =	sor.u32 s23, s9  }
0x104: {  	v4 =	vld [tilespmem:s9+$0x0];
	_ =	sdelay $0x2  }
0x105: {  	v1 =	vsub.f32 v3, v1;
	v3 =	vor.u32 $0x1, v2;
	_ =	sdelay $0x1  }
0x106: {  	v1 =	vadd.f32 v4, v1;
	_ =	sdelay $0x1  }
0x107: {  	[tilespmem:s9+$0x0] =	vst v1  }
0x108: {  	v1 =	vld.idx.msk [tilespmem:v3+s28+$0x0], $0xffff  }
0x109: {  	v3 =	vld.idx.msk [tilespmem:v3+s29+$0x0], $0xffff;
	_ =	sdelay $0x1  }
0x10a: {  	v4 =	vld [tilespmem:s9+$0x80];
	_ =	sdelay $0x2  }
0x10b: {  	v1 =	vsub.f32 v3, v1;
	v3 =	vor.u32 $0x2, v2;
	_ =	sdelay $0x1  }
0x10c: {  	v2 =	vadd.f32 v4, v1;
	_ =	sdelay $0x1  }
0x10d: {  	[tilespmem:s9+$0x80] =	vst v2  }
0x10e: {  	v2 =	vld.idx.msk [tilespmem:v3+s28+$0x0], $0xffff  }
0x10f: {  	v3 =	vld.idx.msk [tilespmem:v3+s29+$0x0], $0xffff  }
0x110: {  	s11 =	simm.s32 $0x0  }
0x111: {  	s21 =	simm.s32 $0x30;
	s22 =	simm.s32 $0x2;
	s10 =	simm.s32 $0x20;
	v1 =	vld [tilespmem:s9+$0x100]  }
.LBB2_5:
0x112: {  	s22 =	sadd.s32 $0x2, s22;
	v4 =	vmov s10;
	s11 =	sadd.s32 $0x80, s11  }
0x113: {  	p6 =	slt.u32 s22, $0x9E;
	v4 =	vshll.u32 v4, $0x3  }
0x114: {  	v2 =	vsub.f32 v3, v2;
	v4 =	vor.u32 v0, v4;
	_ =	sdelay $0x1  }
0x115: {  	v1 =	vadd.f32 v1, v2;
	_ =	sdelay $0x1  }
0x116: {  	[tilespmem:s9+$0x100] =	vst v1  }
0x117: {  	s9 =	sand.u32 $0x3E00, s11;
	v1 =	vld.idx.msk [tilespmem:v4+s28+$0x0], $0xffff  }
0x118: {  	s10 =	sand.u32 $0x60, s10;
	s9 =	sadd.s32 $0x19000, s9;
	v2 =	vld.idx.msk [tilespmem:v4+s29+$0x0], $0xffff  }
0x119: {  	s10 =	sor.u32 s10, s9  }
0x11a: {  	v3 =	vld [tilespmem:s10+$0x0];
	_ =	sdelay $0x3  }
0x11b: {  	v1 =	vsub.f32 v2, v1;
	v2 =	vor.u32 $0x1, v4;
	_ =	sdelay $0x1  }
0x11c: {  	v1 =	vadd.f32 v3, v1;
	_ =	sdelay $0x1  }
0x11d: {  	[tilespmem:s10+$0x0] =	vst v1  }
0x11e: {  	v1 =	vld.idx.msk [tilespmem:v2+s28+$0x0], $0xffff  }
0x11f: {  	v2 =	vld.idx.msk [tilespmem:v2+s29+$0x0], $0xffff  }
0x120: {  	v3 =	vld [tilespmem:s10+$0x80];
	_ =	sdelay $0x4  }
0x121: {  	v1 =	vsub.f32 v2, v1;
	v2 =	vor.u32 $0x2, v4;
	_ =	sdelay $0x1  }
0x122: {  	v1 =	vadd.f32 v3, v1;
	_ =	sdelay $0x1  }
0x123: {  	[tilespmem:s10+$0x80] =	vst v1;
	v1 =	vld [tilespmem:s10+$0x100]  }
0x124: {  	v3 =	vld.idx.msk [tilespmem:v2+s28+$0x0], $0xffff  }
0x125: {  	v2 =	vld.idx.msk [tilespmem:v2+s29+$0x0], $0xffff;
	_ =	sdelay $0x3  }
0x126: {  	v4 =	vmov s21  }
0x127: {  	v4 =	vshll.u32 v4, $0x3  }
0x128: {  	v2 =	vsub.f32 v2, v3;
	v3 =	vor.u32 v0, v4;
	_ =	sdelay $0x1  }
0x129: {  	s23 =	sand.u32 $0x70, s21;
	v1 =	vadd.f32 v1, v2  }
0x12a: {  	s9 =	sor.u32 s23, s9  }
0x12b: {  	[tilespmem:s10+$0x100] =	vst v1;
	v1 =	vld [tilespmem:s9+$0x0]  }
0x12c: {  	v2 =	vld.idx.msk [tilespmem:v3+s28+$0x0], $0xffff  }
0x12d: {  	v4 =	vld.idx.msk [tilespmem:v3+s29+$0x0], $0xffff  }
0x12e: {  	v5 =	vld [tilespmem:s9+$0x80];
	_ =	sdelay $0x4  }
0x12f: {  	v2 =	vsub.f32 v4, v2;
	v4 =	vor.u32 $0x1, v3;
	_ =	sdelay $0x1  }
0x130: {  	v1 =	vadd.f32 v1, v2;
	_ =	sdelay $0x1  }
0x131: {  	[tilespmem:s9+$0x0] =	vst v1  }
0x132: {  	v1 =	vld.idx.msk [tilespmem:v4+s28+$0x0], $0xffff  }
0x133: {  	v2 =	vld.idx.msk [tilespmem:v4+s29+$0x0], $0xffff;
	_ =	sdelay $0x5  }
0x134: {  	v3 =	vor.u32 $0x2, v3;
	v1 =	vsub.f32 v2, v1;
	_ =	sdelay $0x1  }
0x135: {  	v2 =	vadd.f32 v5, v1  }
0x136: {  	v1 =	vld [tilespmem:s9+$0x100]  }
0x137: {  	[tilespmem:s9+$0x80] =	vst v2  }
.Ltmp4:
0x138: {  	v2 =	vld.idx.msk [tilespmem:v3+s28+$0x0], $0xffff;
	(pc) =	sbr.rel @p6 .LBB2_5-.Ltmp4, $3  }
0x139: {  	v3 =	vld.idx.msk [tilespmem:v3+s29+$0x0], $0xffff;
	_ =	sdelay $0x1  }
0x13a: {  	s21 =	sadd.s32 $0x20, s21  }
0x13b: {  	s10 =	sadd.s32 $0xFFFFFFF0, s21  }
0x13c: {  	v4 =	vmov s10  }
0x13d: {  	v4 =	vshll.u32 v4, $0x3  }
0x13e: {  	v2 =	vsub.f32 v3, v2;
	v4 =	vor.u32 v0, v4;
	_ =	sdelay $0x1  }
0x13f: {  	v1 =	vadd.f32 v1, v2;
	_ =	sdelay $0x1  }
0x140: {  	s11 =	sadd.s32 $0x80, s11;
	[tilespmem:s9+$0x100] =	vst v1  }
0x141: {  	s22 =	sand.u32 $0x3E00, s11;
	v1 =	vld.idx.msk [tilespmem:v4+s28+$0x0], $0xffff  }
0x142: {  	s23 =	sand.u32 $0x60, s10;
	s9 =	sadd.s32 $0x19000, s22;
	v2 =	vld.idx.msk [tilespmem:v4+s29+$0x0], $0xffff  }
0x143: {  	s10 =	sor.u32 s23, s9  }
0x144: {  	v3 =	vld [tilespmem:s10+$0x0];
	_ =	sdelay $0x2  }
0x145: {  	v1 =	vsub.f32 v2, v1;
	v2 =	vor.u32 $0x1, v4;
	_ =	sdelay $0x1  }
0x146: {  	v1 =	vadd.f32 v3, v1;
	_ =	sdelay $0x1  }
0x147: {  	[tilespmem:s10+$0x0] =	vst v1  }
0x148: {  	v1 =	vld.idx.msk [tilespmem:v2+s28+$0x0], $0xffff  }
0x149: {  	v2 =	vld.idx.msk [tilespmem:v2+s29+$0x0], $0xffff;
	_ =	sdelay $0x1  }
0x14a: {  	v3 =	vld [tilespmem:s10+$0x80];
	_ =	sdelay $0x2  }
0x14b: {  	v1 =	vsub.f32 v2, v1;
	v2 =	vor.u32 $0x2, v4;
	_ =	sdelay $0x1  }
0x14c: {  	v1 =	vadd.f32 v3, v1;
	_ =	sdelay $0x1  }
0x14d: {  	[tilespmem:s10+$0x80] =	vst v1  }
0x14e: {  	v1 =	vld.idx.msk [tilespmem:v2+s28+$0x0], $0xffff  }
0x14f: {  	v2 =	vld.idx.msk [tilespmem:v2+s29+$0x0], $0xffff;
	_ =	sdelay $0x1  }
0x150: {  	v3 =	vld [tilespmem:s10+$0x100]  }
0x151: {  	v4 =	vmov s21  }
0x152: {  	v4 =	vshll.u32 v4, $0x3  }
0x153: {  	v1 =	vsub.f32 v2, v1;
	v2 =	vor.u32 v0, v4;
	_ =	sdelay $0x1  }
0x154: {  	v1 =	vadd.f32 v3, v1;
	_ =	sdelay $0x1  }
0x155: {  	[tilespmem:s10+$0x100] =	vst v1  }
0x156: {  	v1 =	vld.idx.msk [tilespmem:v2+s28+$0x0], $0xffff  }
0x157: {  	s11 =	sand.u32 $0x70, s21;
	v3 =	vld.idx.msk [tilespmem:v2+s29+$0x0], $0xffff  }
0x158: {  	s9 =	sor.u32 s11, s9  }
0x159: {  	v4 =	vld [tilespmem:s9+$0x0];
	_ =	sdelay $0x2  }
0x15a: {  	v1 =	vsub.f32 v3, v1;
	v3 =	vor.u32 $0x1, v2;
	_ =	sdelay $0x1  }
0x15b: {  	v1 =	vadd.f32 v4, v1;
	_ =	sdelay $0x1  }
0x15c: {  	[tilespmem:s9+$0x0] =	vst v1  }
0x15d: {  	v1 =	vld.idx.msk [tilespmem:v3+s28+$0x0], $0xffff  }
0x15e: {  	v3 =	vld.idx.msk [tilespmem:v3+s29+$0x0], $0xffff;
	_ =	sdelay $0x1  }
0x15f: {  	v4 =	vld [tilespmem:s9+$0x80];
	_ =	sdelay $0x2  }
0x160: {  	v2 =	vor.u32 $0x2, v2;
	v1 =	vsub.f32 v3, v1;
	_ =	sdelay $0x1  }
0x161: {  	v1 =	vadd.f32 v4, v1;
	_ =	sdelay $0x1  }
0x162: {  	[tilespmem:s9+$0x80] =	vst v1  }
0x163: {  	v1 =	vld.idx.msk [tilespmem:v2+s28+$0x0], $0xffff  }
0x164: {  	v2 =	vld.idx.msk [tilespmem:v2+s29+$0x0], $0xffff;
	_ =	sdelay $0x1  }
0x165: {  	v3 =	vld [tilespmem:s9+$0x100];
	_ =	sdelay $0x2  }
0x166: {  	v1 =	vsub.f32 v2, v1;
	_ =	sdelay $0x1  }
0x167: {  	v1 =	vadd.f32 v3, v1  }
0x168: {  	s11 =	simm.s32 @!p5 $0x2800  }
0x169: {  	s21 =	smul.u32 $0x2800, s17;
	s10 =	simm.s32 @!p5 $0x0;
	[tilespmem:s9+$0x100] =	vst v1;
	s9 =	simm.s32 @!p5 $0xA00  }
0x16a: {  	[tilespmem:s11], [sflag:$0x3] =	stream.indirect.gather @!p5 [hbm4b:s6+s9], $0x4, s10, s9, $0xb8;
	[tilespmem:$0x1B800] =	vst v63  }
0x16b: {  	s22 =	sshrl.u32 s21, $0x3;
	s10 =	simm.s32 @!p5 $0x7800  }
0x16c: {  	[tilespmem:s10], [sflag:$0x3] =	stream.indirect.gather @!p5 [hbm4b:s6+s9], $0x4, s9, s9, $0xb8;
	[tilespmem:$0x1B800] =	vst v63  }
0x16d: {  	s9 =	sadd.s32 s4, s22  }
0x16e: {  	[hbm4b:s9+s5] =	stream.linear.scatter [tilespmem:s19], [sflag:$0x8], $0x2800, $0x38;
	[tilespmem:$0x1B800] =	vst v63  }
0x16f: {  	_ =	swait.ge [sflag:s30], $0x2800  }
0x170: {  	[sflag:s30] =	ssyncset.done $0x0  }
0x171: {  	[sflag:s30] =	ssyncadd.s32 $0xFFFFD800  }
0x172: {  	_ =	swait.ge [sflag:s30], $0x2800  }
0x173: {  	[sflag:s30] =	ssyncset.done $0x0  }
0x174: {  	[sflag:s30] =	ssyncadd.s32 $0xFFFFD800  }
0x175: {  	_ =	swait.ge [sflag:s31], $0x2800  }
0x176: {  	[sflag:s31] =	ssyncset.done $0x0  }
0x177: {  	s9 =	simm.s32 @!p4 $0x2;
	[sflag:s31] =	ssyncadd.s32 $0xFFFFD800  }
0x178: {  	_ =	swait.ge @!p4 [sflag:s9], $0xA00  }
0x179: {  	[sflag:s9] =	ssyncset.done @!p4 $0x0  }
0x17a: {  	[sflag:s9] =	ssyncadd.s32 @!p4 $0xFFFFF600  }
0x17b: {  	_ =	swait.ge @!p4 [sflag:s9], $0xA00  }
0x17c: {  	[sflag:s9] =	ssyncset.done @!p4 $0x0  }
0x17d: {  	[sflag:s9] =	ssyncadd.s32 @!p4 $0xFFFFF600;
	s9 =	simm.s32 @!p4 $0x8  }
0x17e: {  	s10 =	smul.u32 @!p4 $0x2800, s18;
	_ =	swait.ge @!p4 [sflag:s9], $0x2800  }
0x17f: {  	[sflag:s9] =	ssyncset.done @!p4 $0x0  }
0x180: {  	[sflag:s9] =	ssyncadd.s32 @!p4 $0xFFFFD800;
	s9 =	sshrl.u32 @!p4 s10, $0x3;
	s10 =	sadd.s32 $0x3, s17  }
0x181: {  	s23 =	simm.s32 $0x0;
	s11 =	simm.s32 @!p4 $0x0;
	p5 =	sge.s32 s10, s8  }
0x182: {  	v1 =	vmov s23;
	s17 =	simm.s32 @!p4 $0x19000;
	s9 =	sadd.s32 @!p4 s7, s9;
	s10 =	smul.u32 @!p5 $0xA00, s10  }
0x183: {  	v1 =	vshll.u32 v1, $0x3;
	[tilespmem:s17], [sflag:$0x6] =	stream.linear.gather @!p4 [hbm4b:s9+s11], $0x2800, $0x38;
	[tilespmem:$0x1B800] =	vst v63  }
0x184: {  	v1 =	vor.u32 v0, v1;
	s9 =	sshrl.u32 @!p5 s10, $0x3  }
0x185: {  	s11 =	simm.s32 @!p5 $0x0;
	s10 =	sadd.s32 @!p5 s1, s9  }
0x186: {  	[tilespmem:s11], [sflag:$0x1] =	stream.linear.gather @!p5 [hbm4b:s10+s11], $0xA00, $0x38;
	[tilespmem:$0x1B800] =	vst v63  }
0x187: {  	s17 =	simm.s32 $0x0;
	s9 =	sadd.s32 @!p5 s3, s9;
	s10 =	simm.s32 @!p5 $0xA00  }
0x188: {  	[tilespmem:s10], [sflag:$0x1] =	stream.linear.gather @!p5 [hbm4b:s9+s11], $0xA00, $0x38;
	[tilespmem:$0x1B800] =	vst v63  }
0x189: {  	s11 =	sand.u32 $0x3E00, s17;
	v2 =	vld.idx.msk [tilespmem:v1+s24+$0x0], $0xffff  }
0x18a: {  	s21 =	sand.u32 $0x60, s23;
	v3 =	vld.idx.msk [tilespmem:v1+s25+$0x0], $0xffff;
	s9 =	sadd.s32 $0x16800, s11  }
0x18b: {  	s10 =	sor.u32 s21, s9  }
0x18c: {  	v4 =	vld [tilespmem:s10+$0x0];
	_ =	sdelay $0x2  }
0x18d: {  	v2 =	vsub.f32 v3, v2;
	v3 =	vor.u32 $0x1, v1;
	_ =	sdelay $0x1  }
0x18e: {  	v2 =	vadd.f32 v4, v2;
	_ =	sdelay $0x1  }
0x18f: {  	[tilespmem:s10+$0x0] =	vst v2  }
0x190: {  	v2 =	vld.idx.msk [tilespmem:v3+s24+$0x0], $0xffff  }
0x191: {  	v3 =	vld.idx.msk [tilespmem:v3+s25+$0x0], $0xffff;
	_ =	sdelay $0x1  }
0x192: {  	v4 =	vld [tilespmem:s10+$0x80];
	_ =	sdelay $0x2  }
0x193: {  	v1 =	vor.u32 $0x2, v1;
	v2 =	vsub.f32 v3, v2;
	_ =	sdelay $0x1  }
0x194: {  	v2 =	vadd.f32 v4, v2;
	_ =	sdelay $0x1  }
0x195: {  	[tilespmem:s10+$0x80] =	vst v2  }
0x196: {  	v2 =	vld.idx.msk [tilespmem:v1+s24+$0x0], $0xffff  }
0x197: {  	v1 =	vld.idx.msk [tilespmem:v1+s25+$0x0], $0xffff;
	_ =	sdelay $0x1  }
0x198: {  	s22 =	simm.s32 $0x10;
	v3 =	vld [tilespmem:s10+$0x100]  }
0x199: {  	v4 =	vmov s22  }
0x19a: {  	v4 =	vshll.u32 v4, $0x3  }
0x19b: {  	v1 =	vsub.f32 v1, v2;
	v2 =	vor.u32 v0, v4;
	_ =	sdelay $0x1  }
0x19c: {  	v1 =	vadd.f32 v3, v1;
	_ =	sdelay $0x1  }
0x19d: {  	[tilespmem:s10+$0x100] =	vst v1  }
0x19e: {  	v1 =	vld.idx.msk [tilespmem:v2+s24+$0x0], $0xffff  }
0x19f: {  	s23 =	sand.u32 $0x70, s22;
	v3 =	vld.idx.msk [tilespmem:v2+s25+$0x0], $0xffff  }
0x1a0: {  	s9 =	sor.u32 s23, s9  }
0x1a1: {  	v4 =	vld [tilespmem:s9+$0x0];
	_ =	sdelay $0x2  }
0x1a2: {  	v1 =	vsub.f32 v3, v1;
	v3 =	vor.u32 $0x1, v2;
	_ =	sdelay $0x1  }
0x1a3: {  	v1 =	vadd.f32 v4, v1;
	_ =	sdelay $0x1  }
0x1a4: {  	[tilespmem:s9+$0x0] =	vst v1  }
0x1a5: {  	v1 =	vld.idx.msk [tilespmem:v3+s24+$0x0], $0xffff  }
0x1a6: {  	v3 =	vld.idx.msk [tilespmem:v3+s25+$0x0], $0xffff;
	_ =	sdelay $0x1  }
0x1a7: {  	v4 =	vld [tilespmem:s9+$0x80];
	_ =	sdelay $0x2  }
0x1a8: {  	v1 =	vsub.f32 v3, v1;
	v3 =	vor.u32 $0x2, v2;
	_ =	sdelay $0x1  }
0x1a9: {  	v2 =	vadd.f32 v4, v1;
	_ =	sdelay $0x1  }
0x1aa: {  	[tilespmem:s9+$0x80] =	vst v2  }
0x1ab: {  	v2 =	vld.idx.msk [tilespmem:v3+s24+$0x0], $0xffff  }
0x1ac: {  	v3 =	vld.idx.msk [tilespmem:v3+s25+$0x0], $0xffff;
	_ =	sdelay $0x1  }
0x1ad: {  	s18 =	simm.s32 $0x30;
	s11 =	simm.s32 $0x2;
	s10 =	simm.s32 $0x20;
	v1 =	vld [tilespmem:s9+$0x100]  }
.LBB2_7:
0x1ae: {  	s11 =	sadd.s32 $0x2, s11;
	v4 =	vmov s10;
	s17 =	sadd.s32 $0x80, s17  }
0x1af: {  	p5 =	slt.u32 s11, $0x9E;
	v4 =	vshll.u32 v4, $0x3  }
0x1b0: {  	v2 =	vsub.f32 v3, v2;
	v4 =	vor.u32 v0, v4;
	_ =	sdelay $0x1  }
0x1b1: {  	v1 =	vadd.f32 v1, v2;
	_ =	sdelay $0x1  }
0x1b2: {  	[tilespmem:s9+$0x100] =	vst v1  }
0x1b3: {  	s9 =	sand.u32 $0x3E00, s17;
	v1 =	vld.idx.msk [tilespmem:v4+s24+$0x0], $0xffff  }
0x1b4: {  	s10 =	sand.u32 $0x60, s10;
	s9 =	sadd.s32 $0x16800, s9;
	v2 =	vld.idx.msk [tilespmem:v4+s25+$0x0], $0xffff  }
0x1b5: {  	s10 =	sor.u32 s10, s9  }
0x1b6: {  	v3 =	vld [tilespmem:s10+$0x0];
	_ =	sdelay $0x3  }
0x1b7: {  	v1 =	vsub.f32 v2, v1;
	v2 =	vor.u32 $0x1, v4;
	_ =	sdelay $0x1  }
0x1b8: {  	v1 =	vadd.f32 v3, v1;
	_ =	sdelay $0x1  }
0x1b9: {  	[tilespmem:s10+$0x0] =	vst v1  }
0x1ba: {  	v1 =	vld.idx.msk [tilespmem:v2+s24+$0x0], $0xffff  }
0x1bb: {  	v2 =	vld.idx.msk [tilespmem:v2+s25+$0x0], $0xffff  }
0x1bc: {  	v3 =	vld [tilespmem:s10+$0x80];
	_ =	sdelay $0x4  }
0x1bd: {  	v1 =	vsub.f32 v2, v1;
	v2 =	vor.u32 $0x2, v4;
	_ =	sdelay $0x1  }
0x1be: {  	v1 =	vadd.f32 v3, v1;
	_ =	sdelay $0x1  }
0x1bf: {  	[tilespmem:s10+$0x80] =	vst v1;
	v1 =	vld [tilespmem:s10+$0x100]  }
0x1c0: {  	v3 =	vld.idx.msk [tilespmem:v2+s24+$0x0], $0xffff  }
0x1c1: {  	v2 =	vld.idx.msk [tilespmem:v2+s25+$0x0], $0xffff;
	_ =	sdelay $0x3  }
0x1c2: {  	v4 =	vmov s18  }
0x1c3: {  	v4 =	vshll.u32 v4, $0x3  }
0x1c4: {  	v2 =	vsub.f32 v2, v3;
	v3 =	vor.u32 v0, v4;
	_ =	sdelay $0x1  }
0x1c5: {  	s21 =	sand.u32 $0x70, s18;
	v1 =	vadd.f32 v1, v2  }
0x1c6: {  	s9 =	sor.u32 s21, s9  }
0x1c7: {  	[tilespmem:s10+$0x100] =	vst v1;
	v1 =	vld [tilespmem:s9+$0x0]  }
0x1c8: {  	v2 =	vld.idx.msk [tilespmem:v3+s24+$0x0], $0xffff  }
0x1c9: {  	v4 =	vld.idx.msk [tilespmem:v3+s25+$0x0], $0xffff  }
0x1ca: {  	v5 =	vld [tilespmem:s9+$0x80];
	_ =	sdelay $0x4  }
0x1cb: {  	v2 =	vsub.f32 v4, v2;
	v4 =	vor.u32 $0x1, v3;
	_ =	sdelay $0x1  }
0x1cc: {  	v1 =	vadd.f32 v1, v2;
	_ =	sdelay $0x1  }
0x1cd: {  	[tilespmem:s9+$0x0] =	vst v1  }
0x1ce: {  	v1 =	vld.idx.msk [tilespmem:v4+s24+$0x0], $0xffff  }
0x1cf: {  	v2 =	vld.idx.msk [tilespmem:v4+s25+$0x0], $0xffff;
	_ =	sdelay $0x5  }
0x1d0: {  	v3 =	vor.u32 $0x2, v3;
	v1 =	vsub.f32 v2, v1;
	_ =	sdelay $0x1  }
0x1d1: {  	v2 =	vadd.f32 v5, v1  }
0x1d2: {  	v1 =	vld [tilespmem:s9+$0x100]  }
0x1d3: {  	[tilespmem:s9+$0x80] =	vst v2  }
.Ltmp5:
0x1d4: {  	v2 =	vld.idx.msk [tilespmem:v3+s24+$0x0], $0xffff;
	(pc) =	sbr.rel @p5 .LBB2_7-.Ltmp5, $3  }
0x1d5: {  	v3 =	vld.idx.msk [tilespmem:v3+s25+$0x0], $0xffff;
	_ =	sdelay $0x1  }
0x1d6: {  	s18 =	sadd.s32 $0x20, s18  }
0x1d7: {  	s10 =	sadd.s32 $0xFFFFFFF0, s18  }
0x1d8: {  	v4 =	vmov s10  }
0x1d9: {  	v4 =	vshll.u32 v4, $0x3  }
0x1da: {  	v2 =	vsub.f32 v3, v2;
	v4 =	vor.u32 v0, v4;
	_ =	sdelay $0x1  }
0x1db: {  	v1 =	vadd.f32 v1, v2;
	_ =	sdelay $0x1  }
0x1dc: {  	s11 =	sadd.s32 $0x80, s17;
	[tilespmem:s9+$0x100] =	vst v1  }
0x1dd: {  	s17 =	sand.u32 $0x3E00, s11;
	v1 =	vld.idx.msk [tilespmem:v4+s24+$0x0], $0xffff  }
0x1de: {  	s21 =	sand.u32 $0x60, s10;
	s9 =	sadd.s32 $0x16800, s17;
	v2 =	vld.idx.msk [tilespmem:v4+s25+$0x0], $0xffff  }
0x1df: {  	s10 =	sor.u32 s21, s9  }
0x1e0: {  	v3 =	vld [tilespmem:s10+$0x0];
	_ =	sdelay $0x2  }
0x1e1: {  	v1 =	vsub.f32 v2, v1;
	v2 =	vor.u32 $0x1, v4;
	_ =	sdelay $0x1  }
0x1e2: {  	v1 =	vadd.f32 v3, v1;
	_ =	sdelay $0x1  }
0x1e3: {  	[tilespmem:s10+$0x0] =	vst v1  }
0x1e4: {  	v1 =	vld.idx.msk [tilespmem:v2+s24+$0x0], $0xffff  }
0x1e5: {  	v2 =	vld.idx.msk [tilespmem:v2+s25+$0x0], $0xffff;
	_ =	sdelay $0x1  }
0x1e6: {  	v3 =	vld [tilespmem:s10+$0x80];
	_ =	sdelay $0x2  }
0x1e7: {  	v1 =	vsub.f32 v2, v1;
	v2 =	vor.u32 $0x2, v4;
	_ =	sdelay $0x1  }
0x1e8: {  	v1 =	vadd.f32 v3, v1;
	_ =	sdelay $0x1  }
0x1e9: {  	[tilespmem:s10+$0x80] =	vst v1  }
0x1ea: {  	v1 =	vld.idx.msk [tilespmem:v2+s24+$0x0], $0xffff  }
0x1eb: {  	v2 =	vld.idx.msk [tilespmem:v2+s25+$0x0], $0xffff;
	_ =	sdelay $0x1  }
0x1ec: {  	v3 =	vld [tilespmem:s10+$0x100]  }
0x1ed: {  	v61 =	vmov s18  }
0x1ee: {  	v4 =	vshll.u32 v61, $0x3  }
0x1ef: {  	v1 =	vsub.f32 v2, v1;
	v2 =	vor.u32 v0, v4;
	_ =	sdelay $0x1  }
0x1f0: {  	v1 =	vadd.f32 v3, v1;
	_ =	sdelay $0x1  }
0x1f1: {  	[tilespmem:s10+$0x100] =	vst v1  }
0x1f2: {  	v1 =	vld.idx.msk [tilespmem:v2+s24+$0x0], $0xffff  }
0x1f3: {  	s22 =	sand.u32 $0x70, s18;
	v3 =	vld.idx.msk [tilespmem:v2+s25+$0x0], $0xffff  }
0x1f4: {  	s9 =	sor.u32 s22, s9  }
0x1f5: {  	v62 =	vld [tilespmem:s9+$0x0];
	_ =	sdelay $0x2  }
0x1f6: {  	v1 =	vsub.f32 v3, v1;
	v3 =	vor.u32 $0x1, v2;
	_ =	sdelay $0x1  }
0x1f7: {  	v1 =	vadd.f32 v62, v1;
	_ =	sdelay $0x1  }
0x1f8: {  	[tilespmem:s9+$0x0] =	vst v1  }
0x1f9: {  	v1 =	vld.idx.msk [tilespmem:v3+s24+$0x0], $0xffff  }
0x1fa: {  	v3 =	vld.idx.msk [tilespmem:v3+s25+$0x0], $0xffff;
	_ =	sdelay $0x1  }
0x1fb: {  	v63 =	vld [tilespmem:s9+$0x80];
	_ =	sdelay $0x2  }
0x1fc: {  	v2 =	vor.u32 $0x2, v2;
	v1 =	vsub.f32 v3, v1;
	_ =	sdelay $0x1  }
0x1fd: {  	v1 =	vadd.f32 v63, v1;
	_ =	sdelay $0x1  }
0x1fe: {  	[tilespmem:s9+$0x80] =	vst v1  }
0x1ff: {  	v1 =	vld.idx.msk [tilespmem:v2+s24+$0x0], $0xffff  }
0x200: {  	v2 =	vld.idx.msk [tilespmem:v2+s25+$0x0], $0xffff;
	_ =	sdelay $0x1  }
0x201: {  	v3 =	vld [tilespmem:s9+$0x100];
	_ =	sdelay $0x2  }
0x202: {  	v1 =	vsub.f32 v2, v1;
	_ =	sdelay $0x1  }
0x203: {  	v1 =	vadd.f32 v3, v1;
	_ =	sdelay $0x1  }
0x204: {  	s11 =	simm.s32 @!p4 $0xC800;
	s10 =	simm.s32 @!p4 $0x1400;
	[tilespmem:s9+$0x100] =	vst v1;
	s9 =	simm.s32 @!p4 $0xA00  }
0x205: {  	[tilespmem:s11], [sflag:$0x4] =	stream.indirect.gather @!p4 [hbm4b:s6+s9], $0x4, s10, s9, $0xb8;
	[tilespmem:$0x1B800] =	vst v63  }
0x206: {  	s15 =	sadd.s32 $0x1, s15;
	s10 =	simm.s32 @!p4 $0x1E00;
	s11 =	simm.s32 @!p4 $0x11800  }
0x207: {  	[tilespmem:s11], [sflag:$0x4] =	stream.indirect.gather @!p4 [hbm4b:s6+s9], $0x4, s10, s9, $0xb8;
	[tilespmem:$0x1B800] =	vst v63  }
0x208: {  	s16 =	smul.u32 $0x2800, s16;
	p4 =	sne.s32 s15, s20  }
.Ltmp6:
0x209: {  	_ = 	snop;
	(pc) =	sbr.rel @p4 .LBB2_4-.Ltmp6, $4  }
0x20a: {  	_ = 	snop  }
0x20b: {  	s23 =	sshrl.u32 s16, $0x3  }
0x20c: {  	s9 =	sadd.s32 s4, s23  }
0x20d: {  	[hbm4b:s9+s5] =	stream.linear.scatter [tilespmem:s26], [sflag:$0x7], $0x2800, $0x38;
	[tilespmem:$0x1B800] =	vst v63  }
.LBB2_9:
.Ltmp7:
0x20e: {  	(pc) =	sbr.rel @p3 .LBB2_13-.Ltmp7, $1  }
0x20f: {  	_ =	sdelay $0x3  }
0x210: {  	_ =	swait.ge [sflag:s2], $0x2800  }
0x211: {  	s9 =	simm.s32 $0x0;
	[sflag:s2] =	ssyncset.done $0x0  }
0x212: {  	v1 =	vmov s9;
	[sflag:s2] =	ssyncadd.s32 $0xFFFFD800  }
0x213: {  	v1 =	vshll.u32 v1, $0x3;
	_ =	swait.ge [sflag:s2], $0x2800  }
0x214: {  	v1 =	vor.u32 v0, v1;
	[sflag:s2] =	ssyncset.done $0x0  }
0x215: {  	[sflag:s2] =	ssyncadd.s32 $0xFFFFD800  }
0x216: {  	_ =	swait.ge [sflag:s0], $0x2800  }
0x217: {  	[sflag:s0] =	ssyncset.done $0x0  }
0x218: {  	s14 =	simm.s32 $0x0;
	[sflag:s0] =	ssyncadd.s32 $0xFFFFD800  }
0x219: {  	s10 =	sand.u32 $0x3E00, s14;
	v2 =	vld.idx.msk [tilespmem:v1+s28+$0x0], $0xffff  }
0x21a: {  	s9 =	sand.u32 $0x60, s9;
	s10 =	sadd.s32 $0x19000, s10;
	v3 =	vld.idx.msk [tilespmem:v1+s29+$0x0], $0xffff  }
0x21b: {  	s9 =	sor.u32 s9, s10  }
0x21c: {  	v4 =	vld [tilespmem:s9+$0x0];
	_ =	sdelay $0x2  }
0x21d: {  	v2 =	vsub.f32 v3, v2;
	v3 =	vor.u32 $0x1, v1;
	_ =	sdelay $0x1  }
0x21e: {  	v2 =	vadd.f32 v4, v2;
	_ =	sdelay $0x1  }
0x21f: {  	[tilespmem:s9+$0x0] =	vst v2  }
0x220: {  	v2 =	vld.idx.msk [tilespmem:v3+s28+$0x0], $0xffff  }
0x221: {  	v3 =	vld.idx.msk [tilespmem:v3+s29+$0x0], $0xffff;
	_ =	sdelay $0x1  }
0x222: {  	v4 =	vld [tilespmem:s9+$0x80];
	_ =	sdelay $0x2  }
0x223: {  	v1 =	vor.u32 $0x2, v1;
	v2 =	vsub.f32 v3, v2;
	_ =	sdelay $0x1  }
0x224: {  	v2 =	vadd.f32 v4, v2;
	_ =	sdelay $0x1  }
0x225: {  	[tilespmem:s9+$0x80] =	vst v2  }
0x226: {  	v2 =	vld.idx.msk [tilespmem:v1+s28+$0x0], $0xffff  }
0x227: {  	v1 =	vld.idx.msk [tilespmem:v1+s29+$0x0], $0xffff;
	_ =	sdelay $0x1  }
0x228: {  	s11 =	simm.s32 $0x10;
	v3 =	vld [tilespmem:s9+$0x100]  }
0x229: {  	v4 =	vmov s11  }
0x22a: {  	v4 =	vshll.u32 v4, $0x3  }
0x22b: {  	v1 =	vsub.f32 v1, v2;
	v2 =	vor.u32 v0, v4;
	_ =	sdelay $0x1  }
0x22c: {  	v1 =	vadd.f32 v3, v1;
	_ =	sdelay $0x1  }
0x22d: {  	[tilespmem:s9+$0x100] =	vst v1  }
0x22e: {  	v1 =	vld.idx.msk [tilespmem:v2+s28+$0x0], $0xffff  }
0x22f: {  	s23 =	sand.u32 $0x70, s11;
	v3 =	vld.idx.msk [tilespmem:v2+s29+$0x0], $0xffff  }
0x230: {  	s9 =	sor.u32 s23, s10  }
0x231: {  	v4 =	vld [tilespmem:s9+$0x0];
	_ =	sdelay $0x2  }
0x232: {  	v1 =	vsub.f32 v3, v1;
	v3 =	vor.u32 $0x1, v2;
	_ =	sdelay $0x1  }
0x233: {  	v1 =	vadd.f32 v4, v1;
	_ =	sdelay $0x1  }
0x234: {  	[tilespmem:s9+$0x0] =	vst v1  }
0x235: {  	v1 =	vld.idx.msk [tilespmem:v3+s28+$0x0], $0xffff  }
0x236: {  	v3 =	vld.idx.msk [tilespmem:v3+s29+$0x0], $0xffff;
	_ =	sdelay $0x1  }
0x237: {  	v4 =	vld [tilespmem:s9+$0x80];
	_ =	sdelay $0x2  }
0x238: {  	v1 =	vsub.f32 v3, v1;
	v3 =	vor.u32 $0x2, v2;
	_ =	sdelay $0x1  }
0x239: {  	v2 =	vadd.f32 v4, v1;
	_ =	sdelay $0x1  }
0x23a: {  	[tilespmem:s9+$0x80] =	vst v2  }
0x23b: {  	v2 =	vld.idx.msk [tilespmem:v3+s28+$0x0], $0xffff  }
0x23c: {  	v3 =	vld.idx.msk [tilespmem:v3+s29+$0x0], $0xffff;
	_ =	sdelay $0x1  }
0x23d: {  	s15 =	simm.s32 $0x30;
	s11 =	simm.s32 $0x2;
	s10 =	simm.s32 $0x20;
	v1 =	vld [tilespmem:s9+$0x100]  }
.LBB2_11:
0x23e: {  	s11 =	sadd.s32 $0x2, s11;
	v4 =	vmov s10;
	s14 =	sadd.s32 $0x80, s14  }
0x23f: {  	p4 =	slt.u32 s11, $0x9E;
	v4 =	vshll.u32 v4, $0x3  }
0x240: {  	v2 =	vsub.f32 v3, v2;
	v4 =	vor.u32 v0, v4;
	_ =	sdelay $0x1  }
0x241: {  	v1 =	vadd.f32 v1, v2;
	_ =	sdelay $0x1  }
0x242: {  	[tilespmem:s9+$0x100] =	vst v1  }
0x243: {  	s9 =	sand.u32 $0x3E00, s14;
	v1 =	vld.idx.msk [tilespmem:v4+s28+$0x0], $0xffff  }
0x244: {  	s10 =	sand.u32 $0x60, s10;
	s9 =	sadd.s32 $0x19000, s9;
	v2 =	vld.idx.msk [tilespmem:v4+s29+$0x0], $0xffff  }
0x245: {  	s10 =	sor.u32 s10, s9  }
0x246: {  	v3 =	vld [tilespmem:s10+$0x0];
	_ =	sdelay $0x3  }
0x247: {  	v1 =	vsub.f32 v2, v1;
	v2 =	vor.u32 $0x1, v4;
	_ =	sdelay $0x1  }
0x248: {  	v1 =	vadd.f32 v3, v1;
	_ =	sdelay $0x1  }
0x249: {  	[tilespmem:s10+$0x0] =	vst v1  }
0x24a: {  	v1 =	vld.idx.msk [tilespmem:v2+s28+$0x0], $0xffff  }
0x24b: {  	v2 =	vld.idx.msk [tilespmem:v2+s29+$0x0], $0xffff  }
0x24c: {  	v3 =	vld [tilespmem:s10+$0x80];
	_ =	sdelay $0x4  }
0x24d: {  	v1 =	vsub.f32 v2, v1;
	v2 =	vor.u32 $0x2, v4;
	_ =	sdelay $0x1  }
0x24e: {  	v1 =	vadd.f32 v3, v1;
	_ =	sdelay $0x1  }
0x24f: {  	[tilespmem:s10+$0x80] =	vst v1;
	v1 =	vld [tilespmem:s10+$0x100]  }
0x250: {  	v3 =	vld.idx.msk [tilespmem:v2+s28+$0x0], $0xffff  }
0x251: {  	v2 =	vld.idx.msk [tilespmem:v2+s29+$0x0], $0xffff;
	_ =	sdelay $0x3  }
0x252: {  	v4 =	vmov s15  }
0x253: {  	v4 =	vshll.u32 v4, $0x3  }
0x254: {  	v2 =	vsub.f32 v2, v3;
	v3 =	vor.u32 v0, v4;
	_ =	sdelay $0x1  }
0x255: {  	s16 =	sand.u32 $0x70, s15;
	v1 =	vadd.f32 v1, v2  }
0x256: {  	s9 =	sor.u32 s16, s9  }
0x257: {  	[tilespmem:s10+$0x100] =	vst v1;
	v1 =	vld [tilespmem:s9+$0x0]  }
0x258: {  	v2 =	vld.idx.msk [tilespmem:v3+s28+$0x0], $0xffff  }
0x259: {  	v4 =	vld.idx.msk [tilespmem:v3+s29+$0x0], $0xffff  }
0x25a: {  	v5 =	vld [tilespmem:s9+$0x80];
	_ =	sdelay $0x4  }
0x25b: {  	v2 =	vsub.f32 v4, v2;
	v4 =	vor.u32 $0x1, v3;
	_ =	sdelay $0x1  }
0x25c: {  	v1 =	vadd.f32 v1, v2;
	_ =	sdelay $0x1  }
0x25d: {  	[tilespmem:s9+$0x0] =	vst v1  }
0x25e: {  	v1 =	vld.idx.msk [tilespmem:v4+s28+$0x0], $0xffff  }
0x25f: {  	v2 =	vld.idx.msk [tilespmem:v4+s29+$0x0], $0xffff;
	_ =	sdelay $0x5  }
0x260: {  	v3 =	vor.u32 $0x2, v3;
	v1 =	vsub.f32 v2, v1;
	_ =	sdelay $0x1  }
0x261: {  	v2 =	vadd.f32 v5, v1  }
0x262: {  	v1 =	vld [tilespmem:s9+$0x100]  }
0x263: {  	[tilespmem:s9+$0x80] =	vst v2  }
.Ltmp8:
0x264: {  	v2 =	vld.idx.msk [tilespmem:v3+s28+$0x0], $0xffff;
	(pc) =	sbr.rel @p4 .LBB2_11-.Ltmp8, $3  }
0x265: {  	v3 =	vld.idx.msk [tilespmem:v3+s29+$0x0], $0xffff;
	_ =	sdelay $0x1  }
0x266: {  	s15 =	sadd.s32 $0x20, s15  }
0x267: {  	s10 =	sadd.s32 $0xFFFFFFF0, s15  }
0x268: {  	v4 =	vmov s10  }
0x269: {  	v4 =	vshll.u32 v4, $0x3  }
0x26a: {  	v2 =	vsub.f32 v3, v2;
	v4 =	vor.u32 v0, v4;
	_ =	sdelay $0x1  }
0x26b: {  	v1 =	vadd.f32 v1, v2;
	_ =	sdelay $0x1  }
0x26c: {  	s11 =	sadd.s32 $0x80, s14;
	[tilespmem:s9+$0x100] =	vst v1  }
0x26d: {  	s18 =	sand.u32 $0x3E00, s11;
	v1 =	vld.idx.msk [tilespmem:v4+s28+$0x0], $0xffff  }
0x26e: {  	s21 =	sand.u32 $0x60, s10;
	s9 =	sadd.s32 $0x19000, s18;
	v2 =	vld.idx.msk [tilespmem:v4+s29+$0x0], $0xffff  }
0x26f: {  	s10 =	sor.u32 s21, s9  }
0x270: {  	v3 =	vld [tilespmem:s10+$0x0];
	_ =	sdelay $0x2  }
0x271: {  	v1 =	vsub.f32 v2, v1;
	v2 =	vor.u32 $0x1, v4;
	_ =	sdelay $0x1  }
0x272: {  	v1 =	vadd.f32 v3, v1;
	_ =	sdelay $0x1  }
0x273: {  	[tilespmem:s10+$0x0] =	vst v1  }
0x274: {  	v1 =	vld.idx.msk [tilespmem:v2+s28+$0x0], $0xffff  }
0x275: {  	v2 =	vld.idx.msk [tilespmem:v2+s29+$0x0], $0xffff;
	_ =	sdelay $0x1  }
0x276: {  	v3 =	vld [tilespmem:s10+$0x80];
	_ =	sdelay $0x2  }
0x277: {  	v1 =	vsub.f32 v2, v1;
	v2 =	vor.u32 $0x2, v4;
	_ =	sdelay $0x1  }
0x278: {  	v1 =	vadd.f32 v3, v1;
	_ =	sdelay $0x1  }
0x279: {  	[tilespmem:s10+$0x80] =	vst v1  }
0x27a: {  	v1 =	vld.idx.msk [tilespmem:v2+s28+$0x0], $0xffff  }
0x27b: {  	v2 =	vld.idx.msk [tilespmem:v2+s29+$0x0], $0xffff;
	_ =	sdelay $0x1  }
0x27c: {  	v3 =	vld [tilespmem:s10+$0x100]  }
0x27d: {  	v61 =	vmov s15  }
0x27e: {  	v4 =	vshll.u32 v61, $0x3  }
0x27f: {  	v1 =	vsub.f32 v2, v1;
	v2 =	vor.u32 v0, v4;
	_ =	sdelay $0x1  }
0x280: {  	v1 =	vadd.f32 v3, v1;
	_ =	sdelay $0x1  }
0x281: {  	[tilespmem:s10+$0x100] =	vst v1  }
0x282: {  	v1 =	vld.idx.msk [tilespmem:v2+s28+$0x0], $0xffff  }
0x283: {  	s22 =	sand.u32 $0x70, s15;
	v3 =	vld.idx.msk [tilespmem:v2+s29+$0x0], $0xffff  }
0x284: {  	s9 =	sor.u32 s22, s9  }
0x285: {  	v62 =	vld [tilespmem:s9+$0x0];
	_ =	sdelay $0x2  }
0x286: {  	v1 =	vsub.f32 v3, v1;
	v3 =	vor.u32 $0x1, v2;
	_ =	sdelay $0x1  }
0x287: {  	v1 =	vadd.f32 v62, v1;
	_ =	sdelay $0x1  }
0x288: {  	[tilespmem:s9+$0x0] =	vst v1  }
0x289: {  	v1 =	vld.idx.msk [tilespmem:v3+s28+$0x0], $0xffff  }
0x28a: {  	v3 =	vld.idx.msk [tilespmem:v3+s29+$0x0], $0xffff;
	_ =	sdelay $0x1  }
0x28b: {  	v63 =	vld [tilespmem:s9+$0x80];
	_ =	sdelay $0x2  }
0x28c: {  	v2 =	vor.u32 $0x2, v2;
	v1 =	vsub.f32 v3, v1;
	_ =	sdelay $0x1  }
0x28d: {  	v1 =	vadd.f32 v63, v1;
	_ =	sdelay $0x1  }
0x28e: {  	[tilespmem:s9+$0x80] =	vst v1  }
0x28f: {  	v1 =	vld.idx.msk [tilespmem:v2+s28+$0x0], $0xffff  }
0x290: {  	v2 =	vld.idx.msk [tilespmem:v2+s29+$0x0], $0xffff;
	_ =	sdelay $0x1  }
0x291: {  	v3 =	vld [tilespmem:s9+$0x100];
	_ =	sdelay $0x2  }
0x292: {  	v1 =	vsub.f32 v2, v1  }
.Ltmp9:
0x293: {  	_ = 	snop;
	(pc) =	sbr.rel .LBB2_13-.Ltmp9, $3  }
0x294: {  	v1 =	vadd.f32 v3, v1;
	_ =	sdelay $0x1  }
0x295: {  	s23 =	rddreg [dreg:$0xe];
	[tilespmem:s9+$0x100] =	vst v1  }
0x296: {  	[hbm4b:s23+s5] =	stream.linear.scatter [tilespmem:s19], [sflag:$0x8], $0x2800, $0x38;
	[tilespmem:$0x1B800] =	vst v63  }
.LBB2_14:
0x297: {  	_ =	sfence.sel $0x180000  }
0x298: {  	[bflag:$0x0] =	sbarrier.arrive $0xFFFF  }
0x299: {  	_ =	strace $0x90000047  }
0x29a: {  	s0 =	stileid.u32;
	[bflag:$0x2] =	sbarrier.arrive $0xFFFF  }
0x29b: {  	p0 =	sne.s32 s0, $0x0;
	s0 =	rddreg [dreg:$0x4]  }
0x29c: {  	s0 =	sadd.s32 @!p0 $0x100000, s0  }
0x29d: {  	[sflag:s0] =	ssyncadd.tile.s32 @!p0 $0x1;
	_ =	shalt  }
.Lfunc_end2:
_tile_overlayer_lowered:
.L_overlay_start_2:
0x29e: {  	(tag) =	ssettag $0x2  }
0x29f: {  	s0 =	rddreg [dreg:$0x0];
	s2 =	stileid.u32  }
0x2a0: {  	s1 =	rddreg [dreg:$0x1];
	p0 =	sne.s32 s2, $0x0  }
0x2a1: {  	s3 =	rddreg [dreg:$0x2];
	[bflag:$0x3] =	sbarrier.arrive $0xFFFF;
	s2 =	simm.s32 @!p0 $0x1C09  }
0x2a2: {  	[timem:s3], [sflag:s2] =	dma.local @!p0 [hbm:s0], s1  }
0x2a3: {  	s0 =	simm.s32 @!p0 $0x9  }
0x2a4: {  	_ =	swait.ge @!p0 [sflag:s0], s1  }
0x2a5: {  	s1 =	ssub.s32 @!p0 $0x0, s1;
	[sflag:s0] =	ssyncset.done @!p0 $0x0  }
0x2a6: {  	[sflag:s0] =	ssyncadd.s32 @!p0 s1  }
0x2a7: {  	[bflag:$0x3] =	sbarrier.arrive $0xFFFF  }
0x2a8: {  	_ =	shalt  }

</sc_bundles>
